<compile_context>
chip_gen: v7x
topology: tpu7x:2x2x1
jax: 0.10.2.dev20260603
libtpu: 0.0.44.dev20260713+nightly
codegen_flags: <defaults>
</compile_context>

<pallas_src>
from functools import partial

import jax
import jax.numpy as jnp
from jax import lax
from jax.experimental import pallas as pl
from jax.experimental.pallas import tpu as pltpu
from jax.experimental.pallas import tpu_sc as plsc

_N = 10000
_E = 320000
_H = 128
_G = 128
_C = 40
_NC = 2
_NS = 16
_NW = _NC * _NS
_BLK = 128
_PB = 80
_CHK = 40
_EPW = _PB * _BLK
_EP = _NW * _EPW
_RPT = 632
_NR = _NS * _RPT
_EPS = 1e-5


def _sc_mesh():
    return plsc.VectorSubcoreMesh(core_axis_name="c", subcore_axis_name="s",
                                  num_cores=_NC, num_subcores=_NS)


def _deg_partials(dstp, ones128, zeros128):

    @partial(
        pl.kernel,
        out_type=jax.ShapeDtypeStruct((2 * _NR, _H), jnp.float32),
        mesh=_sc_mesh(),
        scratch_types=[
            pltpu.VMEM((_PB, _BLK), jnp.int32),
            pltpu.VMEM((_BLK, _H), jnp.float32),
            pltpu.VMEM_SHARED((_NR, _H), jnp.float32),
        ],
    )
    def deg_kernel(dst_hbm, ones_hbm, zer_hbm, out_hbm, dst_v, buf_v, acc_sh):
        c = lax.axis_index("c")
        s = lax.axis_index("s")
        wid = c * _NS + s
        pltpu.sync_copy(zer_hbm, acc_sh.at[pl.ds(s * _RPT, _RPT)])
        pltpu.sync_copy(ones_hbm, buf_v)
        pltpu.sync_copy(dst_hbm.at[wid], dst_v)
        plsc.subcore_barrier()

        def step(j, carry):
            pltpu.sync_copy(buf_v, acc_sh.at[dst_v.at[j]], add=True)
            return carry

        lax.fori_loop(0, _PB, step, 0)
        plsc.subcore_barrier()
        base = c * _NR + s * _RPT
        pltpu.sync_copy(acc_sh.at[pl.ds(s * _RPT, _RPT)],
                        out_hbm.at[pl.ds(base, _RPT)])

    return deg_kernel(dstp, ones128, zeros128)


def _conv_partials(ap, srcp, dstp, zeros128):

    @partial(
        pl.kernel,
        out_type=jax.ShapeDtypeStruct((2 * _NR, _H), jnp.float32),
        mesh=_sc_mesh(),
        scratch_types=[
            pltpu.VMEM((_CHK, _BLK), jnp.int32),
            pltpu.VMEM((_CHK, _BLK), jnp.int32),
            pltpu.VMEM((_BLK, _H), jnp.float32),
            pltpu.VMEM((_BLK, _H), jnp.float32),
            pltpu.VMEM_SHARED((_NR, _H), jnp.float32),
            pltpu.SemaphoreType.DMA,
            pltpu.SemaphoreType.DMA,
        ],
    )
    def conv_kernel(ap_hbm, src_hbm, dst_hbm, zer_hbm, out_hbm,
                    src_v, dst_v, buf0, buf1, acc_sh, sem0, sem1):
        c = lax.axis_index("c")
        s = lax.axis_index("s")
        wid = c * _NS + s
        pltpu.sync_copy(zer_hbm, acc_sh.at[pl.ds(s * _RPT, _RPT)])
        plsc.subcore_barrier()

        for ch in range(_PB // _CHK):
            pltpu.sync_copy(src_hbm.at[wid, pl.ds(ch * _CHK, _CHK)], src_v)
            pltpu.sync_copy(dst_hbm.at[wid, pl.ds(ch * _CHK, _CHK)], dst_v)
            pltpu.async_copy(ap_hbm.at[src_v.at[0]], buf0, sem0)

            def pair(jj, carry):
                j0 = 2 * jj
                j1 = j0 + 1
                pltpu.async_copy(ap_hbm.at[src_v.at[j1]], buf1, sem1)
                pltpu.make_async_copy(ap_hbm.at[src_v.at[j0]], buf0, sem0).wait()
                pltpu.sync_copy(buf0, acc_sh.at[dst_v.at[j0]], add=True)
                pltpu.async_copy(ap_hbm.at[src_v.at[j0 + 2]], buf0, sem0)
                pltpu.make_async_copy(ap_hbm.at[src_v.at[j1]], buf1, sem1).wait()
                pltpu.sync_copy(buf1, acc_sh.at[dst_v.at[j1]], add=True)
                return carry

            lax.fori_loop(0, _CHK // 2 - 1, pair, 0)
            j0 = _CHK - 2
            j1 = _CHK - 1
            pltpu.async_copy(ap_hbm.at[src_v.at[j1]], buf1, sem1)
            pltpu.make_async_copy(ap_hbm.at[src_v.at[j0]], buf0, sem0).wait()
            pltpu.sync_copy(buf0, acc_sh.at[dst_v.at[j0]], add=True)
            pltpu.make_async_copy(ap_hbm.at[src_v.at[j1]], buf1, sem1).wait()
            pltpu.sync_copy(buf1, acc_sh.at[dst_v.at[j1]], add=True)

        plsc.subcore_barrier()
        base = c * _NR + s * _RPT
        pltpu.sync_copy(acc_sh.at[pl.ds(s * _RPT, _RPT)],
                        out_hbm.at[pl.ds(base, _RPT)])

    return conv_kernel(ap, srcp, dstp, zeros128)


def _pre_kernel(deg16, x, W0):

    def body(degr, xr, wr, disr, apr):
        d = degr[...]
        deg = d[0:_N, 0:1] + d[_NR:_NR + _N, 0:1] + 1.0
        dis = lax.rsqrt(deg)
        disr[...] = dis
        a = jnp.dot(xr[...], wr[...], preferred_element_type=jnp.float32)
        apr[...] = a * dis

    return pl.pallas_call(
        body,
        out_shape=[
            jax.ShapeDtypeStruct((_N, 1), jnp.float32),
            jax.ShapeDtypeStruct((_N, _H), jnp.float32),
        ],
    )(deg16, x, W0)


def _mid_kernel(P, ap_prev, carry, dis, g, be, W, Wr, b_next):

    def body(Pr, apr, cr, disr, gr, ber, Wrf, Wrr, bnr, ap_out, carry_out):
        dis = disr[...]
        t = dis * (Pr[0:_N] + Pr[_NR:_NR + _N] + apr[...]) + cr[...]
        m = jnp.mean(t, axis=0)
        v = jnp.mean((t - m) ** 2, axis=0)
        h = jax.nn.relu(gr[...] * (t - m) / jnp.sqrt(v + _EPS) + ber[...])
        ap_out[...] = dis * jnp.dot(h, Wrf[...],
                                    preferred_element_type=jnp.float32)
        carry_out[...] = jnp.dot(h, Wrr[...],
                                 preferred_element_type=jnp.float32) + bnr[...]

    return pl.pallas_call(
        body,
        out_shape=[
            jax.ShapeDtypeStruct((_N, _H), jnp.float32),
            jax.ShapeDtypeStruct((_N, _H), jnp.float32),
        ],
    )(P, ap_prev, carry, dis, g, be, W, Wr, b_next)


def _post_kernel(P, ap2, carry2, dis, g2, be2, batch2d, Wm1, bm1, gm1, bem1, Wm2, bm2):

    def body(Pr, apr, cr, disr, gr, ber, br, Wm1r, bm1r, gm1r, bem1r,
             Wm2r, bm2r, outr, p_ref):
        dis = disr[...]
        t = dis * (Pr[0:_N] + Pr[_NR:_NR + _N] + apr[...]) + cr[...]
        m = jnp.mean(t, axis=0)
        v = jnp.mean((t - m) ** 2, axis=0)
        h = jax.nn.relu(gr[...] * (t - m) / jnp.sqrt(v + _EPS) + ber[...])
        bids = br[...]

        def pool_body(gi, carry):
            mask = bids == gi
            mx = jnp.max(jnp.where(mask, h, -jnp.inf), axis=0)
            p_ref[pl.ds(gi, 1), :] = mx[None, :]
            return carry

        lax.fori_loop(0, _G, pool_body, 0)
        p = p_ref[...]
        m1 = jnp.dot(p, Wm1r[...], preferred_element_type=jnp.float32) + bm1r[...]
        mm = jnp.mean(m1, axis=0)
        vv = jnp.mean((m1 - mm) ** 2, axis=0)
        hm = jax.nn.relu(gm1r[...] * (m1 - mm) / jnp.sqrt(vv + _EPS) + bem1r[...])
        outr[...] = jnp.dot(hm, Wm2r[...],
                            preferred_element_type=jnp.float32) + bm2r[...]

    return pl.pallas_call(
        body,
        out_shape=jax.ShapeDtypeStruct((_G, _C), jnp.float32),
        scratch_shapes=[pltpu.VMEM((_G, _H), jnp.float32)],
    )(P, ap2, carry2, dis, g2, be2, batch2d, Wm1, bm1, gm1, bem1, Wm2, bm2)


def kernel(x, edge_index, batch, W0, b0, g0, be0, W1, b1, Wr1, g1, be1,
           W2, b2, Wr2, g2, be2, Wm1, bm1, gm1, bem1, Wm2, bm2):
    src = edge_index[0].astype(jnp.int32)
    dst = edge_index[1].astype(jnp.int32)
    pad = _EP - _E
    srcp = jnp.concatenate([src, jnp.zeros((pad,), jnp.int32)])
    dstp = jnp.concatenate([dst, jnp.full((pad,), _N, jnp.int32)])
    srcp = srcp.reshape(_NW, _PB, _BLK)
    dstp = dstp.reshape(_NW, _PB, _BLK)

    ones128 = jnp.ones((_BLK, _H), jnp.float32)
    zeros128 = jnp.zeros((_RPT, _H), jnp.float32)

    degP = _deg_partials(dstp, ones128, zeros128)
    dis, ap0 = _pre_kernel(degP, x, W0)

    P0 = _conv_partials(ap0, srcp, dstp, zeros128)
    ap1, carry1 = _mid_kernel(P0, ap0, b0[None, :], dis, g0, be0, W1, Wr1, b1)

    P1 = _conv_partials(ap1, srcp, dstp, zeros128)
    ap2, carry2 = _mid_kernel(P1, ap1, carry1, dis, g1, be1, W2, Wr2, b2)

    P2 = _conv_partials(ap2, srcp, dstp, zeros128)
    return _post_kernel(P2, ap2, carry2, dis, g2, be2,
                        batch.astype(jnp.int32)[:, None],
                        Wm1, bm1, gm1, bem1, Wm2, bm2)

# --- scband reference (transcript-rebuilt; emitter-appended) ---
"""Pipeline reference for scband-res-gcn-30202210025889 (READ-ONLY COPY).

The authoritative reference and input builder live on the scoring server;
editing this copy changes nothing except your own understanding.
"""

import jax, jax.numpy as jnp
import numpy as np

N = 10000
E = 320000
D = 128
H = 128
G = 128
C = 40

def _gcn_conv(x, src, dst, W, b):
    n = x.shape[0]
    loop = jnp.arange(n)
    s = jnp.concatenate([src, loop])
    d = jnp.concatenate([dst, loop])
    deg = jax.ops.segment_sum(jnp.ones_like(s, dtype=jnp.float32), d, num_segments=n)
    dis = jnp.where(deg > 0, 1.0 / jnp.sqrt(deg), 0.0)
    norm = dis[s] * dis[d]
    h = x @ W
    msg = h[s] * norm[:, None]
    return jax.ops.segment_sum(msg, d, num_segments=n) + b

def _bn(x, g, b):
    m = jnp.mean(x, axis=0)
    v = jnp.var(x, axis=0)
    return g * (x - m) / jnp.sqrt(v + 1e-5) + b

def setup_inputs(seed: int = 0):
    key = jax.random.key(seed)
    ks = jax.random.split(key, 16)
    def lin(k, i, o):
        return (jax.random.uniform(k, (i, o), jnp.float32) * 2.0 - 1.0) / np.sqrt(i)
    return {
        "x": jax.random.normal(ks[0], (N, D), jnp.float32),
        "edge_index": jax.random.randint(ks[1], (2, E), 0, N),
        "batch": jnp.sort(jax.random.randint(ks[2], (N,), 0, G)),
        "W0": lin(ks[3], D, H), "b0": jnp.zeros((H,), jnp.float32),
        "g0": jnp.ones((H,), jnp.float32), "be0": jnp.zeros((H,), jnp.float32),
        "W1": lin(ks[4], H, H), "b1": jnp.zeros((H,), jnp.float32),
        "Wr1": lin(ks[5], H, H),
        "g1": jnp.ones((H,), jnp.float32), "be1": jnp.zeros((H,), jnp.float32),
        "W2": lin(ks[6], H, H), "b2": jnp.zeros((H,), jnp.float32),
        "Wr2": lin(ks[7], H, H),
        "g2": jnp.ones((H,), jnp.float32), "be2": jnp.zeros((H,), jnp.float32),
        "Wm1": lin(ks[8], H, H), "bm1": jnp.zeros((H,), jnp.float32),
        "gm1": jnp.ones((H,), jnp.float32), "bem1": jnp.zeros((H,), jnp.float32),
        "Wm2": lin(ks[9], H, C), "bm2": jnp.zeros((C,), jnp.float32),
    }

def reference(x, edge_index, batch, W0, b0, g0, be0, W1, b1, Wr1, g1, be1, W2, b2, Wr2, g2, be2, Wm1, bm1, gm1, bem1, Wm2, bm2):
    src = edge_index[0]
    dst = edge_index[1]
    # initial GCN block (no residual), dropout is identity in eval
    h = _gcn_conv(x, src, dst, W0, b0)
    h = jax.nn.relu(_bn(h, g0, be0))
    # hidden block 1 (residual)
    r = h
    h = _gcn_conv(h, src, dst, W1, b1) + r @ Wr1
    h = jax.nn.relu(_bn(h, g1, be1))
    # hidden block 2 (residual)
    r = h
    h = _gcn_conv(h, src, dst, W2, b2) + r @ Wr2
    h = jax.nn.relu(_bn(h, g2, be2))
    # global max pool over graphs
    p = jax.ops.segment_max(h, batch, num_segments=G)
    # MLP head: Linear -> BN -> ReLU -> (dropout identity) -> Linear
    m = p @ Wm1 + bm1
    m = jax.nn.relu(_bn(m, gm1, bem1))
    return m @ Wm2 + bm2

if __name__ == "__main__":
    import jax
    _d = setup_inputs()
    print(jax.jit(kernel)(*tuple(_d.values())))

</pallas_src>

<mosaic_0001>
#map = affine_map<(d0, d1) -> (0, 0)>
#map1 = affine_map<(d0, d1) -> (0, 0, 0)>
module attributes {stable_mosaic.version = 14 : i64} {
  func.func @conv_kernel(%arg0: i32, %arg1: i32, %arg2: memref<10000x128xf32, #tpu.memory_space<hbm>>, %arg3: memref<32x80x128xi32, #tpu.memory_space<hbm>>, %arg4: memref<32x80x128xi32, #tpu.memory_space<hbm>>, %arg5: memref<632x128xf32, #tpu.memory_space<hbm>>, %arg6: memref<20224x128xf32, #tpu.memory_space<hbm>>, %arg7: memref<40x128xi32, #tpu.memory_space<vmem>>, %arg8: memref<40x128xi32, #tpu.memory_space<vmem>>, %arg9: memref<128x128xf32, #tpu.memory_space<vmem>>, %arg10: memref<128x128xf32, #tpu.memory_space<vmem>>, %arg11: memref<10112x128xf32, #tpu.memory_space<vmem_shared>>, %arg12: memref<!tpu.dma_semaphore, #tpu.memory_space<semaphore_mem>>, %arg13: memref<!tpu.dma_semaphore, #tpu.memory_space<semaphore_mem>>) attributes {dimension_semantics = [#tpu.dimension_semantics<core_parallel>, #tpu.dimension_semantics<subcore_parallel>], iteration_bounds = array<i64: 2, 16>, scalar_prefetch = 0 : i64, scratch_operands = 7 : i64, tpu.core_type = #tpu.core_type<sc_vector_subcore>, window_params = [{transform_indices = #map}, {transform_indices = #map1}, {transform_indices = #map1}, {transform_indices = #map}, {transform_indices = #map}]} {
    %mul3A = arith.constant 16 : i32
    %mul3A_0 = arith.muli %arg0, %mul3A : i32
    %add3A = arith.addi %mul3A_0, %arg1 : i32
    %mul3A_1 = arith.constant 632 : i32
    %mul3A_2 = arith.muli %arg1, %mul3A_1 : i32
    "tpu.region"() ({
      %run_scoped3A_79 = tpu.sem_alloc : memref<!tpu.dma_semaphore, #tpu.memory_space<semaphore_mem>>
      %dma_start3A_80 = arith.constant 0 : i32
      %dma_start3A_81 = tpu.memref_slice %arg11[%mul3A_2, %dma_start3A_80] : memref<10112x128xf32, #tpu.memory_space<vmem_shared>> -> memref<632x128xf32, #tpu.memory_space<vmem_shared>>
      tpu.enqueue_dma source(%arg5 : memref<632x128xf32, #tpu.memory_space<hbm>>) target(%dma_start3A_81 : memref<632x128xf32, #tpu.memory_space<vmem_shared>>) target_semaphore(%run_scoped3A_79 : memref<!tpu.dma_semaphore, #tpu.memory_space<semaphore_mem>>)
      %dma_wait3A_82 = arith.constant 0 : i32
      %dma_wait3A_83 = tpu.memref_slice %arg11[%mul3A_2, %dma_wait3A_82] : memref<10112x128xf32, #tpu.memory_space<vmem_shared>> -> memref<632x128xf32, #tpu.memory_space<vmem_shared>>
      tpu.wait_dma2 semaphore(%run_scoped3A_79 : memref<!tpu.dma_semaphore, #tpu.memory_space<semaphore_mem>>) src(%arg5 : memref<632x128xf32, #tpu.memory_space<hbm>>) dst(%dma_wait3A_83 : memref<632x128xf32, #tpu.memory_space<vmem_shared>>)
      tpu.yield
    }) : () -> ()
    %barrier3A = arith.constant 0 : index
    tpu.barrier barrier_id(%barrier3A)
    "tpu.region"() ({
      %run_scoped3A_79 = tpu.sem_alloc : memref<!tpu.dma_semaphore, #tpu.memory_space<semaphore_mem>>
      %dma_start3A_80 = arith.constant 0 : i32
      %dma_start3A_81 = arith.constant 0 : i32
      %dma_start3A_82 = tpu.memref_slice %arg3[%add3A, %dma_start3A_80, %dma_start3A_81] : memref<32x80x128xi32, #tpu.memory_space<hbm>> -> memref<1x40x128xi32, #tpu.memory_space<hbm>>
      %dma_start3A_83 = tpu.memref_squeeze %dma_start3A_82 : memref<1x40x128xi32, #tpu.memory_space<hbm>> -> memref<40x128xi32, #tpu.memory_space<hbm>>
      %dma_start3A_84 = arith.constant 0 : i32
      %dma_start3A_85 = arith.constant 0 : i32
      %dma_start3A_86 = tpu.memref_slice %arg3[%add3A, %dma_start3A_84, %dma_start3A_85] : memref<32x80x128xi32, #tpu.memory_space<hbm>> -> memref<1x40x128xi32, #tpu.memory_space<hbm>>
      %dma_start3A_87 = tpu.memref_squeeze %dma_start3A_86 : memref<1x40x128xi32, #tpu.memory_space<hbm>> -> memref<40x128xi32, #tpu.memory_space<hbm>>
      tpu.enqueue_dma source(%dma_start3A_87 : memref<40x128xi32, #tpu.memory_space<hbm>>) target(%arg7 : memref<40x128xi32, #tpu.memory_space<vmem>>) target_semaphore(%run_scoped3A_79 : memref<!tpu.dma_semaphore, #tpu.memory_space<semaphore_mem>>)
      %dma_wait3A_88 = arith.constant 0 : i32
      %dma_wait3A_89 = arith.constant 0 : i32
      %dma_wait3A_90 = tpu.memref_slice %arg3[%add3A, %dma_wait3A_88, %dma_wait3A_89] : memref<32x80x128xi32, #tpu.memory_space<hbm>> -> memref<1x40x128xi32, #tpu.memory_space<hbm>>
      %dma_wait3A_91 = tpu.memref_squeeze %dma_wait3A_90 : memref<1x40x128xi32, #tpu.memory_space<hbm>> -> memref<40x128xi32, #tpu.memory_space<hbm>>
      %dma_wait3A_92 = arith.constant 0 : i32
      %dma_wait3A_93 = arith.constant 0 : i32
      %dma_wait3A_94 = tpu.memref_slice %arg3[%add3A, %dma_wait3A_92, %dma_wait3A_93] : memref<32x80x128xi32, #tpu.memory_space<hbm>> -> memref<1x40x128xi32, #tpu.memory_space<hbm>>
      %dma_wait3A_95 = tpu.memref_squeeze %dma_wait3A_94 : memref<1x40x128xi32, #tpu.memory_space<hbm>> -> memref<40x128xi32, #tpu.memory_space<hbm>>
      tpu.wait_dma2 semaphore(%run_scoped3A_79 : memref<!tpu.dma_semaphore, #tpu.memory_space<semaphore_mem>>) src(%dma_wait3A_95 : memref<40x128xi32, #tpu.memory_space<hbm>>) dst(%arg7 : memref<40x128xi32, #tpu.memory_space<vmem>>)
      tpu.yield
    }) : () -> ()
    "tpu.region"() ({
      %run_scoped3A_79 = tpu.sem_alloc : memref<!tpu.dma_semaphore, #tpu.memory_space<semaphore_mem>>
      %dma_start3A_80 = arith.constant 0 : i32
      %dma_start3A_81 = arith.constant 0 : i32
      %dma_start3A_82 = tpu.memref_slice %arg4[%add3A, %dma_start3A_80, %dma_start3A_81] : memref<32x80x128xi32, #tpu.memory_space<hbm>> -> memref<1x40x128xi32, #tpu.memory_space<hbm>>
      %dma_start3A_83 = tpu.memref_squeeze %dma_start3A_82 : memref<1x40x128xi32, #tpu.memory_space<hbm>> -> memref<40x128xi32, #tpu.memory_space<hbm>>
      %dma_start3A_84 = arith.constant 0 : i32
      %dma_start3A_85 = arith.constant 0 : i32
      %dma_start3A_86 = tpu.memref_slice %arg4[%add3A, %dma_start3A_84, %dma_start3A_85] : memref<32x80x128xi32, #tpu.memory_space<hbm>> -> memref<1x40x128xi32, #tpu.memory_space<hbm>>
      %dma_start3A_87 = tpu.memref_squeeze %dma_start3A_86 : memref<1x40x128xi32, #tpu.memory_space<hbm>> -> memref<40x128xi32, #tpu.memory_space<hbm>>
      tpu.enqueue_dma source(%dma_start3A_87 : memref<40x128xi32, #tpu.memory_space<hbm>>) target(%arg8 : memref<40x128xi32, #tpu.memory_space<vmem>>) target_semaphore(%run_scoped3A_79 : memref<!tpu.dma_semaphore, #tpu.memory_space<semaphore_mem>>)
      %dma_wait3A_88 = arith.constant 0 : i32
      %dma_wait3A_89 = arith.constant 0 : i32
      %dma_wait3A_90 = tpu.memref_slice %arg4[%add3A, %dma_wait3A_88, %dma_wait3A_89] : memref<32x80x128xi32, #tpu.memory_space<hbm>> -> memref<1x40x128xi32, #tpu.memory_space<hbm>>
      %dma_wait3A_91 = tpu.memref_squeeze %dma_wait3A_90 : memref<1x40x128xi32, #tpu.memory_space<hbm>> -> memref<40x128xi32, #tpu.memory_space<hbm>>
      %dma_wait3A_92 = arith.constant 0 : i32
      %dma_wait3A_93 = arith.constant 0 : i32
      %dma_wait3A_94 = tpu.memref_slice %arg4[%add3A, %dma_wait3A_92, %dma_wait3A_93] : memref<32x80x128xi32, #tpu.memory_space<hbm>> -> memref<1x40x128xi32, #tpu.memory_space<hbm>>
      %dma_wait3A_95 = tpu.memref_squeeze %dma_wait3A_94 : memref<1x40x128xi32, #tpu.memory_space<hbm>> -> memref<40x128xi32, #tpu.memory_space<hbm>>
      tpu.wait_dma2 semaphore(%run_scoped3A_79 : memref<!tpu.dma_semaphore, #tpu.memory_space<semaphore_mem>>) src(%dma_wait3A_95 : memref<40x128xi32, #tpu.memory_space<hbm>>) dst(%arg8 : memref<40x128xi32, #tpu.memory_space<vmem>>)
      tpu.yield
    }) : () -> ()
    %dma_start3A = arith.constant 0 : i32
    %dma_start3A_3 = arith.constant 0 : i32
    %dma_start3A_4 = tpu.memref_slice %arg7[%dma_start3A, %dma_start3A_3] : memref<40x128xi32, #tpu.memory_space<vmem>> -> memref<1x128xi32, #tpu.memory_space<vmem>>
    %dma_start3A_5 = tpu.memref_squeeze %dma_start3A_4 : memref<1x128xi32, #tpu.memory_space<vmem>> -> memref<128xi32, #tpu.memory_space<vmem>>
    %dma_start3A_6 = arith.constant 0 : i32
    %dma_start3A_7 = arith.constant 0 : i32
    %dma_start3A_8 = tpu.memref_slice %arg2[%dma_start3A_6, %dma_start3A_7] : memref<10000x128xf32, #tpu.memory_space<hbm>> -> memref<10000x128xf32, #tpu.memory_space<hbm>>
    tpu.enqueue_indirect_dma source(%dma_start3A_8 : memref<10000x128xf32, #tpu.memory_space<hbm>>) target(%arg9 : memref<128x128xf32, #tpu.memory_space<vmem>>) offsets(%dma_start3A_5 : memref<128xi32, #tpu.memory_space<vmem>>) semaphore(%arg12 : memref<!tpu.dma_semaphore, #tpu.memory_space<semaphore_mem>>)
    %scan3A = arith.constant 0 : i32
    %scan3A_9 = arith.constant 0 : i32
    %scan3A_10 = arith.constant 19 : i32
    %scan3A_11 = arith.addi %scan3A_9, %scan3A_10 : i32
    %scan3A_12 = arith.constant 1 : i32
    scf.for %scan3A_79 = %scan3A_9 to %scan3A_11 step %scan3A_12  : i32 {
      %mul3A_80 = arith.constant 2 : i32
      %mul3A_81 = arith.muli %mul3A_80, %scan3A_79 : i32
      %add3A_82 = arith.constant 1 : i32
      %add3A_83 = arith.addi %mul3A_81, %add3A_82 : i32
      %dma_start3A_84 = arith.constant 0 : i32
      %dma_start3A_85 = tpu.memref_slice %arg7[%add3A_83, %dma_start3A_84] : memref<40x128xi32, #tpu.memory_space<vmem>> -> memref<1x128xi32, #tpu.memory_space<vmem>>
      %dma_start3A_86 = tpu.memref_squeeze %dma_start3A_85 : memref<1x128xi32, #tpu.memory_space<vmem>> -> memref<128xi32, #tpu.memory_space<vmem>>
      %dma_start3A_87 = arith.constant 0 : i32
      %dma_start3A_88 = arith.constant 0 : i32
      %dma_start3A_89 = tpu.memref_slice %arg2[%dma_start3A_87, %dma_start3A_88] : memref<10000x128xf32, #tpu.memory_space<hbm>> -> memref<10000x128xf32, #tpu.memory_space<hbm>>
      tpu.enqueue_indirect_dma source(%dma_start3A_89 : memref<10000x128xf32, #tpu.memory_space<hbm>>) target(%arg10 : memref<128x128xf32, #tpu.memory_space<vmem>>) offsets(%dma_start3A_86 : memref<128xi32, #tpu.memory_space<vmem>>) semaphore(%arg13 : memref<!tpu.dma_semaphore, #tpu.memory_space<semaphore_mem>>)
      %dma_wait3A_90 = arith.constant 0 : i32
      %dma_wait3A_91 = tpu.memref_slice %arg7[%mul3A_81, %dma_wait3A_90] : memref<40x128xi32, #tpu.memory_space<vmem>> -> memref<1x128xi32, #tpu.memory_space<vmem>>
      %dma_wait3A_92 = tpu.memref_squeeze %dma_wait3A_91 : memref<1x128xi32, #tpu.memory_space<vmem>> -> memref<128xi32, #tpu.memory_space<vmem>>
      %dma_wait3A_93 = arith.constant 0 : i32
      %dma_wait3A_94 = arith.constant 0 : i32
      %dma_wait3A_95 = tpu.memref_slice %arg2[%dma_wait3A_93, %dma_wait3A_94] : memref<10000x128xf32, #tpu.memory_space<hbm>> -> memref<10000x128xf32, #tpu.memory_space<hbm>>
      tpu.wait_indirect_dma semaphore(%arg12 : memref<!tpu.dma_semaphore, #tpu.memory_space<semaphore_mem>>) src(%dma_wait3A_95 : memref<10000x128xf32, #tpu.memory_space<hbm>>) dst(%arg9 : memref<128x128xf32, #tpu.memory_space<vmem>>)
      "tpu.region"() ({
        %run_scoped3A_110 = tpu.sem_alloc : memref<!tpu.dma_semaphore, #tpu.memory_space<semaphore_mem>>
        %dma_start3A_111 = arith.constant 0 : i32
        %dma_start3A_112 = tpu.memref_slice %arg8[%mul3A_81, %dma_start3A_111] : memref<40x128xi32, #tpu.memory_space<vmem>> -> memref<1x128xi32, #tpu.memory_space<vmem>>
        %dma_start3A_113 = tpu.memref_squeeze %dma_start3A_112 : memref<1x128xi32, #tpu.memory_space<vmem>> -> memref<128xi32, #tpu.memory_space<vmem>>
        %dma_start3A_114 = arith.constant 0 : i32
        %dma_start3A_115 = arith.constant 0 : i32
        %dma_start3A_116 = tpu.memref_slice %arg11[%dma_start3A_114, %dma_start3A_115] : memref<10112x128xf32, #tpu.memory_space<vmem_shared>> -> memref<10112x128xf32, #tpu.memory_space<vmem_shared>>
        tpu.enqueue_indirect_dma source(%arg9 : memref<128x128xf32, #tpu.memory_space<vmem>>) target(%dma_start3A_116 : memref<10112x128xf32, #tpu.memory_space<vmem_shared>>) offsets(%dma_start3A_113 : memref<128xi32, #tpu.memory_space<vmem>>) semaphore(%run_scoped3A_110 : memref<!tpu.dma_semaphore, #tpu.memory_space<semaphore_mem>>) {add = true}
        %dma_wait3A_117 = arith.constant 0 : i32
        %dma_wait3A_118 = tpu.memref_slice %arg8[%mul3A_81, %dma_wait3A_117] : memref<40x128xi32, #tpu.memory_space<vmem>> -> memref<1x128xi32, #tpu.memory_space<vmem>>
        %dma_wait3A_119 = tpu.memref_squeeze %dma_wait3A_118 : memref<1x128xi32, #tpu.memory_space<vmem>> -> memref<128xi32, #tpu.memory_space<vmem>>
        %dma_wait3A_120 = arith.constant 0 : i32
        %dma_wait3A_121 = arith.constant 0 : i32
        %dma_wait3A_122 = tpu.memref_slice %arg11[%dma_wait3A_120, %dma_wait3A_121] : memref<10112x128xf32, #tpu.memory_space<vmem_shared>> -> memref<10112x128xf32, #tpu.memory_space<vmem_shared>>
        tpu.wait_indirect_dma semaphore(%run_scoped3A_110 : memref<!tpu.dma_semaphore, #tpu.memory_space<semaphore_mem>>) src(%arg9 : memref<128x128xf32, #tpu.memory_space<vmem>>) dst(%dma_wait3A_122 : memref<10112x128xf32, #tpu.memory_space<vmem_shared>>)
        tpu.yield
      }) : () -> ()
      %add3A_96 = arith.constant 2 : i32
      %add3A_97 = arith.addi %mul3A_81, %add3A_96 : i32
      %dma_start3A_98 = arith.constant 0 : i32
      %dma_start3A_99 = tpu.memref_slice %arg7[%add3A_97, %dma_start3A_98] : memref<40x128xi32, #tpu.memory_space<vmem>> -> memref<1x128xi32, #tpu.memory_space<vmem>>
      %dma_start3A_100 = tpu.memref_squeeze %dma_start3A_99 : memref<1x128xi32, #tpu.memory_space<vmem>> -> memref<128xi32, #tpu.memory_space<vmem>>
      %dma_start3A_101 = arith.constant 0 : i32
      %dma_start3A_102 = arith.constant 0 : i32
      %dma_start3A_103 = tpu.memref_slice %arg2[%dma_start3A_101, %dma_start3A_102] : memref<10000x128xf32, #tpu.memory_space<hbm>> -> memref<10000x128xf32, #tpu.memory_space<hbm>>
      tpu.enqueue_indirect_dma source(%dma_start3A_103 : memref<10000x128xf32, #tpu.memory_space<hbm>>) target(%arg9 : memref<128x128xf32, #tpu.memory_space<vmem>>) offsets(%dma_start3A_100 : memref<128xi32, #tpu.memory_space<vmem>>) semaphore(%arg12 : memref<!tpu.dma_semaphore, #tpu.memory_space<semaphore_mem>>)
      %dma_wait3A_104 = arith.constant 0 : i32
      %dma_wait3A_105 = tpu.memref_slice %arg7[%add3A_83, %dma_wait3A_104] : memref<40x128xi32, #tpu.memory_space<vmem>> -> memref<1x128xi32, #tpu.memory_space<vmem>>
      %dma_wait3A_106 = tpu.memref_squeeze %dma_wait3A_105 : memref<1x128xi32, #tpu.memory_space<vmem>> -> memref<128xi32, #tpu.memory_space<vmem>>
      %dma_wait3A_107 = arith.constant 0 : i32
      %dma_wait3A_108 = arith.constant 0 : i32
      %dma_wait3A_109 = tpu.memref_slice %arg2[%dma_wait3A_107, %dma_wait3A_108] : memref<10000x128xf32, #tpu.memory_space<hbm>> -> memref<10000x128xf32, #tpu.memory_space<hbm>>
      tpu.wait_indirect_dma semaphore(%arg13 : memref<!tpu.dma_semaphore, #tpu.memory_space<semaphore_mem>>) src(%dma_wait3A_109 : memref<10000x128xf32, #tpu.memory_space<hbm>>) dst(%arg10 : memref<128x128xf32, #tpu.memory_space<vmem>>)
      "tpu.region"() ({
        %run_scoped3A_110 = tpu.sem_alloc : memref<!tpu.dma_semaphore, #tpu.memory_space<semaphore_mem>>
        %dma_start3A_111 = arith.constant 0 : i32
        %dma_start3A_112 = tpu.memref_slice %arg8[%add3A_83, %dma_start3A_111] : memref<40x128xi32, #tpu.memory_space<vmem>> -> memref<1x128xi32, #tpu.memory_space<vmem>>
        %dma_start3A_113 = tpu.memref_squeeze %dma_start3A_112 : memref<1x128xi32, #tpu.memory_space<vmem>> -> memref<128xi32, #tpu.memory_space<vmem>>
        %dma_start3A_114 = arith.constant 0 : i32
        %dma_start3A_115 = arith.constant 0 : i32
        %dma_start3A_116 = tpu.memref_slice %arg11[%dma_start3A_114, %dma_start3A_115] : memref<10112x128xf32, #tpu.memory_space<vmem_shared>> -> memref<10112x128xf32, #tpu.memory_space<vmem_shared>>
        tpu.enqueue_indirect_dma source(%arg10 : memref<128x128xf32, #tpu.memory_space<vmem>>) target(%dma_start3A_116 : memref<10112x128xf32, #tpu.memory_space<vmem_shared>>) offsets(%dma_start3A_113 : memref<128xi32, #tpu.memory_space<vmem>>) semaphore(%run_scoped3A_110 : memref<!tpu.dma_semaphore, #tpu.memory_space<semaphore_mem>>) {add = true}
        %dma_wait3A_117 = arith.constant 0 : i32
        %dma_wait3A_118 = tpu.memref_slice %arg8[%add3A_83, %dma_wait3A_117] : memref<40x128xi32, #tpu.memory_space<vmem>> -> memref<1x128xi32, #tpu.memory_space<vmem>>
        %dma_wait3A_119 = tpu.memref_squeeze %dma_wait3A_118 : memref<1x128xi32, #tpu.memory_space<vmem>> -> memref<128xi32, #tpu.memory_space<vmem>>
        %dma_wait3A_120 = arith.constant 0 : i32
        %dma_wait3A_121 = arith.constant 0 : i32
        %dma_wait3A_122 = tpu.memref_slice %arg11[%dma_wait3A_120, %dma_wait3A_121] : memref<10112x128xf32, #tpu.memory_space<vmem_shared>> -> memref<10112x128xf32, #tpu.memory_space<vmem_shared>>
        tpu.wait_indirect_dma semaphore(%run_scoped3A_110 : memref<!tpu.dma_semaphore, #tpu.memory_space<semaphore_mem>>) src(%arg10 : memref<128x128xf32, #tpu.memory_space<vmem>>) dst(%dma_wait3A_122 : memref<10112x128xf32, #tpu.memory_space<vmem_shared>>)
        tpu.yield
      }) : () -> ()
    }
    %scan3A_13 = arith.constant 19 : i32
    %dma_start3A_14 = arith.constant 39 : i32
    %dma_start3A_15 = arith.constant 0 : i32
    %dma_start3A_16 = tpu.memref_slice %arg7[%dma_start3A_14, %dma_start3A_15] : memref<40x128xi32, #tpu.memory_space<vmem>> -> memref<1x128xi32, #tpu.memory_space<vmem>>
    %dma_start3A_17 = tpu.memref_squeeze %dma_start3A_16 : memref<1x128xi32, #tpu.memory_space<vmem>> -> memref<128xi32, #tpu.memory_space<vmem>>
    %dma_start3A_18 = arith.constant 0 : i32
    %dma_start3A_19 = arith.constant 0 : i32
    %dma_start3A_20 = tpu.memref_slice %arg2[%dma_start3A_18, %dma_start3A_19] : memref<10000x128xf32, #tpu.memory_space<hbm>> -> memref<10000x128xf32, #tpu.memory_space<hbm>>
    tpu.enqueue_indirect_dma source(%dma_start3A_20 : memref<10000x128xf32, #tpu.memory_space<hbm>>) target(%arg10 : memref<128x128xf32, #tpu.memory_space<vmem>>) offsets(%dma_start3A_17 : memref<128xi32, #tpu.memory_space<vmem>>) semaphore(%arg13 : memref<!tpu.dma_semaphore, #tpu.memory_space<semaphore_mem>>)
    %dma_wait3A = arith.constant 38 : i32
    %dma_wait3A_21 = arith.constant 0 : i32
    %dma_wait3A_22 = tpu.memref_slice %arg7[%dma_wait3A, %dma_wait3A_21] : memref<40x128xi32, #tpu.memory_space<vmem>> -> memref<1x128xi32, #tpu.memory_space<vmem>>
    %dma_wait3A_23 = tpu.memref_squeeze %dma_wait3A_22 : memref<1x128xi32, #tpu.memory_space<vmem>> -> memref<128xi32, #tpu.memory_space<vmem>>
    %dma_wait3A_24 = arith.constant 0 : i32
    %dma_wait3A_25 = arith.constant 0 : i32
    %dma_wait3A_26 = tpu.memref_slice %arg2[%dma_wait3A_24, %dma_wait3A_25] : memref<10000x128xf32, #tpu.memory_space<hbm>> -> memref<10000x128xf32, #tpu.memory_space<hbm>>
    tpu.wait_indirect_dma semaphore(%arg12 : memref<!tpu.dma_semaphore, #tpu.memory_space<semaphore_mem>>) src(%dma_wait3A_26 : memref<10000x128xf32, #tpu.memory_space<hbm>>) dst(%arg9 : memref<128x128xf32, #tpu.memory_space<vmem>>)
    %run_scoped3A = arith.constant 38 : i32
    "tpu.region"() ({
      %run_scoped3A_79 = tpu.sem_alloc : memref<!tpu.dma_semaphore, #tpu.memory_space<semaphore_mem>>
      %dma_start3A_80 = arith.constant 0 : i32
      %dma_start3A_81 = tpu.memref_slice %arg8[%run_scoped3A, %dma_start3A_80] : memref<40x128xi32, #tpu.memory_space<vmem>> -> memref<1x128xi32, #tpu.memory_space<vmem>>
      %dma_start3A_82 = tpu.memref_squeeze %dma_start3A_81 : memref<1x128xi32, #tpu.memory_space<vmem>> -> memref<128xi32, #tpu.memory_space<vmem>>
      %dma_start3A_83 = arith.constant 0 : i32
      %dma_start3A_84 = arith.constant 0 : i32
      %dma_start3A_85 = tpu.memref_slice %arg11[%dma_start3A_83, %dma_start3A_84] : memref<10112x128xf32, #tpu.memory_space<vmem_shared>> -> memref<10112x128xf32, #tpu.memory_space<vmem_shared>>
      tpu.enqueue_indirect_dma source(%arg9 : memref<128x128xf32, #tpu.memory_space<vmem>>) target(%dma_start3A_85 : memref<10112x128xf32, #tpu.memory_space<vmem_shared>>) offsets(%dma_start3A_82 : memref<128xi32, #tpu.memory_space<vmem>>) semaphore(%run_scoped3A_79 : memref<!tpu.dma_semaphore, #tpu.memory_space<semaphore_mem>>) {add = true}
      %dma_wait3A_86 = arith.constant 0 : i32
      %dma_wait3A_87 = tpu.memref_slice %arg8[%run_scoped3A, %dma_wait3A_86] : memref<40x128xi32, #tpu.memory_space<vmem>> -> memref<1x128xi32, #tpu.memory_space<vmem>>
      %dma_wait3A_88 = tpu.memref_squeeze %dma_wait3A_87 : memref<1x128xi32, #tpu.memory_space<vmem>> -> memref<128xi32, #tpu.memory_space<vmem>>
      %dma_wait3A_89 = arith.constant 0 : i32
      %dma_wait3A_90 = arith.constant 0 : i32
      %dma_wait3A_91 = tpu.memref_slice %arg11[%dma_wait3A_89, %dma_wait3A_90] : memref<10112x128xf32, #tpu.memory_space<vmem_shared>> -> memref<10112x128xf32, #tpu.memory_space<vmem_shared>>
      tpu.wait_indirect_dma semaphore(%run_scoped3A_79 : memref<!tpu.dma_semaphore, #tpu.memory_space<semaphore_mem>>) src(%arg9 : memref<128x128xf32, #tpu.memory_space<vmem>>) dst(%dma_wait3A_91 : memref<10112x128xf32, #tpu.memory_space<vmem_shared>>)
      tpu.yield
    }) : () -> ()
    %dma_wait3A_27 = arith.constant 39 : i32
    %dma_wait3A_28 = arith.constant 0 : i32
    %dma_wait3A_29 = tpu.memref_slice %arg7[%dma_wait3A_27, %dma_wait3A_28] : memref<40x128xi32, #tpu.memory_space<vmem>> -> memref<1x128xi32, #tpu.memory_space<vmem>>
    %dma_wait3A_30 = tpu.memref_squeeze %dma_wait3A_29 : memref<1x128xi32, #tpu.memory_space<vmem>> -> memref<128xi32, #tpu.memory_space<vmem>>
    %dma_wait3A_31 = arith.constant 0 : i32
    %dma_wait3A_32 = arith.constant 0 : i32
    %dma_wait3A_33 = tpu.memref_slice %arg2[%dma_wait3A_31, %dma_wait3A_32] : memref<10000x128xf32, #tpu.memory_space<hbm>> -> memref<10000x128xf32, #tpu.memory_space<hbm>>
    tpu.wait_indirect_dma semaphore(%arg13 : memref<!tpu.dma_semaphore, #tpu.memory_space<semaphore_mem>>) src(%dma_wait3A_33 : memref<10000x128xf32, #tpu.memory_space<hbm>>) dst(%arg10 : memref<128x128xf32, #tpu.memory_space<vmem>>)
    %run_scoped3A_34 = arith.constant 39 : i32
    "tpu.region"() ({
      %run_scoped3A_79 = tpu.sem_alloc : memref<!tpu.dma_semaphore, #tpu.memory_space<semaphore_mem>>
      %dma_start3A_80 = arith.constant 0 : i32
      %dma_start3A_81 = tpu.memref_slice %arg8[%run_scoped3A_34, %dma_start3A_80] : memref<40x128xi32, #tpu.memory_space<vmem>> -> memref<1x128xi32, #tpu.memory_space<vmem>>
      %dma_start3A_82 = tpu.memref_squeeze %dma_start3A_81 : memref<1x128xi32, #tpu.memory_space<vmem>> -> memref<128xi32, #tpu.memory_space<vmem>>
      %dma_start3A_83 = arith.constant 0 : i32
      %dma_start3A_84 = arith.constant 0 : i32
      %dma_start3A_85 = tpu.memref_slice %arg11[%dma_start3A_83, %dma_start3A_84] : memref<10112x128xf32, #tpu.memory_space<vmem_shared>> -> memref<10112x128xf32, #tpu.memory_space<vmem_shared>>
      tpu.enqueue_indirect_dma source(%arg10 : memref<128x128xf32, #tpu.memory_space<vmem>>) target(%dma_start3A_85 : memref<10112x128xf32, #tpu.memory_space<vmem_shared>>) offsets(%dma_start3A_82 : memref<128xi32, #tpu.memory_space<vmem>>) semaphore(%run_scoped3A_79 : memref<!tpu.dma_semaphore, #tpu.memory_space<semaphore_mem>>) {add = true}
      %dma_wait3A_86 = arith.constant 0 : i32
      %dma_wait3A_87 = tpu.memref_slice %arg8[%run_scoped3A_34, %dma_wait3A_86] : memref<40x128xi32, #tpu.memory_space<vmem>> -> memref<1x128xi32, #tpu.memory_space<vmem>>
      %dma_wait3A_88 = tpu.memref_squeeze %dma_wait3A_87 : memref<1x128xi32, #tpu.memory_space<vmem>> -> memref<128xi32, #tpu.memory_space<vmem>>
      %dma_wait3A_89 = arith.constant 0 : i32
      %dma_wait3A_90 = arith.constant 0 : i32
      %dma_wait3A_91 = tpu.memref_slice %arg11[%dma_wait3A_89, %dma_wait3A_90] : memref<10112x128xf32, #tpu.memory_space<vmem_shared>> -> memref<10112x128xf32, #tpu.memory_space<vmem_shared>>
      tpu.wait_indirect_dma semaphore(%run_scoped3A_79 : memref<!tpu.dma_semaphore, #tpu.memory_space<semaphore_mem>>) src(%arg10 : memref<128x128xf32, #tpu.memory_space<vmem>>) dst(%dma_wait3A_91 : memref<10112x128xf32, #tpu.memory_space<vmem_shared>>)
      tpu.yield
    }) : () -> ()
    "tpu.region"() ({
      %run_scoped3A_79 = tpu.sem_alloc : memref<!tpu.dma_semaphore, #tpu.memory_space<semaphore_mem>>
      %dma_start3A_80 = arith.constant 40 : i32
      %dma_start3A_81 = arith.constant 0 : i32
      %dma_start3A_82 = tpu.memref_slice %arg3[%add3A, %dma_start3A_80, %dma_start3A_81] : memref<32x80x128xi32, #tpu.memory_space<hbm>> -> memref<1x40x128xi32, #tpu.memory_space<hbm>>
      %dma_start3A_83 = tpu.memref_squeeze %dma_start3A_82 : memref<1x40x128xi32, #tpu.memory_space<hbm>> -> memref<40x128xi32, #tpu.memory_space<hbm>>
      %dma_start3A_84 = arith.constant 40 : i32
      %dma_start3A_85 = arith.constant 0 : i32
      %dma_start3A_86 = tpu.memref_slice %arg3[%add3A, %dma_start3A_84, %dma_start3A_85] : memref<32x80x128xi32, #tpu.memory_space<hbm>> -> memref<1x40x128xi32, #tpu.memory_space<hbm>>
      %dma_start3A_87 = tpu.memref_squeeze %dma_start3A_86 : memref<1x40x128xi32, #tpu.memory_space<hbm>> -> memref<40x128xi32, #tpu.memory_space<hbm>>
      tpu.enqueue_dma source(%dma_start3A_87 : memref<40x128xi32, #tpu.memory_space<hbm>>) target(%arg7 : memref<40x128xi32, #tpu.memory_space<vmem>>) target_semaphore(%run_scoped3A_79 : memref<!tpu.dma_semaphore, #tpu.memory_space<semaphore_mem>>)
      %dma_wait3A_88 = arith.constant 40 : i32
      %dma_wait3A_89 = arith.constant 0 : i32
      %dma_wait3A_90 = tpu.memref_slice %arg3[%add3A, %dma_wait3A_88, %dma_wait3A_89] : memref<32x80x128xi32, #tpu.memory_space<hbm>> -> memref<1x40x128xi32, #tpu.memory_space<hbm>>
      %dma_wait3A_91 = tpu.memref_squeeze %dma_wait3A_90 : memref<1x40x128xi32, #tpu.memory_space<hbm>> -> memref<40x128xi32, #tpu.memory_space<hbm>>
      %dma_wait3A_92 = arith.constant 40 : i32
      %dma_wait3A_93 = arith.constant 0 : i32
      %dma_wait3A_94 = tpu.memref_slice %arg3[%add3A, %dma_wait3A_92, %dma_wait3A_93] : memref<32x80x128xi32, #tpu.memory_space<hbm>> -> memref<1x40x128xi32, #tpu.memory_space<hbm>>
      %dma_wait3A_95 = tpu.memref_squeeze %dma_wait3A_94 : memref<1x40x128xi32, #tpu.memory_space<hbm>> -> memref<40x128xi32, #tpu.memory_space<hbm>>
      tpu.wait_dma2 semaphore(%run_scoped3A_79 : memref<!tpu.dma_semaphore, #tpu.memory_space<semaphore_mem>>) src(%dma_wait3A_95 : memref<40x128xi32, #tpu.memory_space<hbm>>) dst(%arg7 : memref<40x128xi32, #tpu.memory_space<vmem>>)
      tpu.yield
    }) : () -> ()
    "tpu.region"() ({
      %run_scoped3A_79 = tpu.sem_alloc : memref<!tpu.dma_semaphore, #tpu.memory_space<semaphore_mem>>
      %dma_start3A_80 = arith.constant 40 : i32
      %dma_start3A_81 = arith.constant 0 : i32
      %dma_start3A_82 = tpu.memref_slice %arg4[%add3A, %dma_start3A_80, %dma_start3A_81] : memref<32x80x128xi32, #tpu.memory_space<hbm>> -> memref<1x40x128xi32, #tpu.memory_space<hbm>>
      %dma_start3A_83 = tpu.memref_squeeze %dma_start3A_82 : memref<1x40x128xi32, #tpu.memory_space<hbm>> -> memref<40x128xi32, #tpu.memory_space<hbm>>
      %dma_start3A_84 = arith.constant 40 : i32
      %dma_start3A_85 = arith.constant 0 : i32
      %dma_start3A_86 = tpu.memref_slice %arg4[%add3A, %dma_start3A_84, %dma_start3A_85] : memref<32x80x128xi32, #tpu.memory_space<hbm>> -> memref<1x40x128xi32, #tpu.memory_space<hbm>>
      %dma_start3A_87 = tpu.memref_squeeze %dma_start3A_86 : memref<1x40x128xi32, #tpu.memory_space<hbm>> -> memref<40x128xi32, #tpu.memory_space<hbm>>
      tpu.enqueue_dma source(%dma_start3A_87 : memref<40x128xi32, #tpu.memory_space<hbm>>) target(%arg8 : memref<40x128xi32, #tpu.memory_space<vmem>>) target_semaphore(%run_scoped3A_79 : memref<!tpu.dma_semaphore, #tpu.memory_space<semaphore_mem>>)
      %dma_wait3A_88 = arith.constant 40 : i32
      %dma_wait3A_89 = arith.constant 0 : i32
      %dma_wait3A_90 = tpu.memref_slice %arg4[%add3A, %dma_wait3A_88, %dma_wait3A_89] : memref<32x80x128xi32, #tpu.memory_space<hbm>> -> memref<1x40x128xi32, #tpu.memory_space<hbm>>
      %dma_wait3A_91 = tpu.memref_squeeze %dma_wait3A_90 : memref<1x40x128xi32, #tpu.memory_space<hbm>> -> memref<40x128xi32, #tpu.memory_space<hbm>>
      %dma_wait3A_92 = arith.constant 40 : i32
      %dma_wait3A_93 = arith.constant 0 : i32
      %dma_wait3A_94 = tpu.memref_slice %arg4[%add3A, %dma_wait3A_92, %dma_wait3A_93] : memref<32x80x128xi32, #tpu.memory_space<hbm>> -> memref<1x40x128xi32, #tpu.memory_space<hbm>>
      %dma_wait3A_95 = tpu.memref_squeeze %dma_wait3A_94 : memref<1x40x128xi32, #tpu.memory_space<hbm>> -> memref<40x128xi32, #tpu.memory_space<hbm>>
      tpu.wait_dma2 semaphore(%run_scoped3A_79 : memref<!tpu.dma_semaphore, #tpu.memory_space<semaphore_mem>>) src(%dma_wait3A_95 : memref<40x128xi32, #tpu.memory_space<hbm>>) dst(%arg8 : memref<40x128xi32, #tpu.memory_space<vmem>>)
      tpu.yield
    }) : () -> ()
    %dma_start3A_35 = arith.constant 0 : i32
    %dma_start3A_36 = arith.constant 0 : i32
    %dma_start3A_37 = tpu.memref_slice %arg7[%dma_start3A_35, %dma_start3A_36] : memref<40x128xi32, #tpu.memory_space<vmem>> -> memref<1x128xi32, #tpu.memory_space<vmem>>
    %dma_start3A_38 = tpu.memref_squeeze %dma_start3A_37 : memref<1x128xi32, #tpu.memory_space<vmem>> -> memref<128xi32, #tpu.memory_space<vmem>>
    %dma_start3A_39 = arith.constant 0 : i32
    %dma_start3A_40 = arith.constant 0 : i32
    %dma_start3A_41 = tpu.memref_slice %arg2[%dma_start3A_39, %dma_start3A_40] : memref<10000x128xf32, #tpu.memory_space<hbm>> -> memref<10000x128xf32, #tpu.memory_space<hbm>>
    tpu.enqueue_indirect_dma source(%dma_start3A_41 : memref<10000x128xf32, #tpu.memory_space<hbm>>) target(%arg9 : memref<128x128xf32, #tpu.memory_space<vmem>>) offsets(%dma_start3A_38 : memref<128xi32, #tpu.memory_space<vmem>>) semaphore(%arg12 : memref<!tpu.dma_semaphore, #tpu.memory_space<semaphore_mem>>)
    %scan3A_42 = arith.constant 0 : i32
    %scan3A_43 = arith.constant 0 : i32
    %scan3A_44 = arith.constant 19 : i32
    %scan3A_45 = arith.addi %scan3A_43, %scan3A_44 : i32
    %scan3A_46 = arith.constant 1 : i32
    scf.for %scan3A_79 = %scan3A_43 to %scan3A_45 step %scan3A_46  : i32 {
      %mul3A_80 = arith.constant 2 : i32
      %mul3A_81 = arith.muli %mul3A_80, %scan3A_79 : i32
      %add3A_82 = arith.constant 1 : i32
      %add3A_83 = arith.addi %mul3A_81, %add3A_82 : i32
      %dma_start3A_84 = arith.constant 0 : i32
      %dma_start3A_85 = tpu.memref_slice %arg7[%add3A_83, %dma_start3A_84] : memref<40x128xi32, #tpu.memory_space<vmem>> -> memref<1x128xi32, #tpu.memory_space<vmem>>
      %dma_start3A_86 = tpu.memref_squeeze %dma_start3A_85 : memref<1x128xi32, #tpu.memory_space<vmem>> -> memref<128xi32, #tpu.memory_space<vmem>>
      %dma_start3A_87 = arith.constant 0 : i32
      %dma_start3A_88 = arith.constant 0 : i32
      %dma_start3A_89 = tpu.memref_slice %arg2[%dma_start3A_87, %dma_start3A_88] : memref<10000x128xf32, #tpu.memory_space<hbm>> -> memref<10000x128xf32, #tpu.memory_space<hbm>>
      tpu.enqueue_indirect_dma source(%dma_start3A_89 : memref<10000x128xf32, #tpu.memory_space<hbm>>) target(%arg10 : memref<128x128xf32, #tpu.memory_space<vmem>>) offsets(%dma_start3A_86 : memref<128xi32, #tpu.memory_space<vmem>>) semaphore(%arg13 : memref<!tpu.dma_semaphore, #tpu.memory_space<semaphore_mem>>)
      %dma_wait3A_90 = arith.constant 0 : i32
      %dma_wait3A_91 = tpu.memref_slice %arg7[%mul3A_81, %dma_wait3A_90] : memref<40x128xi32, #tpu.memory_space<vmem>> -> memref<1x128xi32, #tpu.memory_space<vmem>>
      %dma_wait3A_92 = tpu.memref_squeeze %dma_wait3A_91 : memref<1x128xi32, #tpu.memory_space<vmem>> -> memref<128xi32, #tpu.memory_space<vmem>>
      %dma_wait3A_93 = arith.constant 0 : i32
      %dma_wait3A_94 = arith.constant 0 : i32
      %dma_wait3A_95 = tpu.memref_slice %arg2[%dma_wait3A_93, %dma_wait3A_94] : memref<10000x128xf32, #tpu.memory_space<hbm>> -> memref<10000x128xf32, #tpu.memory_space<hbm>>
      tpu.wait_indirect_dma semaphore(%arg12 : memref<!tpu.dma_semaphore, #tpu.memory_space<semaphore_mem>>) src(%dma_wait3A_95 : memref<10000x128xf32, #tpu.memory_space<hbm>>) dst(%arg9 : memref<128x128xf32, #tpu.memory_space<vmem>>)
      "tpu.region"() ({
        %run_scoped3A_110 = tpu.sem_alloc : memref<!tpu.dma_semaphore, #tpu.memory_space<semaphore_mem>>
        %dma_start3A_111 = arith.constant 0 : i32
        %dma_start3A_112 = tpu.memref_slice %arg8[%mul3A_81, %dma_start3A_111] : memref<40x128xi32, #tpu.memory_space<vmem>> -> memref<1x128xi32, #tpu.memory_space<vmem>>
        %dma_start3A_113 = tpu.memref_squeeze %dma_start3A_112 : memref<1x128xi32, #tpu.memory_space<vmem>> -> memref<128xi32, #tpu.memory_space<vmem>>
        %dma_start3A_114 = arith.constant 0 : i32
        %dma_start3A_115 = arith.constant 0 : i32
        %dma_start3A_116 = tpu.memref_slice %arg11[%dma_start3A_114, %dma_start3A_115] : memref<10112x128xf32, #tpu.memory_space<vmem_shared>> -> memref<10112x128xf32, #tpu.memory_space<vmem_shared>>
        tpu.enqueue_indirect_dma source(%arg9 : memref<128x128xf32, #tpu.memory_space<vmem>>) target(%dma_start3A_116 : memref<10112x128xf32, #tpu.memory_space<vmem_shared>>) offsets(%dma_start3A_113 : memref<128xi32, #tpu.memory_space<vmem>>) semaphore(%run_scoped3A_110 : memref<!tpu.dma_semaphore, #tpu.memory_space<semaphore_mem>>) {add = true}
        %dma_wait3A_117 = arith.constant 0 : i32
        %dma_wait3A_118 = tpu.memref_slice %arg8[%mul3A_81, %dma_wait3A_117] : memref<40x128xi32, #tpu.memory_space<vmem>> -> memref<1x128xi32, #tpu.memory_space<vmem>>
        %dma_wait3A_119 = tpu.memref_squeeze %dma_wait3A_118 : memref<1x128xi32, #tpu.memory_space<vmem>> -> memref<128xi32, #tpu.memory_space<vmem>>
        %dma_wait3A_120 = arith.constant 0 : i32
        %dma_wait3A_121 = arith.constant 0 : i32
        %dma_wait3A_122 = tpu.memref_slice %arg11[%dma_wait3A_120, %dma_wait3A_121] : memref<10112x128xf32, #tpu.memory_space<vmem_shared>> -> memref<10112x128xf32, #tpu.memory_space<vmem_shared>>
        tpu.wait_indirect_dma semaphore(%run_scoped3A_110 : memref<!tpu.dma_semaphore, #tpu.memory_space<semaphore_mem>>) src(%arg9 : memref<128x128xf32, #tpu.memory_space<vmem>>) dst(%dma_wait3A_122 : memref<10112x128xf32, #tpu.memory_space<vmem_shared>>)
        tpu.yield
      }) : () -> ()
      %add3A_96 = arith.constant 2 : i32
      %add3A_97 = arith.addi %mul3A_81, %add3A_96 : i32
      %dma_start3A_98 = arith.constant 0 : i32
      %dma_start3A_99 = tpu.memref_slice %arg7[%add3A_97, %dma_start3A_98] : memref<40x128xi32, #tpu.memory_space<vmem>> -> memref<1x128xi32, #tpu.memory_space<vmem>>
      %dma_start3A_100 = tpu.memref_squeeze %dma_start3A_99 : memref<1x128xi32, #tpu.memory_space<vmem>> -> memref<128xi32, #tpu.memory_space<vmem>>
      %dma_start3A_101 = arith.constant 0 : i32
      %dma_start3A_102 = arith.constant 0 : i32
      %dma_start3A_103 = tpu.memref_slice %arg2[%dma_start3A_101, %dma_start3A_102] : memref<10000x128xf32, #tpu.memory_space<hbm>> -> memref<10000x128xf32, #tpu.memory_space<hbm>>
      tpu.enqueue_indirect_dma source(%dma_start3A_103 : memref<10000x128xf32, #tpu.memory_space<hbm>>) target(%arg9 : memref<128x128xf32, #tpu.memory_space<vmem>>) offsets(%dma_start3A_100 : memref<128xi32, #tpu.memory_space<vmem>>) semaphore(%arg12 : memref<!tpu.dma_semaphore, #tpu.memory_space<semaphore_mem>>)
      %dma_wait3A_104 = arith.constant 0 : i32
      %dma_wait3A_105 = tpu.memref_slice %arg7[%add3A_83, %dma_wait3A_104] : memref<40x128xi32, #tpu.memory_space<vmem>> -> memref<1x128xi32, #tpu.memory_space<vmem>>
      %dma_wait3A_106 = tpu.memref_squeeze %dma_wait3A_105 : memref<1x128xi32, #tpu.memory_space<vmem>> -> memref<128xi32, #tpu.memory_space<vmem>>
      %dma_wait3A_107 = arith.constant 0 : i32
      %dma_wait3A_108 = arith.constant 0 : i32
      %dma_wait3A_109 = tpu.memref_slice %arg2[%dma_wait3A_107, %dma_wait3A_108] : memref<10000x128xf32, #tpu.memory_space<hbm>> -> memref<10000x128xf32, #tpu.memory_space<hbm>>
      tpu.wait_indirect_dma semaphore(%arg13 : memref<!tpu.dma_semaphore, #tpu.memory_space<semaphore_mem>>) src(%dma_wait3A_109 : memref<10000x128xf32, #tpu.memory_space<hbm>>) dst(%arg10 : memref<128x128xf32, #tpu.memory_space<vmem>>)
      "tpu.region"() ({
        %run_scoped3A_110 = tpu.sem_alloc : memref<!tpu.dma_semaphore, #tpu.memory_space<semaphore_mem>>
        %dma_start3A_111 = arith.constant 0 : i32
        %dma_start3A_112 = tpu.memref_slice %arg8[%add3A_83, %dma_start3A_111] : memref<40x128xi32, #tpu.memory_space<vmem>> -> memref<1x128xi32, #tpu.memory_space<vmem>>
        %dma_start3A_113 = tpu.memref_squeeze %dma_start3A_112 : memref<1x128xi32, #tpu.memory_space<vmem>> -> memref<128xi32, #tpu.memory_space<vmem>>
        %dma_start3A_114 = arith.constant 0 : i32
        %dma_start3A_115 = arith.constant 0 : i32
        %dma_start3A_116 = tpu.memref_slice %arg11[%dma_start3A_114, %dma_start3A_115] : memref<10112x128xf32, #tpu.memory_space<vmem_shared>> -> memref<10112x128xf32, #tpu.memory_space<vmem_shared>>
        tpu.enqueue_indirect_dma source(%arg10 : memref<128x128xf32, #tpu.memory_space<vmem>>) target(%dma_start3A_116 : memref<10112x128xf32, #tpu.memory_space<vmem_shared>>) offsets(%dma_start3A_113 : memref<128xi32, #tpu.memory_space<vmem>>) semaphore(%run_scoped3A_110 : memref<!tpu.dma_semaphore, #tpu.memory_space<semaphore_mem>>) {add = true}
        %dma_wait3A_117 = arith.constant 0 : i32
        %dma_wait3A_118 = tpu.memref_slice %arg8[%add3A_83, %dma_wait3A_117] : memref<40x128xi32, #tpu.memory_space<vmem>> -> memref<1x128xi32, #tpu.memory_space<vmem>>
        %dma_wait3A_119 = tpu.memref_squeeze %dma_wait3A_118 : memref<1x128xi32, #tpu.memory_space<vmem>> -> memref<128xi32, #tpu.memory_space<vmem>>
        %dma_wait3A_120 = arith.constant 0 : i32
        %dma_wait3A_121 = arith.constant 0 : i32
        %dma_wait3A_122 = tpu.memref_slice %arg11[%dma_wait3A_120, %dma_wait3A_121] : memref<10112x128xf32, #tpu.memory_space<vmem_shared>> -> memref<10112x128xf32, #tpu.memory_space<vmem_shared>>
        tpu.wait_indirect_dma semaphore(%run_scoped3A_110 : memref<!tpu.dma_semaphore, #tpu.memory_space<semaphore_mem>>) src(%arg10 : memref<128x128xf32, #tpu.memory_space<vmem>>) dst(%dma_wait3A_122 : memref<10112x128xf32, #tpu.memory_space<vmem_shared>>)
        tpu.yield
      }) : () -> ()
    }
    %scan3A_47 = arith.constant 19 : i32
    %dma_start3A_48 = arith.constant 39 : i32
    %dma_start3A_49 = arith.constant 0 : i32
    %dma_start3A_50 = tpu.memref_slice %arg7[%dma_start3A_48, %dma_start3A_49] : memref<40x128xi32, #tpu.memory_space<vmem>> -> memref<1x128xi32, #tpu.memory_space<vmem>>
    %dma_start3A_51 = tpu.memref_squeeze %dma_start3A_50 : memref<1x128xi32, #tpu.memory_space<vmem>> -> memref<128xi32, #tpu.memory_space<vmem>>
    %dma_start3A_52 = arith.constant 0 : i32
    %dma_start3A_53 = arith.constant 0 : i32
    %dma_start3A_54 = tpu.memref_slice %arg2[%dma_start3A_52, %dma_start3A_53] : memref<10000x128xf32, #tpu.memory_space<hbm>> -> memref<10000x128xf32, #tpu.memory_space<hbm>>
    tpu.enqueue_indirect_dma source(%dma_start3A_54 : memref<10000x128xf32, #tpu.memory_space<hbm>>) target(%arg10 : memref<128x128xf32, #tpu.memory_space<vmem>>) offsets(%dma_start3A_51 : memref<128xi32, #tpu.memory_space<vmem>>) semaphore(%arg13 : memref<!tpu.dma_semaphore, #tpu.memory_space<semaphore_mem>>)
    %dma_wait3A_55 = arith.constant 38 : i32
    %dma_wait3A_56 = arith.constant 0 : i32
    %dma_wait3A_57 = tpu.memref_slice %arg7[%dma_wait3A_55, %dma_wait3A_56] : memref<40x128xi32, #tpu.memory_space<vmem>> -> memref<1x128xi32, #tpu.memory_space<vmem>>
    %dma_wait3A_58 = tpu.memref_squeeze %dma_wait3A_57 : memref<1x128xi32, #tpu.memory_space<vmem>> -> memref<128xi32, #tpu.memory_space<vmem>>
    %dma_wait3A_59 = arith.constant 0 : i32
    %dma_wait3A_60 = arith.constant 0 : i32
    %dma_wait3A_61 = tpu.memref_slice %arg2[%dma_wait3A_59, %dma_wait3A_60] : memref<10000x128xf32, #tpu.memory_space<hbm>> -> memref<10000x128xf32, #tpu.memory_space<hbm>>
    tpu.wait_indirect_dma semaphore(%arg12 : memref<!tpu.dma_semaphore, #tpu.memory_space<semaphore_mem>>) src(%dma_wait3A_61 : memref<10000x128xf32, #tpu.memory_space<hbm>>) dst(%arg9 : memref<128x128xf32, #tpu.memory_space<vmem>>)
    %run_scoped3A_62 = arith.constant 38 : i32
    "tpu.region"() ({
      %run_scoped3A_79 = tpu.sem_alloc : memref<!tpu.dma_semaphore, #tpu.memory_space<semaphore_mem>>
      %dma_start3A_80 = arith.constant 0 : i32
      %dma_start3A_81 = tpu.memref_slice %arg8[%run_scoped3A_62, %dma_start3A_80] : memref<40x128xi32, #tpu.memory_space<vmem>> -> memref<1x128xi32, #tpu.memory_space<vmem>>
      %dma_start3A_82 = tpu.memref_squeeze %dma_start3A_81 : memref<1x128xi32, #tpu.memory_space<vmem>> -> memref<128xi32, #tpu.memory_space<vmem>>
      %dma_start3A_83 = arith.constant 0 : i32
      %dma_start3A_84 = arith.constant 0 : i32
      %dma_start3A_85 = tpu.memref_slice %arg11[%dma_start3A_83, %dma_start3A_84] : memref<10112x128xf32, #tpu.memory_space<vmem_shared>> -> memref<10112x128xf32, #tpu.memory_space<vmem_shared>>
      tpu.enqueue_indirect_dma source(%arg9 : memref<128x128xf32, #tpu.memory_space<vmem>>) target(%dma_start3A_85 : memref<10112x128xf32, #tpu.memory_space<vmem_shared>>) offsets(%dma_start3A_82 : memref<128xi32, #tpu.memory_space<vmem>>) semaphore(%run_scoped3A_79 : memref<!tpu.dma_semaphore, #tpu.memory_space<semaphore_mem>>) {add = true}
      %dma_wait3A_86 = arith.constant 0 : i32
      %dma_wait3A_87 = tpu.memref_slice %arg8[%run_scoped3A_62, %dma_wait3A_86] : memref<40x128xi32, #tpu.memory_space<vmem>> -> memref<1x128xi32, #tpu.memory_space<vmem>>
      %dma_wait3A_88 = tpu.memref_squeeze %dma_wait3A_87 : memref<1x128xi32, #tpu.memory_space<vmem>> -> memref<128xi32, #tpu.memory_space<vmem>>
      %dma_wait3A_89 = arith.constant 0 : i32
      %dma_wait3A_90 = arith.constant 0 : i32
      %dma_wait3A_91 = tpu.memref_slice %arg11[%dma_wait3A_89, %dma_wait3A_90] : memref<10112x128xf32, #tpu.memory_space<vmem_shared>> -> memref<10112x128xf32, #tpu.memory_space<vmem_shared>>
      tpu.wait_indirect_dma semaphore(%run_scoped3A_79 : memref<!tpu.dma_semaphore, #tpu.memory_space<semaphore_mem>>) src(%arg9 : memref<128x128xf32, #tpu.memory_space<vmem>>) dst(%dma_wait3A_91 : memref<10112x128xf32, #tpu.memory_space<vmem_shared>>)
      tpu.yield
    }) : () -> ()
    %dma_wait3A_63 = arith.constant 39 : i32
    %dma_wait3A_64 = arith.constant 0 : i32
    %dma_wait3A_65 = tpu.memref_slice %arg7[%dma_wait3A_63, %dma_wait3A_64] : memref<40x128xi32, #tpu.memory_space<vmem>> -> memref<1x128xi32, #tpu.memory_space<vmem>>
    %dma_wait3A_66 = tpu.memref_squeeze %dma_wait3A_65 : memref<1x128xi32, #tpu.memory_space<vmem>> -> memref<128xi32, #tpu.memory_space<vmem>>
    %dma_wait3A_67 = arith.constant 0 : i32
    %dma_wait3A_68 = arith.constant 0 : i32
    %dma_wait3A_69 = tpu.memref_slice %arg2[%dma_wait3A_67, %dma_wait3A_68] : memref<10000x128xf32, #tpu.memory_space<hbm>> -> memref<10000x128xf32, #tpu.memory_space<hbm>>
    tpu.wait_indirect_dma semaphore(%arg13 : memref<!tpu.dma_semaphore, #tpu.memory_space<semaphore_mem>>) src(%dma_wait3A_69 : memref<10000x128xf32, #tpu.memory_space<hbm>>) dst(%arg10 : memref<128x128xf32, #tpu.memory_space<vmem>>)
    %run_scoped3A_70 = arith.constant 39 : i32
    "tpu.region"() ({
      %run_scoped3A_79 = tpu.sem_alloc : memref<!tpu.dma_semaphore, #tpu.memory_space<semaphore_mem>>
      %dma_start3A_80 = arith.constant 0 : i32
      %dma_start3A_81 = tpu.memref_slice %arg8[%run_scoped3A_70, %dma_start3A_80] : memref<40x128xi32, #tpu.memory_space<vmem>> -> memref<1x128xi32, #tpu.memory_space<vmem>>
      %dma_start3A_82 = tpu.memref_squeeze %dma_start3A_81 : memref<1x128xi32, #tpu.memory_space<vmem>> -> memref<128xi32, #tpu.memory_space<vmem>>
      %dma_start3A_83 = arith.constant 0 : i32
      %dma_start3A_84 = arith.constant 0 : i32
      %dma_start3A_85 = tpu.memref_slice %arg11[%dma_start3A_83, %dma_start3A_84] : memref<10112x128xf32, #tpu.memory_space<vmem_shared>> -> memref<10112x128xf32, #tpu.memory_space<vmem_shared>>
      tpu.enqueue_indirect_dma source(%arg10 : memref<128x128xf32, #tpu.memory_space<vmem>>) target(%dma_start3A_85 : memref<10112x128xf32, #tpu.memory_space<vmem_shared>>) offsets(%dma_start3A_82 : memref<128xi32, #tpu.memory_space<vmem>>) semaphore(%run_scoped3A_79 : memref<!tpu.dma_semaphore, #tpu.memory_space<semaphore_mem>>) {add = true}
      %dma_wait3A_86 = arith.constant 0 : i32
      %dma_wait3A_87 = tpu.memref_slice %arg8[%run_scoped3A_70, %dma_wait3A_86] : memref<40x128xi32, #tpu.memory_space<vmem>> -> memref<1x128xi32, #tpu.memory_space<vmem>>
      %dma_wait3A_88 = tpu.memref_squeeze %dma_wait3A_87 : memref<1x128xi32, #tpu.memory_space<vmem>> -> memref<128xi32, #tpu.memory_space<vmem>>
      %dma_wait3A_89 = arith.constant 0 : i32
      %dma_wait3A_90 = arith.constant 0 : i32
      %dma_wait3A_91 = tpu.memref_slice %arg11[%dma_wait3A_89, %dma_wait3A_90] : memref<10112x128xf32, #tpu.memory_space<vmem_shared>> -> memref<10112x128xf32, #tpu.memory_space<vmem_shared>>
      tpu.wait_indirect_dma semaphore(%run_scoped3A_79 : memref<!tpu.dma_semaphore, #tpu.memory_space<semaphore_mem>>) src(%arg10 : memref<128x128xf32, #tpu.memory_space<vmem>>) dst(%dma_wait3A_91 : memref<10112x128xf32, #tpu.memory_space<vmem_shared>>)
      tpu.yield
    }) : () -> ()
    %barrier3A_71 = arith.constant 0 : index
    tpu.barrier barrier_id(%barrier3A_71)
    %mul3A_72 = arith.constant 10112 : i32
    %mul3A_73 = arith.muli %arg0, %mul3A_72 : i32
    %mul3A_74 = arith.constant 632 : i32
    %mul3A_75 = arith.muli %arg1, %mul3A_74 : i32
    %add3A_76 = arith.addi %mul3A_73, %mul3A_75 : i32
    %mul3A_77 = arith.constant 632 : i32
    %mul3A_78 = arith.muli %arg1, %mul3A_77 : i32
    "tpu.region"() ({
      %run_scoped3A_79 = tpu.sem_alloc : memref<!tpu.dma_semaphore, #tpu.memory_space<semaphore_mem>>
      %dma_start3A_80 = arith.constant 0 : i32
      %dma_start3A_81 = tpu.memref_slice %arg6[%add3A_76, %dma_start3A_80] : memref<20224x128xf32, #tpu.memory_space<hbm>> -> memref<632x128xf32, #tpu.memory_space<hbm>>
      %dma_start3A_82 = arith.constant 0 : i32
      %dma_start3A_83 = tpu.memref_slice %arg11[%mul3A_78, %dma_start3A_82] : memref<10112x128xf32, #tpu.memory_space<vmem_shared>> -> memref<632x128xf32, #tpu.memory_space<vmem_shared>>
      tpu.enqueue_dma source(%dma_start3A_83 : memref<632x128xf32, #tpu.memory_space<vmem_shared>>) target(%dma_start3A_81 : memref<632x128xf32, #tpu.memory_space<hbm>>) target_semaphore(%run_scoped3A_79 : memref<!tpu.dma_semaphore, #tpu.memory_space<semaphore_mem>>)
      %dma_wait3A_84 = arith.constant 0 : i32
      %dma_wait3A_85 = tpu.memref_slice %arg6[%add3A_76, %dma_wait3A_84] : memref<20224x128xf32, #tpu.memory_space<hbm>> -> memref<632x128xf32, #tpu.memory_space<hbm>>
      %dma_wait3A_86 = arith.constant 0 : i32
      %dma_wait3A_87 = tpu.memref_slice %arg11[%mul3A_78, %dma_wait3A_86] : memref<10112x128xf32, #tpu.memory_space<vmem_shared>> -> memref<632x128xf32, #tpu.memory_space<vmem_shared>>
      tpu.wait_dma2 semaphore(%run_scoped3A_79 : memref<!tpu.dma_semaphore, #tpu.memory_space<semaphore_mem>>) src(%dma_wait3A_87 : memref<632x128xf32, #tpu.memory_space<vmem_shared>>) dst(%dma_wait3A_85 : memref<632x128xf32, #tpu.memory_space<hbm>>)
      tpu.yield
    }) : () -> ()
    return
  }
}

#map = affine_map<(d0, d1) -> (0, 0)>
#map1 = affine_map<(d0, d1) -> (0, 0, 0)>
module attributes {stable_mosaic.version = 14 : i64} {
  func.func @conv_kernel(%arg0: i32, %arg1: i32, %arg2: memref<10000x128xf32, #tpu.memory_space<hbm>>, %arg3: memref<32x80x128xi32, #tpu.memory_space<hbm>>, %arg4: memref<32x80x128xi32, #tpu.memory_space<hbm>>, %arg5: memref<632x128xf32, #tpu.memory_space<hbm>>, %arg6: memref<20224x128xf32, #tpu.memory_space<hbm>>, %arg7: memref<40x128xi32, #tpu.memory_space<vmem>>, %arg8: memref<40x128xi32, #tpu.memory_space<vmem>>, %arg9: memref<128x128xf32, #tpu.memory_space<vmem>>, %arg10: memref<128x128xf32, #tpu.memory_space<vmem>>, %arg11: memref<10112x128xf32, #tpu.memory_space<vmem_shared>>, %arg12: memref<!tpu.dma_semaphore, #tpu.memory_space<semaphore_mem>>, %arg13: memref<!tpu.dma_semaphore, #tpu.memory_space<semaphore_mem>>) attributes {dimension_semantics = [#tpu.dimension_semantics<core_parallel>, #tpu.dimension_semantics<subcore_parallel>], iteration_bounds = array<i64: 2, 16>, scalar_prefetch = 0 : i64, scratch_operands = 7 : i64, tpu.core_type = #tpu.core_type<sc_vector_subcore>, window_params = [{transform_indices = #map}, {transform_indices = #map1}, {transform_indices = #map1}, {transform_indices = #map}, {transform_indices = #map}]} {
    %mul3A = arith.constant 16 : i32
    %mul3A_0 = arith.muli %arg0, %mul3A : i32
    %add3A = arith.addi %mul3A_0, %arg1 : i32
    %mul3A_1 = arith.constant 632 : i32
    %mul3A_2 = arith.muli %arg1, %mul3A_1 : i32
    "tpu.region"() ({
      %run_scoped3A_79 = tpu.sem_alloc : memref<!tpu.dma_semaphore, #tpu.memory_space<semaphore_mem>>
      %dma_start3A_80 = arith.constant 0 : i32
      %dma_start3A_81 = tpu.memref_slice %arg11[%mul3A_2, %dma_start3A_80] : memref<10112x128xf32, #tpu.memory_space<vmem_shared>> -> memref<632x128xf32, #tpu.memory_space<vmem_shared>>
      tpu.enqueue_dma source(%arg5 : memref<632x128xf32, #tpu.memory_space<hbm>>) target(%dma_start3A_81 : memref<632x128xf32, #tpu.memory_space<vmem_shared>>) target_semaphore(%run_scoped3A_79 : memref<!tpu.dma_semaphore, #tpu.memory_space<semaphore_mem>>)
      %dma_wait3A_82 = arith.constant 0 : i32
      %dma_wait3A_83 = tpu.memref_slice %arg11[%mul3A_2, %dma_wait3A_82] : memref<10112x128xf32, #tpu.memory_space<vmem_shared>> -> memref<632x128xf32, #tpu.memory_space<vmem_shared>>
      tpu.wait_dma2 semaphore(%run_scoped3A_79 : memref<!tpu.dma_semaphore, #tpu.memory_space<semaphore_mem>>) src(%arg5 : memref<632x128xf32, #tpu.memory_space<hbm>>) dst(%dma_wait3A_83 : memref<632x128xf32, #tpu.memory_space<vmem_shared>>)
      tpu.yield
    }) : () -> ()
    %barrier3A = arith.constant 0 : index
    tpu.barrier barrier_id(%barrier3A)
    "tpu.region"() ({
      %run_scoped3A_79 = tpu.sem_alloc : memref<!tpu.dma_semaphore, #tpu.memory_space<semaphore_mem>>
      %dma_start3A_80 = arith.constant 0 : i32
      %dma_start3A_81 = arith.constant 0 : i32
      %dma_start3A_82 = tpu.memref_slice %arg3[%add3A, %dma_start3A_80, %dma_start3A_81] : memref<32x80x128xi32, #tpu.memory_space<hbm>> -> memref<1x40x128xi32, #tpu.memory_space<hbm>>
      %dma_start3A_83 = tpu.memref_squeeze %dma_start3A_82 : memref<1x40x128xi32, #tpu.memory_space<hbm>> -> memref<40x128xi32, #tpu.memory_space<hbm>>
      %dma_start3A_84 = arith.constant 0 : i32
      %dma_start3A_85 = arith.constant 0 : i32
      %dma_start3A_86 = tpu.memref_slice %arg3[%add3A, %dma_start3A_84, %dma_start3A_85] : memref<32x80x128xi32, #tpu.memory_space<hbm>> -> memref<1x40x128xi32, #tpu.memory_space<hbm>>
      %dma_start3A_87 = tpu.memref_squeeze %dma_start3A_86 : memref<1x40x128xi32, #tpu.memory_space<hbm>> -> memref<40x128xi32, #tpu.memory_space<hbm>>
      tpu.enqueue_dma source(%dma_start3A_87 : memref<40x128xi32, #tpu.memory_space<hbm>>) target(%arg7 : memref<40x128xi32, #tpu.memory_space<vmem>>) target_semaphore(%run_scoped3A_79 : memref<!tpu.dma_semaphore, #tpu.memory_space<semaphore_mem>>)
      %dma_wait3A_88 = arith.constant 0 : i32
      %dma_wait3A_89 = arith.constant 0 : i32
      %dma_wait3A_90 = tpu.memref_slice %arg3[%add3A, %dma_wait3A_88, %dma_wait3A_89] : memref<32x80x128xi32, #tpu.memory_space<hbm>> -> memref<1x40x128xi32, #tpu.memory_space<hbm>>
      %dma_wait3A_91 = tpu.memref_squeeze %dma_wait3A_90 : memref<1x40x128xi32, #tpu.memory_space<hbm>> -> memref<40x128xi32, #tpu.memory_space<hbm>>
      %dma_wait3A_92 = arith.constant 0 : i32
      %dma_wait3A_93 = arith.constant 0 : i32
      %dma_wait3A_94 = tpu.memref_slice %arg3[%add3A, %dma_wait3A_92, %dma_wait3A_93] : memref<32x80x128xi32, #tpu.memory_space<hbm>> -> memref<1x40x128xi32, #tpu.memory_space<hbm>>
      %dma_wait3A_95 = tpu.memref_squeeze %dma_wait3A_94 : memref<1x40x128xi32, #tpu.memory_space<hbm>> -> memref<40x128xi32, #tpu.memory_space<hbm>>
      tpu.wait_dma2 semaphore(%run_scoped3A_79 : memref<!tpu.dma_semaphore, #tpu.memory_space<semaphore_mem>>) src(%dma_wait3A_95 : memref<40x128xi32, #tpu.memory_space<hbm>>) dst(%arg7 : memref<40x128xi32, #tpu.memory_space<vmem>>)
      tpu.yield
    }) : () -> ()
    "tpu.region"() ({
      %run_scoped3A_79 = tpu.sem_alloc : memref<!tpu.dma_semaphore, #tpu.memory_space<semaphore_mem>>
      %dma_start3A_80 = arith.constant 0 : i32
      %dma_start3A_81 = arith.constant 0 : i32
      %dma_start3A_82 = tpu.memref_slice %arg4[%add3A, %dma_start3A_80, %dma_start3A_81] : memref<32x80x128xi32, #tpu.memory_space<hbm>> -> memref<1x40x128xi32, #tpu.memory_space<hbm>>
      %dma_start3A_83 = tpu.memref_squeeze %dma_start3A_82 : memref<1x40x128xi32, #tpu.memory_space<hbm>> -> memref<40x128xi32, #tpu.memory_space<hbm>>
      %dma_start3A_84 = arith.constant 0 : i32
      %dma_start3A_85 = arith.constant 0 : i32
      %dma_start3A_86 = tpu.memref_slice %arg4[%add3A, %dma_start3A_84, %dma_start3A_85] : memref<32x80x128xi32, #tpu.memory_space<hbm>> -> memref<1x40x128xi32, #tpu.memory_space<hbm>>
      %dma_start3A_87 = tpu.memref_squeeze %dma_start3A_86 : memref<1x40x128xi32, #tpu.memory_space<hbm>> -> memref<40x128xi32, #tpu.memory_space<hbm>>
      tpu.enqueue_dma source(%dma_start3A_87 : memref<40x128xi32, #tpu.memory_space<hbm>>) target(%arg8 : memref<40x128xi32, #tpu.memory_space<vmem>>) target_semaphore(%run_scoped3A_79 : memref<!tpu.dma_semaphore, #tpu.memory_space<semaphore_mem>>)
      %dma_wait3A_88 = arith.constant 0 : i32
      %dma_wait3A_89 = arith.constant 0 : i32
      %dma_wait3A_90 = tpu.memref_slice %arg4[%add3A, %dma_wait3A_88, %dma_wait3A_89] : memref<32x80x128xi32, #tpu.memory_space<hbm>> -> memref<1x40x128xi32, #tpu.memory_space<hbm>>
      %dma_wait3A_91 = tpu.memref_squeeze %dma_wait3A_90 : memref<1x40x128xi32, #tpu.memory_space<hbm>> -> memref<40x128xi32, #tpu.memory_space<hbm>>
      %dma_wait3A_92 = arith.constant 0 : i32
      %dma_wait3A_93 = arith.constant 0 : i32
      %dma_wait3A_94 = tpu.memref_slice %arg4[%add3A, %dma_wait3A_92, %dma_wait3A_93] : memref<32x80x128xi32, #tpu.memory_space<hbm>> -> memref<1x40x128xi32, #tpu.memory_space<hbm>>
      %dma_wait3A_95 = tpu.memref_squeeze %dma_wait3A_94 : memref<1x40x128xi32, #tpu.memory_space<hbm>> -> memref<40x128xi32, #tpu.memory_space<hbm>>
      tpu.wait_dma2 semaphore(%run_scoped3A_79 : memref<!tpu.dma_semaphore, #tpu.memory_space<semaphore_mem>>) src(%dma_wait3A_95 : memref<40x128xi32, #tpu.memory_space<hbm>>) dst(%arg8 : memref<40x128xi32, #tpu.memory_space<vmem>>)
      tpu.yield
    }) : () -> ()
    %dma_start3A = arith.constant 0 : i32
    %dma_start3A_3 = arith.constant 0 : i32
    %dma_start3A_4 = tpu.memref_slice %arg7[%dma_start3A, %dma_start3A_3] : memref<40x128xi32, #tpu.memory_space<vmem>> -> memref<1x128xi32, #tpu.memory_space<vmem>>
    %dma_start3A_5 = tpu.memref_squeeze %dma_start3A_4 : memref<1x128xi32, #tpu.memory_space<vmem>> -> memref<128xi32, #tpu.memory_space<vmem>>
    %dma_start3A_6 = arith.constant 0 : i32
    %dma_start3A_7 = arith.constant 0 : i32
    %dma_start3A_8 = tpu.memref_slice %arg2[%dma_start3A_6, %dma_start3A_7] : memref<10000x128xf32, #tpu.memory_space<hbm>> -> memref<10000x128xf32, #tpu.memory_space<hbm>>
    tpu.enqueue_indirect_dma source(%dma_start3A_8 : memref<10000x128xf32, #tpu.memory_space<hbm>>) target(%arg9 : memref<128x128xf32, #tpu.memory_space<vmem>>) offsets(%dma_start3A_5 : memref<128xi32, #tpu.memory_space<vmem>>) semaphore(%arg12 : memref<!tpu.dma_semaphore, #tpu.memory_space<semaphore_mem>>)
    %scan3A = arith.constant 0 : i32
    %scan3A_9 = arith.constant 0 : i32
    %scan3A_10 = arith.constant 19 : i32
    %scan3A_11 = arith.addi %scan3A_9, %scan3A_10 : i32
    %scan3A_12 = arith.constant 1 : i32
    scf.for %scan3A_79 = %scan3A_9 to %scan3A_11 step %scan3A_12  : i32 {
      %mul3A_80 = arith.constant 2 : i32
      %mul3A_81 = arith.muli %mul3A_80, %scan3A_79 : i32
      %add3A_82 = arith.constant 1 : i32
      %add3A_83 = arith.addi %mul3A_81, %add3A_82 : i32
      %dma_start3A_84 = arith.constant 0 : i32
      %dma_start3A_85 = tpu.memref_slice %arg7[%add3A_83, %dma_start3A_84] : memref<40x128xi32, #tpu.memory_space<vmem>> -> memref<1x128xi32, #tpu.memory_space<vmem>>
      %dma_start3A_86 = tpu.memref_squeeze %dma_start3A_85 : memref<1x128xi32, #tpu.memory_space<vmem>> -> memref<128xi32, #tpu.memory_space<vmem>>
      %dma_start3A_87 = arith.constant 0 : i32
      %dma_start3A_88 = arith.constant 0 : i32
      %dma_start3A_89 = tpu.memref_slice %arg2[%dma_start3A_87, %dma_start3A_88] : memref<10000x128xf32, #tpu.memory_space<hbm>> -> memref<10000x128xf32, #tpu.memory_space<hbm>>
      tpu.enqueue_indirect_dma source(%dma_start3A_89 : memref<10000x128xf32, #tpu.memory_space<hbm>>) target(%arg10 : memref<128x128xf32, #tpu.memory_space<vmem>>) offsets(%dma_start3A_86 : memref<128xi32, #tpu.memory_space<vmem>>) semaphore(%arg13 : memref<!tpu.dma_semaphore, #tpu.memory_space<semaphore_mem>>)
      %dma_wait3A_90 = arith.constant 0 : i32
      %dma_wait3A_91 = tpu.memref_slice %arg7[%mul3A_81, %dma_wait3A_90] : memref<40x128xi32, #tpu.memory_space<vmem>> -> memref<1x128xi32, #tpu.memory_space<vmem>>
      %dma_wait3A_92 = tpu.memref_squeeze %dma_wait3A_91 : memref<1x128xi32, #tpu.memory_space<vmem>> -> memref<128xi32, #tpu.memory_space<vmem>>
      %dma_wait3A_93 = arith.constant 0 : i32
      %dma_wait3A_94 = arith.constant 0 : i32
      %dma_wait3A_95 = tpu.memref_slice %arg2[%dma_wait3A_93, %dma_wait3A_94] : memref<10000x128xf32, #tpu.memory_space<hbm>> -> memref<10000x128xf32, #tpu.memory_space<hbm>>
      tpu.wait_indirect_dma semaphore(%arg12 : memref<!tpu.dma_semaphore, #tpu.memory_space<semaphore_mem>>) src(%dma_wait3A_95 : memref<10000x128xf32, #tpu.memory_space<hbm>>) dst(%arg9 : memref<128x128xf32, #tpu.memory_space<vmem>>)
      "tpu.region"() ({
        %run_scoped3A_110 = tpu.sem_alloc : memref<!tpu.dma_semaphore, #tpu.memory_space<semaphore_mem>>
        %dma_start3A_111 = arith.constant 0 : i32
        %dma_start3A_112 = tpu.memref_slice %arg8[%mul3A_81, %dma_start3A_111] : memref<40x128xi32, #tpu.memory_space<vmem>> -> memref<1x128xi32, #tpu.memory_space<vmem>>
        %dma_start3A_113 = tpu.memref_squeeze %dma_start3A_112 : memref<1x128xi32, #tpu.memory_space<vmem>> -> memref<128xi32, #tpu.memory_space<vmem>>
        %dma_start3A_114 = arith.constant 0 : i32
        %dma_start3A_115 = arith.constant 0 : i32
        %dma_start3A_116 = tpu.memref_slice %arg11[%dma_start3A_114, %dma_start3A_115] : memref<10112x128xf32, #tpu.memory_space<vmem_shared>> -> memref<10112x128xf32, #tpu.memory_space<vmem_shared>>
        tpu.enqueue_indirect_dma source(%arg9 : memref<128x128xf32, #tpu.memory_space<vmem>>) target(%dma_start3A_116 : memref<10112x128xf32, #tpu.memory_space<vmem_shared>>) offsets(%dma_start3A_113 : memref<128xi32, #tpu.memory_space<vmem>>) semaphore(%run_scoped3A_110 : memref<!tpu.dma_semaphore, #tpu.memory_space<semaphore_mem>>) {add = true}
        %dma_wait3A_117 = arith.constant 0 : i32
        %dma_wait3A_118 = tpu.memref_slice %arg8[%mul3A_81, %dma_wait3A_117] : memref<40x128xi32, #tpu.memory_space<vmem>> -> memref<1x128xi32, #tpu.memory_space<vmem>>
        %dma_wait3A_119 = tpu.memref_squeeze %dma_wait3A_118 : memref<1x128xi32, #tpu.memory_space<vmem>> -> memref<128xi32, #tpu.memory_space<vmem>>
        %dma_wait3A_120 = arith.constant 0 : i32
        %dma_wait3A_121 = arith.constant 0 : i32
        %dma_wait3A_122 = tpu.memref_slice %arg11[%dma_wait3A_120, %dma_wait3A_121] : memref<10112x128xf32, #tpu.memory_space<vmem_shared>> -> memref<10112x128xf32, #tpu.memory_space<vmem_shared>>
        tpu.wait_indirect_dma semaphore(%run_scoped3A_110 : memref<!tpu.dma_semaphore, #tpu.memory_space<semaphore_mem>>) src(%arg9 : memref<128x128xf32, #tpu.memory_space<vmem>>) dst(%dma_wait3A_122 : memref<10112x128xf32, #tpu.memory_space<vmem_shared>>)
        tpu.yield
      }) : () -> ()
      %add3A_96 = arith.constant 2 : i32
      %add3A_97 = arith.addi %mul3A_81, %add3A_96 : i32
      %dma_start3A_98 = arith.constant 0 : i32
      %dma_start3A_99 = tpu.memref_slice %arg7[%add3A_97, %dma_start3A_98] : memref<40x128xi32, #tpu.memory_space<vmem>> -> memref<1x128xi32, #tpu.memory_space<vmem>>
      %dma_start3A_100 = tpu.memref_squeeze %dma_start3A_99 : memref<1x128xi32, #tpu.memory_space<vmem>> -> memref<128xi32, #tpu.memory_space<vmem>>
      %dma_start3A_101 = arith.constant 0 : i32
      %dma_start3A_102 = arith.constant 0 : i32
      %dma_start3A_103 = tpu.memref_slice %arg2[%dma_start3A_101, %dma_start3A_102] : memref<10000x128xf32, #tpu.memory_space<hbm>> -> memref<10000x128xf32, #tpu.memory_space<hbm>>
      tpu.enqueue_indirect_dma source(%dma_start3A_103 : memref<10000x128xf32, #tpu.memory_space<hbm>>) target(%arg9 : memref<128x128xf32, #tpu.memory_space<vmem>>) offsets(%dma_start3A_100 : memref<128xi32, #tpu.memory_space<vmem>>) semaphore(%arg12 : memref<!tpu.dma_semaphore, #tpu.memory_space<semaphore_mem>>)
      %dma_wait3A_104 = arith.constant 0 : i32
      %dma_wait3A_105 = tpu.memref_slice %arg7[%add3A_83, %dma_wait3A_104] : memref<40x128xi32, #tpu.memory_space<vmem>> -> memref<1x128xi32, #tpu.memory_space<vmem>>
      %dma_wait3A_106 = tpu.memref_squeeze %dma_wait3A_105 : memref<1x128xi32, #tpu.memory_space<vmem>> -> memref<128xi32, #tpu.memory_space<vmem>>
      %dma_wait3A_107 = arith.constant 0 : i32
      %dma_wait3A_108 = arith.constant 0 : i32
      %dma_wait3A_109 = tpu.memref_slice %arg2[%dma_wait3A_107, %dma_wait3A_108] : memref<10000x128xf32, #tpu.memory_space<hbm>> -> memref<10000x128xf32, #tpu.memory_space<hbm>>
      tpu.wait_indirect_dma semaphore(%arg13 : memref<!tpu.dma_semaphore, #tpu.memory_space<semaphore_mem>>) src(%dma_wait3A_109 : memref<10000x128xf32, #tpu.memory_space<hbm>>) dst(%arg10 : memref<128x128xf32, #tpu.memory_space<vmem>>)
      "tpu.region"() ({
        %run_scoped3A_110 = tpu.sem_alloc : memref<!tpu.dma_semaphore, #tpu.memory_space<semaphore_mem>>
        %dma_start3A_111 = arith.constant 0 : i32
        %dma_start3A_112 = tpu.memref_slice %arg8[%add3A_83, %dma_start3A_111] : memref<40x128xi32, #tpu.memory_space<vmem>> -> memref<1x128xi32, #tpu.memory_space<vmem>>
        %dma_start3A_113 = tpu.memref_squeeze %dma_start3A_112 : memref<1x128xi32, #tpu.memory_space<vmem>> -> memref<128xi32, #tpu.memory_space<vmem>>
        %dma_start3A_114 = arith.constant 0 : i32
        %dma_start3A_115 = arith.constant 0 : i32
        %dma_start3A_116 = tpu.memref_slice %arg11[%dma_start3A_114, %dma_start3A_115] : memref<10112x128xf32, #tpu.memory_space<vmem_shared>> -> memref<10112x128xf32, #tpu.memory_space<vmem_shared>>
        tpu.enqueue_indirect_dma source(%arg10 : memref<128x128xf32, #tpu.memory_space<vmem>>) target(%dma_start3A_116 : memref<10112x128xf32, #tpu.memory_space<vmem_shared>>) offsets(%dma_start3A_113 : memref<128xi32, #tpu.memory_space<vmem>>) semaphore(%run_scoped3A_110 : memref<!tpu.dma_semaphore, #tpu.memory_space<semaphore_mem>>) {add = true}
        %dma_wait3A_117 = arith.constant 0 : i32
        %dma_wait3A_118 = tpu.memref_slice %arg8[%add3A_83, %dma_wait3A_117] : memref<40x128xi32, #tpu.memory_space<vmem>> -> memref<1x128xi32, #tpu.memory_space<vmem>>
        %dma_wait3A_119 = tpu.memref_squeeze %dma_wait3A_118 : memref<1x128xi32, #tpu.memory_space<vmem>> -> memref<128xi32, #tpu.memory_space<vmem>>
        %dma_wait3A_120 = arith.constant 0 : i32
        %dma_wait3A_121 = arith.constant 0 : i32
        %dma_wait3A_122 = tpu.memref_slice %arg11[%dma_wait3A_120, %dma_wait3A_121] : memref<10112x128xf32, #tpu.memory_space<vmem_shared>> -> memref<10112x128xf32, #tpu.memory_space<vmem_shared>>
        tpu.wait_indirect_dma semaphore(%run_scoped3A_110 : memref<!tpu.dma_semaphore, #tpu.memory_space<semaphore_mem>>) src(%arg10 : memref<128x128xf32, #tpu.memory_space<vmem>>) dst(%dma_wait3A_122 : memref<10112x128xf32, #tpu.memory_space<vmem_shared>>)
        tpu.yield
      }) : () -> ()
    }
    %scan3A_13 = arith.constant 19 : i32
    %dma_start3A_14 = arith.constant 39 : i32
    %dma_start3A_15 = arith.constant 0 : i32
    %dma_start3A_16 = tpu.memref_slice %arg7[%dma_start3A_14, %dma_start3A_15] : memref<40x128xi32, #tpu.memory_space<vmem>> -> memref<1x128xi32, #tpu.memory_space<vmem>>
    %dma_start3A_17 = tpu.memref_squeeze %dma_start3A_16 : memref<1x128xi32, #tpu.memory_space<vmem>> -> memref<128xi32, #tpu.memory_space<vmem>>
    %dma_start3A_18 = arith.constant 0 : i32
    %dma_start3A_19 = arith.constant 0 : i32
    %dma_start3A_20 = tpu.memref_slice %arg2[%dma_start3A_18, %dma_start3A_19] : memref<10000x128xf32, #tpu.memory_space<hbm>> -> memref<10000x128xf32, #tpu.memory_space<hbm>>
    tpu.enqueue_indirect_dma source(%dma_start3A_20 : memref<10000x128xf32, #tpu.memory_space<hbm>>) target(%arg10 : memref<128x128xf32, #tpu.memory_space<vmem>>) offsets(%dma_start3A_17 : memref<128xi32, #tpu.memory_space<vmem>>) semaphore(%arg13 : memref<!tpu.dma_semaphore, #tpu.memory_space<semaphore_mem>>)
    %dma_wait3A = arith.constant 38 : i32
    %dma_wait3A_21 = arith.constant 0 : i32
    %dma_wait3A_22 = tpu.memref_slice %arg7[%dma_wait3A, %dma_wait3A_21] : memref<40x128xi32, #tpu.memory_space<vmem>> -> memref<1x128xi32, #tpu.memory_space<vmem>>
    %dma_wait3A_23 = tpu.memref_squeeze %dma_wait3A_22 : memref<1x128xi32, #tpu.memory_space<vmem>> -> memref<128xi32, #tpu.memory_space<vmem>>
    %dma_wait3A_24 = arith.constant 0 : i32
    %dma_wait3A_25 = arith.constant 0 : i32
    %dma_wait3A_26 = tpu.memref_slice %arg2[%dma_wait3A_24, %dma_wait3A_25] : memref<10000x128xf32, #tpu.memory_space<hbm>> -> memref<10000x128xf32, #tpu.memory_space<hbm>>
    tpu.wait_indirect_dma semaphore(%arg12 : memref<!tpu.dma_semaphore, #tpu.memory_space<semaphore_mem>>) src(%dma_wait3A_26 : memref<10000x128xf32, #tpu.memory_space<hbm>>) dst(%arg9 : memref<128x128xf32, #tpu.memory_space<vmem>>)
    %run_scoped3A = arith.constant 38 : i32
    "tpu.region"() ({
      %run_scoped3A_79 = tpu.sem_alloc : memref<!tpu.dma_semaphore, #tpu.memory_space<semaphore_mem>>
      %dma_start3A_80 = arith.constant 0 : i32
      %dma_start3A_81 = tpu.memref_slice %arg8[%run_scoped3A, %dma_start3A_80] : memref<40x128xi32, #tpu.memory_space<vmem>> -> memref<1x128xi32, #tpu.memory_space<vmem>>
      %dma_start3A_82 = tpu.memref_squeeze %dma_start3A_81 : memref<1x128xi32, #tpu.memory_space<vmem>> -> memref<128xi32, #tpu.memory_space<vmem>>
      %dma_start3A_83 = arith.constant 0 : i32
      %dma_start3A_84 = arith.constant 0 : i32
      %dma_start3A_85 = tpu.memref_slice %arg11[%dma_start3A_83, %dma_start3A_84] : memref<10112x128xf32, #tpu.memory_space<vmem_shared>> -> memref<10112x128xf32, #tpu.memory_space<vmem_shared>>
      tpu.enqueue_indirect_dma source(%arg9 : memref<128x128xf32, #tpu.memory_space<vmem>>) target(%dma_start3A_85 : memref<10112x128xf32, #tpu.memory_space<vmem_shared>>) offsets(%dma_start3A_82 : memref<128xi32, #tpu.memory_space<vmem>>) semaphore(%run_scoped3A_79 : memref<!tpu.dma_semaphore, #tpu.memory_space<semaphore_mem>>) {add = true}
      %dma_wait3A_86 = arith.constant 0 : i32
      %dma_wait3A_87 = tpu.memref_slice %arg8[%run_scoped3A, %dma_wait3A_86] : memref<40x128xi32, #tpu.memory_space<vmem>> -> memref<1x128xi32, #tpu.memory_space<vmem>>
      %dma_wait3A_88 = tpu.memref_squeeze %dma_wait3A_87 : memref<1x128xi32, #tpu.memory_space<vmem>> -> memref<128xi32, #tpu.memory_space<vmem>>
      %dma_wait3A_89 = arith.constant 0 : i32
      %dma_wait3A_90 = arith.constant 0 : i32
      %dma_wait3A_91 = tpu.memref_slice %arg11[%dma_wait3A_89, %dma_wait3A_90] : memref<10112x128xf32, #tpu.memory_space<vmem_shared>> -> memref<10112x128xf32, #tpu.memory_space<vmem_shared>>
      tpu.wait_indirect_dma semaphore(%run_scoped3A_79 : memref<!tpu.dma_semaphore, #tpu.memory_space<semaphore_mem>>) src(%arg9 : memref<128x128xf32, #tpu.memory_space<vmem>>) dst(%dma_wait3A_91 : memref<10112x128xf32, #tpu.memory_space<vmem_shared>>)
      tpu.yield
    }) : () -> ()
    %dma_wait3A_27 = arith.constant 39 : i32
    %dma_wait3A_28 = arith.constant 0 : i32
    %dma_wait3A_29 = tpu.memref_slice %arg7[%dma_wait3A_27, %dma_wait3A_28] : memref<40x128xi32, #tpu.memory_space<vmem>> -> memref<1x128xi32, #tpu.memory_space<vmem>>
    %dma_wait3A_30 = tpu.memref_squeeze %dma_wait3A_29 : memref<1x128xi32, #tpu.memory_space<vmem>> -> memref<128xi32, #tpu.memory_space<vmem>>
    %dma_wait3A_31 = arith.constant 0 : i32
    %dma_wait3A_32 = arith.constant 0 : i32
    %dma_wait3A_33 = tpu.memref_slice %arg2[%dma_wait3A_31, %dma_wait3A_32] : memref<10000x128xf32, #tpu.memory_space<hbm>> -> memref<10000x128xf32, #tpu.memory_space<hbm>>
    tpu.wait_indirect_dma semaphore(%arg13 : memref<!tpu.dma_semaphore, #tpu.memory_space<semaphore_mem>>) src(%dma_wait3A_33 : memref<10000x128xf32, #tpu.memory_space<hbm>>) dst(%arg10 : memref<128x128xf32, #tpu.memory_space<vmem>>)
    %run_scoped3A_34 = arith.constant 39 : i32
    "tpu.region"() ({
      %run_scoped3A_79 = tpu.sem_alloc : memref<!tpu.dma_semaphore, #tpu.memory_space<semaphore_mem>>
      %dma_start3A_80 = arith.constant 0 : i32
      %dma_start3A_81 = tpu.memref_slice %arg8[%run_scoped3A_34, %dma_start3A_80] : memref<40x128xi32, #tpu.memory_space<vmem>> -> memref<1x128xi32, #tpu.memory_space<vmem>>
      %dma_start3A_82 = tpu.memref_squeeze %dma_start3A_81 : memref<1x128xi32, #tpu.memory_space<vmem>> -> memref<128xi32, #tpu.memory_space<vmem>>
      %dma_start3A_83 = arith.constant 0 : i32
      %dma_start3A_84 = arith.constant 0 : i32
      %dma_start3A_85 = tpu.memref_slice %arg11[%dma_start3A_83, %dma_start3A_84] : memref<10112x128xf32, #tpu.memory_space<vmem_shared>> -> memref<10112x128xf32, #tpu.memory_space<vmem_shared>>
      tpu.enqueue_indirect_dma source(%arg10 : memref<128x128xf32, #tpu.memory_space<vmem>>) target(%dma_start3A_85 : memref<10112x128xf32, #tpu.memory_space<vmem_shared>>) offsets(%dma_start3A_82 : memref<128xi32, #tpu.memory_space<vmem>>) semaphore(%run_scoped3A_79 : memref<!tpu.dma_semaphore, #tpu.memory_space<semaphore_mem>>) {add = true}
      %dma_wait3A_86 = arith.constant 0 : i32
      %dma_wait3A_87 = tpu.memref_slice %arg8[%run_scoped3A_34, %dma_wait3A_86] : memref<40x128xi32, #tpu.memory_space<vmem>> -> memref<1x128xi32, #tpu.memory_space<vmem>>
      %dma_wait3A_88 = tpu.memref_squeeze %dma_wait3A_87 : memref<1x128xi32, #tpu.memory_space<vmem>> -> memref<128xi32, #tpu.memory_space<vmem>>
      %dma_wait3A_89 = arith.constant 0 : i32
      %dma_wait3A_90 = arith.constant 0 : i32
      %dma_wait3A_91 = tpu.memref_slice %arg11[%dma_wait3A_89, %dma_wait3A_90] : memref<10112x128xf32, #tpu.memory_space<vmem_shared>> -> memref<10112x128xf32, #tpu.memory_space<vmem_shared>>
      tpu.wait_indirect_dma semaphore(%run_scoped3A_79 : memref<!tpu.dma_semaphore, #tpu.memory_space<semaphore_mem>>) src(%arg10 : memref<128x128xf32, #tpu.memory_space<vmem>>) dst(%dma_wait3A_91 : memref<10112x128xf32, #tpu.memory_space<vmem_shared>>)
      tpu.yield
    }) : () -> ()
    "tpu.region"() ({
      %run_scoped3A_79 = tpu.sem_alloc : memref<!tpu.dma_semaphore, #tpu.memory_space<semaphore_mem>>
      %dma_start3A_80 = arith.constant 40 : i32
      %dma_start3A_81 = arith.constant 0 : i32
      %dma_start3A_82 = tpu.memref_slice %arg3[%add3A, %dma_start3A_80, %dma_start3A_81] : memref<32x80x128xi32, #tpu.memory_space<hbm>> -> memref<1x40x128xi32, #tpu.memory_space<hbm>>
      %dma_start3A_83 = tpu.memref_squeeze %dma_start3A_82 : memref<1x40x128xi32, #tpu.memory_space<hbm>> -> memref<40x128xi32, #tpu.memory_space<hbm>>
      %dma_start3A_84 = arith.constant 40 : i32
      %dma_start3A_85 = arith.constant 0 : i32
      %dma_start3A_86 = tpu.memref_slice %arg3[%add3A, %dma_start3A_84, %dma_start3A_85] : memref<32x80x128xi32, #tpu.memory_space<hbm>> -> memref<1x40x128xi32, #tpu.memory_space<hbm>>
      %dma_start3A_87 = tpu.memref_squeeze %dma_start3A_86 : memref<1x40x128xi32, #tpu.memory_space<hbm>> -> memref<40x128xi32, #tpu.memory_space<hbm>>
      tpu.enqueue_dma source(%dma_start3A_87 : memref<40x128xi32, #tpu.memory_space<hbm>>) target(%arg7 : memref<40x128xi32, #tpu.memory_space<vmem>>) target_semaphore(%run_scoped3A_79 : memref<!tpu.dma_semaphore, #tpu.memory_space<semaphore_mem>>)
      %dma_wait3A_88 = arith.constant 40 : i32
      %dma_wait3A_89 = arith.constant 0 : i32
      %dma_wait3A_90 = tpu.memref_slice %arg3[%add3A, %dma_wait3A_88, %dma_wait3A_89] : memref<32x80x128xi32, #tpu.memory_space<hbm>> -> memref<1x40x128xi32, #tpu.memory_space<hbm>>
      %dma_wait3A_91 = tpu.memref_squeeze %dma_wait3A_90 : memref<1x40x128xi32, #tpu.memory_space<hbm>> -> memref<40x128xi32, #tpu.memory_space<hbm>>
      %dma_wait3A_92 = arith.constant 40 : i32
      %dma_wait3A_93 = arith.constant 0 : i32
      %dma_wait3A_94 = tpu.memref_slice %arg3[%add3A, %dma_wait3A_92, %dma_wait3A_93] : memref<32x80x128xi32, #tpu.memory_space<hbm>> -> memref<1x40x128xi32, #tpu.memory_space<hbm>>
      %dma_wait3A_95 = tpu.memref_squeeze %dma_wait3A_94 : memref<1x40x128xi32, #tpu.memory_space<hbm>> -> memref<40x128xi32, #tpu.memory_space<hbm>>
      tpu.wait_dma2 semaphore(%run_scoped3A_79 : memref<!tpu.dma_semaphore, #tpu.memory_space<semaphore_mem>>) src(%dma_wait3A_95 : memref<40x128xi32, #tpu.memory_space<hbm>>) dst(%arg7 : memref<40x128xi32, #tpu.memory_space<vmem>>)
      tpu.yield
    }) : () -> ()
    "tpu.region"() ({
      %run_scoped3A_79 = tpu.sem_alloc : memref<!tpu.dma_semaphore, #tpu.memory_space<semaphore_mem>>
      %dma_start3A_80 = arith.constant 40 : i32
      %dma_start3A_81 = arith.constant 0 : i32
      %dma_start3A_82 = tpu.memref_slice %arg4[%add3A, %dma_start3A_80, %dma_start3A_81] : memref<32x80x128xi32, #tpu.memory_space<hbm>> -> memref<1x40x128xi32, #tpu.memory_space<hbm>>
      %dma_start3A_83 = tpu.memref_squeeze %dma_start3A_82 : memref<1x40x128xi32, #tpu.memory_space<hbm>> -> memref<40x128xi32, #tpu.memory_space<hbm>>
      %dma_start3A_84 = arith.constant 40 : i32
      %dma_start3A_85 = arith.constant 0 : i32
      %dma_start3A_86 = tpu.memref_slice %arg4[%add3A, %dma_start3A_84, %dma_start3A_85] : memref<32x80x128xi32, #tpu.memory_space<hbm>> -> memref<1x40x128xi32, #tpu.memory_space<hbm>>
      %dma_start3A_87 = tpu.memref_squeeze %dma_start3A_86 : memref<1x40x128xi32, #tpu.memory_space<hbm>> -> memref<40x128xi32, #tpu.memory_space<hbm>>
      tpu.enqueue_dma source(%dma_start3A_87 : memref<40x128xi32, #tpu.memory_space<hbm>>) target(%arg8 : memref<40x128xi32, #tpu.memory_space<vmem>>) target_semaphore(%run_scoped3A_79 : memref<!tpu.dma_semaphore, #tpu.memory_space<semaphore_mem>>)
      %dma_wait3A_88 = arith.constant 40 : i32
      %dma_wait3A_89 = arith.constant 0 : i32
      %dma_wait3A_90 = tpu.memref_slice %arg4[%add3A, %dma_wait3A_88, %dma_wait3A_89] : memref<32x80x128xi32, #tpu.memory_space<hbm>> -> memref<1x40x128xi32, #tpu.memory_space<hbm>>
      %dma_wait3A_91 = tpu.memref_squeeze %dma_wait3A_90 : memref<1x40x128xi32, #tpu.memory_space<hbm>> -> memref<40x128xi32, #tpu.memory_space<hbm>>
      %dma_wait3A_92 = arith.constant 40 : i32
      %dma_wait3A_93 = arith.constant 0 : i32
      %dma_wait3A_94 = tpu.memref_slice %arg4[%add3A, %dma_wait3A_92, %dma_wait3A_93] : memref<32x80x128xi32, #tpu.memory_space<hbm>> -> memref<1x40x128xi32, #tpu.memory_space<hbm>>
      %dma_wait3A_95 = tpu.memref_squeeze %dma_wait3A_94 : memref<1x40x128xi32, #tpu.memory_space<hbm>> -> memref<40x128xi32, #tpu.memory_space<hbm>>
      tpu.wait_dma2 semaphore(%run_scoped3A_79 : memref<!tpu.dma_semaphore, #tpu.memory_space<semaphore_mem>>) src(%dma_wait3A_95 : memref<40x128xi32, #tpu.memory_space<hbm>>) dst(%arg8 : memref<40x128xi32, #tpu.memory_space<vmem>>)
      tpu.yield
    }) : () -> ()
    %dma_start3A_35 = arith.constant 0 : i32
    %dma_start3A_36 = arith.constant 0 : i32
    %dma_start3A_37 = tpu.memref_slice %arg7[%dma_start3A_35, %dma_start3A_36] : memref<40x128xi32, #tpu.memory_space<vmem>> -> memref<1x128xi32, #tpu.memory_space<vmem>>
    %dma_start3A_38 = tpu.memref_squeeze %dma_start3A_37 : memref<1x128xi32, #tpu.memory_space<vmem>> -> memref<128xi32, #tpu.memory_space<vmem>>
    %dma_start3A_39 = arith.constant 0 : i32
    %dma_start3A_40 = arith.constant 0 : i32
    %dma_start3A_41 = tpu.memref_slice %arg2[%dma_start3A_39, %dma_start3A_40] : memref<10000x128xf32, #tpu.memory_space<hbm>> -> memref<10000x128xf32, #tpu.memory_space<hbm>>
    tpu.enqueue_indirect_dma source(%dma_start3A_41 : memref<10000x128xf32, #tpu.memory_space<hbm>>) target(%arg9 : memref<128x128xf32, #tpu.memory_space<vmem>>) offsets(%dma_start3A_38 : memref<128xi32, #tpu.memory_space<vmem>>) semaphore(%arg12 : memref<!tpu.dma_semaphore, #tpu.memory_space<semaphore_mem>>)
    %scan3A_42 = arith.constant 0 : i32
    %scan3A_43 = arith.constant 0 : i32
    %scan3A_44 = arith.constant 19 : i32
    %scan3A_45 = arith.addi %scan3A_43, %scan3A_44 : i32
    %scan3A_46 = arith.constant 1 : i32
    scf.for %scan3A_79 = %scan3A_43 to %scan3A_45 step %scan3A_46  : i32 {
      %mul3A_80 = arith.constant 2 : i32
      %mul3A_81 = arith.muli %mul3A_80, %scan3A_79 : i32
      %add3A_82 = arith.constant 1 : i32
      %add3A_83 = arith.addi %mul3A_81, %add3A_82 : i32
      %dma_start3A_84 = arith.constant 0 : i32
      %dma_start3A_85 = tpu.memref_slice %arg7[%add3A_83, %dma_start3A_84] : memref<40x128xi32, #tpu.memory_space<vmem>> -> memref<1x128xi32, #tpu.memory_space<vmem>>
      %dma_start3A_86 = tpu.memref_squeeze %dma_start3A_85 : memref<1x128xi32, #tpu.memory_space<vmem>> -> memref<128xi32, #tpu.memory_space<vmem>>
      %dma_start3A_87 = arith.constant 0 : i32
      %dma_start3A_88 = arith.constant 0 : i32
      %dma_start3A_89 = tpu.memref_slice %arg2[%dma_start3A_87, %dma_start3A_88] : memref<10000x128xf32, #tpu.memory_space<hbm>> -> memref<10000x128xf32, #tpu.memory_space<hbm>>
      tpu.enqueue_indirect_dma source(%dma_start3A_89 : memref<10000x128xf32, #tpu.memory_space<hbm>>) target(%arg10 : memref<128x128xf32, #tpu.memory_space<vmem>>) offsets(%dma_start3A_86 : memref<128xi32, #tpu.memory_space<vmem>>) semaphore(%arg13 : memref<!tpu.dma_semaphore, #tpu.memory_space<semaphore_mem>>)
      %dma_wait3A_90 = arith.constant 0 : i32
      %dma_wait3A_91 = tpu.memref_slice %arg7[%mul3A_81, %dma_wait3A_90] : memref<40x128xi32, #tpu.memory_space<vmem>> -> memref<1x128xi32, #tpu.memory_space<vmem>>
      %dma_wait3A_92 = tpu.memref_squeeze %dma_wait3A_91 : memref<1x128xi32, #tpu.memory_space<vmem>> -> memref<128xi32, #tpu.memory_space<vmem>>
      %dma_wait3A_93 = arith.constant 0 : i32
      %dma_wait3A_94 = arith.constant 0 : i32
      %dma_wait3A_95 = tpu.memref_slice %arg2[%dma_wait3A_93, %dma_wait3A_94] : memref<10000x128xf32, #tpu.memory_space<hbm>> -> memref<10000x128xf32, #tpu.memory_space<hbm>>
      tpu.wait_indirect_dma semaphore(%arg12 : memref<!tpu.dma_semaphore, #tpu.memory_space<semaphore_mem>>) src(%dma_wait3A_95 : memref<10000x128xf32, #tpu.memory_space<hbm>>) dst(%arg9 : memref<128x128xf32, #tpu.memory_space<vmem>>)
      "tpu.region"() ({
        %run_scoped3A_110 = tpu.sem_alloc : memref<!tpu.dma_semaphore, #tpu.memory_space<semaphore_mem>>
        %dma_start3A_111 = arith.constant 0 : i32
        %dma_start3A_112 = tpu.memref_slice %arg8[%mul3A_81, %dma_start3A_111] : memref<40x128xi32, #tpu.memory_space<vmem>> -> memref<1x128xi32, #tpu.memory_space<vmem>>
        %dma_start3A_113 = tpu.memref_squeeze %dma_start3A_112 : memref<1x128xi32, #tpu.memory_space<vmem>> -> memref<128xi32, #tpu.memory_space<vmem>>
        %dma_start3A_114 = arith.constant 0 : i32
        %dma_start3A_115 = arith.constant 0 : i32
        %dma_start3A_116 = tpu.memref_slice %arg11[%dma_start3A_114, %dma_start3A_115] : memref<10112x128xf32, #tpu.memory_space<vmem_shared>> -> memref<10112x128xf32, #tpu.memory_space<vmem_shared>>
        tpu.enqueue_indirect_dma source(%arg9 : memref<128x128xf32, #tpu.memory_space<vmem>>) target(%dma_start3A_116 : memref<10112x128xf32, #tpu.memory_space<vmem_shared>>) offsets(%dma_start3A_113 : memref<128xi32, #tpu.memory_space<vmem>>) semaphore(%run_scoped3A_110 : memref<!tpu.dma_semaphore, #tpu.memory_space<semaphore_mem>>) {add = true}
        %dma_wait3A_117 = arith.constant 0 : i32
        %dma_wait3A_118 = tpu.memref_slice %arg8[%mul3A_81, %dma_wait3A_117] : memref<40x128xi32, #tpu.memory_space<vmem>> -> memref<1x128xi32, #tpu.memory_space<vmem>>
        %dma_wait3A_119 = tpu.memref_squeeze %dma_wait3A_118 : memref<1x128xi32, #tpu.memory_space<vmem>> -> memref<128xi32, #tpu.memory_space<vmem>>
        %dma_wait3A_120 = arith.constant 0 : i32
        %dma_wait3A_121 = arith.constant 0 : i32
        %dma_wait3A_122 = tpu.memref_slice %arg11[%dma_wait3A_120, %dma_wait3A_121] : memref<10112x128xf32, #tpu.memory_space<vmem_shared>> -> memref<10112x128xf32, #tpu.memory_space<vmem_shared>>
        tpu.wait_indirect_dma semaphore(%run_scoped3A_110 : memref<!tpu.dma_semaphore, #tpu.memory_space<semaphore_mem>>) src(%arg9 : memref<128x128xf32, #tpu.memory_space<vmem>>) dst(%dma_wait3A_122 : memref<10112x128xf32, #tpu.memory_space<vmem_shared>>)
        tpu.yield
      }) : () -> ()
      %add3A_96 = arith.constant 2 : i32
      %add3A_97 = arith.addi %mul3A_81, %add3A_96 : i32
      %dma_start3A_98 = arith.constant 0 : i32
      %dma_start3A_99 = tpu.memref_slice %arg7[%add3A_97, %dma_start3A_98] : memref<40x128xi32, #tpu.memory_space<vmem>> -> memref<1x128xi32, #tpu.memory_space<vmem>>
      %dma_start3A_100 = tpu.memref_squeeze %dma_start3A_99 : memref<1x128xi32, #tpu.memory_space<vmem>> -> memref<128xi32, #tpu.memory_space<vmem>>
      %dma_start3A_101 = arith.constant 0 : i32
      %dma_start3A_102 = arith.constant 0 : i32
      %dma_start3A_103 = tpu.memref_slice %arg2[%dma_start3A_101, %dma_start3A_102] : memref<10000x128xf32, #tpu.memory_space<hbm>> -> memref<10000x128xf32, #tpu.memory_space<hbm>>
      tpu.enqueue_indirect_dma source(%dma_start3A_103 : memref<10000x128xf32, #tpu.memory_space<hbm>>) target(%arg9 : memref<128x128xf32, #tpu.memory_space<vmem>>) offsets(%dma_start3A_100 : memref<128xi32, #tpu.memory_space<vmem>>) semaphore(%arg12 : memref<!tpu.dma_semaphore, #tpu.memory_space<semaphore_mem>>)
      %dma_wait3A_104 = arith.constant 0 : i32
      %dma_wait3A_105 = tpu.memref_slice %arg7[%add3A_83, %dma_wait3A_104] : memref<40x128xi32, #tpu.memory_space<vmem>> -> memref<1x128xi32, #tpu.memory_space<vmem>>
      %dma_wait3A_106 = tpu.memref_squeeze %dma_wait3A_105 : memref<1x128xi32, #tpu.memory_space<vmem>> -> memref<128xi32, #tpu.memory_space<vmem>>
      %dma_wait3A_107 = arith.constant 0 : i32
      %dma_wait3A_108 = arith.constant 0 : i32
      %dma_wait3A_109 = tpu.memref_slice %arg2[%dma_wait3A_107, %dma_wait3A_108] : memref<10000x128xf32, #tpu.memory_space<hbm>> -> memref<10000x128xf32, #tpu.memory_space<hbm>>
      tpu.wait_indirect_dma semaphore(%arg13 : memref<!tpu.dma_semaphore, #tpu.memory_space<semaphore_mem>>) src(%dma_wait3A_109 : memref<10000x128xf32, #tpu.memory_space<hbm>>) dst(%arg10 : memref<128x128xf32, #tpu.memory_space<vmem>>)
      "tpu.region"() ({
        %run_scoped3A_110 = tpu.sem_alloc : memref<!tpu.dma_semaphore, #tpu.memory_space<semaphore_mem>>
        %dma_start3A_111 = arith.constant 0 : i32
        %dma_start3A_112 = tpu.memref_slice %arg8[%add3A_83, %dma_start3A_111] : memref<40x128xi32, #tpu.memory_space<vmem>> -> memref<1x128xi32, #tpu.memory_space<vmem>>
        %dma_start3A_113 = tpu.memref_squeeze %dma_start3A_112 : memref<1x128xi32, #tpu.memory_space<vmem>> -> memref<128xi32, #tpu.memory_space<vmem>>
        %dma_start3A_114 = arith.constant 0 : i32
        %dma_start3A_115 = arith.constant 0 : i32
        %dma_start3A_116 = tpu.memref_slice %arg11[%dma_start3A_114, %dma_start3A_115] : memref<10112x128xf32, #tpu.memory_space<vmem_shared>> -> memref<10112x128xf32, #tpu.memory_space<vmem_shared>>
        tpu.enqueue_indirect_dma source(%arg10 : memref<128x128xf32, #tpu.memory_space<vmem>>) target(%dma_start3A_116 : memref<10112x128xf32, #tpu.memory_space<vmem_shared>>) offsets(%dma_start3A_113 : memref<128xi32, #tpu.memory_space<vmem>>) semaphore(%run_scoped3A_110 : memref<!tpu.dma_semaphore, #tpu.memory_space<semaphore_mem>>) {add = true}
        %dma_wait3A_117 = arith.constant 0 : i32
        %dma_wait3A_118 = tpu.memref_slice %arg8[%add3A_83, %dma_wait3A_117] : memref<40x128xi32, #tpu.memory_space<vmem>> -> memref<1x128xi32, #tpu.memory_space<vmem>>
        %dma_wait3A_119 = tpu.memref_squeeze %dma_wait3A_118 : memref<1x128xi32, #tpu.memory_space<vmem>> -> memref<128xi32, #tpu.memory_space<vmem>>
        %dma_wait3A_120 = arith.constant 0 : i32
        %dma_wait3A_121 = arith.constant 0 : i32
        %dma_wait3A_122 = tpu.memref_slice %arg11[%dma_wait3A_120, %dma_wait3A_121] : memref<10112x128xf32, #tpu.memory_space<vmem_shared>> -> memref<10112x128xf32, #tpu.memory_space<vmem_shared>>
        tpu.wait_indirect_dma semaphore(%run_scoped3A_110 : memref<!tpu.dma_semaphore, #tpu.memory_space<semaphore_mem>>) src(%arg10 : memref<128x128xf32, #tpu.memory_space<vmem>>) dst(%dma_wait3A_122 : memref<10112x128xf32, #tpu.memory_space<vmem_shared>>)
        tpu.yield
      }) : () -> ()
    }
    %scan3A_47 = arith.constant 19 : i32
    %dma_start3A_48 = arith.constant 39 : i32
    %dma_start3A_49 = arith.constant 0 : i32
    %dma_start3A_50 = tpu.memref_slice %arg7[%dma_start3A_48, %dma_start3A_49] : memref<40x128xi32, #tpu.memory_space<vmem>> -> memref<1x128xi32, #tpu.memory_space<vmem>>
    %dma_start3A_51 = tpu.memref_squeeze %dma_start3A_50 : memref<1x128xi32, #tpu.memory_space<vmem>> -> memref<128xi32, #tpu.memory_space<vmem>>
    %dma_start3A_52 = arith.constant 0 : i32
    %dma_start3A_53 = arith.constant 0 : i32
    %dma_start3A_54 = tpu.memref_slice %arg2[%dma_start3A_52, %dma_start3A_53] : memref<10000x128xf32, #tpu.memory_space<hbm>> -> memref<10000x128xf32, #tpu.memory_space<hbm>>
    tpu.enqueue_indirect_dma source(%dma_start3A_54 : memref<10000x128xf32, #tpu.memory_space<hbm>>) target(%arg10 : memref<128x128xf32, #tpu.memory_space<vmem>>) offsets(%dma_start3A_51 : memref<128xi32, #tpu.memory_space<vmem>>) semaphore(%arg13 : memref<!tpu.dma_semaphore, #tpu.memory_space<semaphore_mem>>)
    %dma_wait3A_55 = arith.constant 38 : i32
    %dma_wait3A_56 = arith.constant 0 : i32
    %dma_wait3A_57 = tpu.memref_slice %arg7[%dma_wait3A_55, %dma_wait3A_56] : memref<40x128xi32, #tpu.memory_space<vmem>> -> memref<1x128xi32, #tpu.memory_space<vmem>>
    %dma_wait3A_58 = tpu.memref_squeeze %dma_wait3A_57 : memref<1x128xi32, #tpu.memory_space<vmem>> -> memref<128xi32, #tpu.memory_space<vmem>>
    %dma_wait3A_59 = arith.constant 0 : i32
    %dma_wait3A_60 = arith.constant 0 : i32
    %dma_wait3A_61 = tpu.memref_slice %arg2[%dma_wait3A_59, %dma_wait3A_60] : memref<10000x128xf32, #tpu.memory_space<hbm>> -> memref<10000x128xf32, #tpu.memory_space<hbm>>
    tpu.wait_indirect_dma semaphore(%arg12 : memref<!tpu.dma_semaphore, #tpu.memory_space<semaphore_mem>>) src(%dma_wait3A_61 : memref<10000x128xf32, #tpu.memory_space<hbm>>) dst(%arg9 : memref<128x128xf32, #tpu.memory_space<vmem>>)
    %run_scoped3A_62 = arith.constant 38 : i32
    "tpu.region"() ({
      %run_scoped3A_79 = tpu.sem_alloc : memref<!tpu.dma_semaphore, #tpu.memory_space<semaphore_mem>>
      %dma_start3A_80 = arith.constant 0 : i32
      %dma_start3A_81 = tpu.memref_slice %arg8[%run_scoped3A_62, %dma_start3A_80] : memref<40x128xi32, #tpu.memory_space<vmem>> -> memref<1x128xi32, #tpu.memory_space<vmem>>
      %dma_start3A_82 = tpu.memref_squeeze %dma_start3A_81 : memref<1x128xi32, #tpu.memory_space<vmem>> -> memref<128xi32, #tpu.memory_space<vmem>>
      %dma_start3A_83 = arith.constant 0 : i32
      %dma_start3A_84 = arith.constant 0 : i32
      %dma_start3A_85 = tpu.memref_slice %arg11[%dma_start3A_83, %dma_start3A_84] : memref<10112x128xf32, #tpu.memory_space<vmem_shared>> -> memref<10112x128xf32, #tpu.memory_space<vmem_shared>>
      tpu.enqueue_indirect_dma source(%arg9 : memref<128x128xf32, #tpu.memory_space<vmem>>) target(%dma_start3A_85 : memref<10112x128xf32, #tpu.memory_space<vmem_shared>>) offsets(%dma_start3A_82 : memref<128xi32, #tpu.memory_space<vmem>>) semaphore(%run_scoped3A_79 : memref<!tpu.dma_semaphore, #tpu.memory_space<semaphore_mem>>) {add = true}
      %dma_wait3A_86 = arith.constant 0 : i32
      %dma_wait3A_87 = tpu.memref_slice %arg8[%run_scoped3A_62, %dma_wait3A_86] : memref<40x128xi32, #tpu.memory_space<vmem>> -> memref<1x128xi32, #tpu.memory_space<vmem>>
      %dma_wait3A_88 = tpu.memref_squeeze %dma_wait3A_87 : memref<1x128xi32, #tpu.memory_space<vmem>> -> memref<128xi32, #tpu.memory_space<vmem>>
      %dma_wait3A_89 = arith.constant 0 : i32
      %dma_wait3A_90 = arith.constant 0 : i32
      %dma_wait3A_91 = tpu.memref_slice %arg11[%dma_wait3A_89, %dma_wait3A_90] : memref<10112x128xf32, #tpu.memory_space<vmem_shared>> -> memref<10112x128xf32, #tpu.memory_space<vmem_shared>>
      tpu.wait_indirect_dma semaphore(%run_scoped3A_79 : memref<!tpu.dma_semaphore, #tpu.memory_space<semaphore_mem>>) src(%arg9 : memref<128x128xf32, #tpu.memory_space<vmem>>) dst(%dma_wait3A_91 : memref<10112x128xf32, #tpu.memory_space<vmem_shared>>)
      tpu.yield
    }) : () -> ()
    %dma_wait3A_63 = arith.constant 39 : i32
    %dma_wait3A_64 = arith.constant 0 : i32
    %dma_wait3A_65 = tpu.memref_slice %arg7[%dma_wait3A_63, %dma_wait3A_64] : memref<40x128xi32, #tpu.memory_space<vmem>> -> memref<1x128xi32, #tpu.memory_space<vmem>>
    %dma_wait3A_66 = tpu.memref_squeeze %dma_wait3A_65 : memref<1x128xi32, #tpu.memory_space<vmem>> -> memref<128xi32, #tpu.memory_space<vmem>>
    %dma_wait3A_67 = arith.constant 0 : i32
    %dma_wait3A_68 = arith.constant 0 : i32
    %dma_wait3A_69 = tpu.memref_slice %arg2[%dma_wait3A_67, %dma_wait3A_68] : memref<10000x128xf32, #tpu.memory_space<hbm>> -> memref<10000x128xf32, #tpu.memory_space<hbm>>
    tpu.wait_indirect_dma semaphore(%arg13 : memref<!tpu.dma_semaphore, #tpu.memory_space<semaphore_mem>>) src(%dma_wait3A_69 : memref<10000x128xf32, #tpu.memory_space<hbm>>) dst(%arg10 : memref<128x128xf32, #tpu.memory_space<vmem>>)
    %run_scoped3A_70 = arith.constant 39 : i32
    "tpu.region"() ({
      %run_scoped3A_79 = tpu.sem_alloc : memref<!tpu.dma_semaphore, #tpu.memory_space<semaphore_mem>>
      %dma_start3A_80 = arith.constant 0 : i32
      %dma_start3A_81 = tpu.memref_slice %arg8[%run_scoped3A_70, %dma_start3A_80] : memref<40x128xi32, #tpu.memory_space<vmem>> -> memref<1x128xi32, #tpu.memory_space<vmem>>
      %dma_start3A_82 = tpu.memref_squeeze %dma_start3A_81 : memref<1x128xi32, #tpu.memory_space<vmem>> -> memref<128xi32, #tpu.memory_space<vmem>>
      %dma_start3A_83 = arith.constant 0 : i32
      %dma_start3A_84 = arith.constant 0 : i32
      %dma_start3A_85 = tpu.memref_slice %arg11[%dma_start3A_83, %dma_start3A_84] : memref<10112x128xf32, #tpu.memory_space<vmem_shared>> -> memref<10112x128xf32, #tpu.memory_space<vmem_shared>>
      tpu.enqueue_indirect_dma source(%arg10 : memref<128x128xf32, #tpu.memory_space<vmem>>) target(%dma_start3A_85 : memref<10112x128xf32, #tpu.memory_space<vmem_shared>>) offsets(%dma_start3A_82 : memref<128xi32, #tpu.memory_space<vmem>>) semaphore(%run_scoped3A_79 : memref<!tpu.dma_semaphore, #tpu.memory_space<semaphore_mem>>) {add = true}
      %dma_wait3A_86 = arith.constant 0 : i32
      %dma_wait3A_87 = tpu.memref_slice %arg8[%run_scoped3A_70, %dma_wait3A_86] : memref<40x128xi32, #tpu.memory_space<vmem>> -> memref<1x128xi32, #tpu.memory_space<vmem>>
      %dma_wait3A_88 = tpu.memref_squeeze %dma_wait3A_87 : memref<1x128xi32, #tpu.memory_space<vmem>> -> memref<128xi32, #tpu.memory_space<vmem>>
      %dma_wait3A_89 = arith.constant 0 : i32
      %dma_wait3A_90 = arith.constant 0 : i32
      %dma_wait3A_91 = tpu.memref_slice %arg11[%dma_wait3A_89, %dma_wait3A_90] : memref<10112x128xf32, #tpu.memory_space<vmem_shared>> -> memref<10112x128xf32, #tpu.memory_space<vmem_shared>>
      tpu.wait_indirect_dma semaphore(%run_scoped3A_79 : memref<!tpu.dma_semaphore, #tpu.memory_space<semaphore_mem>>) src(%arg10 : memref<128x128xf32, #tpu.memory_space<vmem>>) dst(%dma_wait3A_91 : memref<10112x128xf32, #tpu.memory_space<vmem_shared>>)
      tpu.yield
    }) : () -> ()
    %barrier3A_71 = arith.constant 0 : index
    tpu.barrier barrier_id(%barrier3A_71)
    %mul3A_72 = arith.constant 10112 : i32
    %mul3A_73 = arith.muli %arg0, %mul3A_72 : i32
    %mul3A_74 = arith.constant 632 : i32
    %mul3A_75 = arith.muli %arg1, %mul3A_74 : i32
    %add3A_76 = arith.addi %mul3A_73, %mul3A_75 : i32
    %mul3A_77 = arith.constant 632 : i32
    %mul3A_78 = arith.muli %arg1, %mul3A_77 : i32
    "tpu.region"() ({
      %run_scoped3A_79 = tpu.sem_alloc : memref<!tpu.dma_semaphore, #tpu.memory_space<semaphore_mem>>
      %dma_start3A_80 = arith.constant 0 : i32
      %dma_start3A_81 = tpu.memref_slice %arg6[%add3A_76, %dma_start3A_80] : memref<20224x128xf32, #tpu.memory_space<hbm>> -> memref<632x128xf32, #tpu.memory_space<hbm>>
      %dma_start3A_82 = arith.constant 0 : i32
      %dma_start3A_83 = tpu.memref_slice %arg11[%mul3A_78, %dma_start3A_82] : memref<10112x128xf32, #tpu.memory_space<vmem_shared>> -> memref<632x128xf32, #tpu.memory_space<vmem_shared>>
      tpu.enqueue_dma source(%dma_start3A_83 : memref<632x128xf32, #tpu.memory_space<vmem_shared>>) target(%dma_start3A_81 : memref<632x128xf32, #tpu.memory_space<hbm>>) target_semaphore(%run_scoped3A_79 : memref<!tpu.dma_semaphore, #tpu.memory_space<semaphore_mem>>)
      %dma_wait3A_84 = arith.constant 0 : i32
      %dma_wait3A_85 = tpu.memref_slice %arg6[%add3A_76, %dma_wait3A_84] : memref<20224x128xf32, #tpu.memory_space<hbm>> -> memref<632x128xf32, #tpu.memory_space<hbm>>
      %dma_wait3A_86 = arith.constant 0 : i32
      %dma_wait3A_87 = tpu.memref_slice %arg11[%mul3A_78, %dma_wait3A_86] : memref<10112x128xf32, #tpu.memory_space<vmem_shared>> -> memref<632x128xf32, #tpu.memory_space<vmem_shared>>
      tpu.wait_dma2 semaphore(%run_scoped3A_79 : memref<!tpu.dma_semaphore, #tpu.memory_space<semaphore_mem>>) src(%dma_wait3A_87 : memref<632x128xf32, #tpu.memory_space<vmem_shared>>) dst(%dma_wait3A_85 : memref<632x128xf32, #tpu.memory_space<hbm>>)
      tpu.yield
    }) : () -> ()
    return
  }
}

#map = affine_map<(d0, d1) -> (0, 0, 0)>
#map1 = affine_map<(d0, d1) -> (0, 0)>
module attributes {stable_mosaic.version = 14 : i64} {
  func.func @deg_kernel(%arg0: i32, %arg1: i32, %arg2: memref<32x80x128xi32, #tpu.memory_space<hbm>>, %arg3: memref<128x128xf32, #tpu.memory_space<hbm>>, %arg4: memref<632x128xf32, #tpu.memory_space<hbm>>, %arg5: memref<20224x128xf32, #tpu.memory_space<hbm>>, %arg6: memref<80x128xi32, #tpu.memory_space<vmem>>, %arg7: memref<128x128xf32, #tpu.memory_space<vmem>>, %arg8: memref<10112x128xf32, #tpu.memory_space<vmem_shared>>) attributes {dimension_semantics = [#tpu.dimension_semantics<core_parallel>, #tpu.dimension_semantics<subcore_parallel>], iteration_bounds = array<i64: 2, 16>, scalar_prefetch = 0 : i64, scratch_operands = 3 : i64, tpu.core_type = #tpu.core_type<sc_vector_subcore>, window_params = [{transform_indices = #map}, {transform_indices = #map1}, {transform_indices = #map1}, {transform_indices = #map1}]} {
    %mul3A = arith.constant 16 : i32
    %mul3A_0 = arith.muli %arg0, %mul3A : i32
    %add3A = arith.addi %mul3A_0, %arg1 : i32
    %mul3A_1 = arith.constant 632 : i32
    %mul3A_2 = arith.muli %arg1, %mul3A_1 : i32
    "tpu.region"() ({
      %run_scoped3A = tpu.sem_alloc : memref<!tpu.dma_semaphore, #tpu.memory_space<semaphore_mem>>
      %dma_start3A = arith.constant 0 : i32
      %dma_start3A_16 = tpu.memref_slice %arg8[%mul3A_2, %dma_start3A] : memref<10112x128xf32, #tpu.memory_space<vmem_shared>> -> memref<632x128xf32, #tpu.memory_space<vmem_shared>>
      tpu.enqueue_dma source(%arg4 : memref<632x128xf32, #tpu.memory_space<hbm>>) target(%dma_start3A_16 : memref<632x128xf32, #tpu.memory_space<vmem_shared>>) target_semaphore(%run_scoped3A : memref<!tpu.dma_semaphore, #tpu.memory_space<semaphore_mem>>)
      %dma_wait3A = arith.constant 0 : i32
      %dma_wait3A_17 = tpu.memref_slice %arg8[%mul3A_2, %dma_wait3A] : memref<10112x128xf32, #tpu.memory_space<vmem_shared>> -> memref<632x128xf32, #tpu.memory_space<vmem_shared>>
      tpu.wait_dma2 semaphore(%run_scoped3A : memref<!tpu.dma_semaphore, #tpu.memory_space<semaphore_mem>>) src(%arg4 : memref<632x128xf32, #tpu.memory_space<hbm>>) dst(%dma_wait3A_17 : memref<632x128xf32, #tpu.memory_space<vmem_shared>>)
      tpu.yield
    }) : () -> ()
    "tpu.region"() ({
      %run_scoped3A = tpu.sem_alloc : memref<!tpu.dma_semaphore, #tpu.memory_space<semaphore_mem>>
      tpu.enqueue_dma source(%arg3 : memref<128x128xf32, #tpu.memory_space<hbm>>) target(%arg7 : memref<128x128xf32, #tpu.memory_space<vmem>>) target_semaphore(%run_scoped3A : memref<!tpu.dma_semaphore, #tpu.memory_space<semaphore_mem>>)
      tpu.wait_dma2 semaphore(%run_scoped3A : memref<!tpu.dma_semaphore, #tpu.memory_space<semaphore_mem>>) src(%arg3 : memref<128x128xf32, #tpu.memory_space<hbm>>) dst(%arg7 : memref<128x128xf32, #tpu.memory_space<vmem>>)
      tpu.yield
    }) : () -> ()
    "tpu.region"() ({
      %run_scoped3A = tpu.sem_alloc : memref<!tpu.dma_semaphore, #tpu.memory_space<semaphore_mem>>
      %dma_start3A = arith.constant 0 : i32
      %dma_start3A_16 = arith.constant 0 : i32
      %dma_start3A_17 = tpu.memref_slice %arg2[%add3A, %dma_start3A, %dma_start3A_16] : memref<32x80x128xi32, #tpu.memory_space<hbm>> -> memref<1x80x128xi32, #tpu.memory_space<hbm>>
      %dma_start3A_18 = tpu.memref_squeeze %dma_start3A_17 : memref<1x80x128xi32, #tpu.memory_space<hbm>> -> memref<80x128xi32, #tpu.memory_space<hbm>>
      %dma_start3A_19 = arith.constant 0 : i32
      %dma_start3A_20 = arith.constant 0 : i32
      %dma_start3A_21 = tpu.memref_slice %arg2[%add3A, %dma_start3A_19, %dma_start3A_20] : memref<32x80x128xi32, #tpu.memory_space<hbm>> -> memref<1x80x128xi32, #tpu.memory_space<hbm>>
      %dma_start3A_22 = tpu.memref_squeeze %dma_start3A_21 : memref<1x80x128xi32, #tpu.memory_space<hbm>> -> memref<80x128xi32, #tpu.memory_space<hbm>>
      tpu.enqueue_dma source(%dma_start3A_22 : memref<80x128xi32, #tpu.memory_space<hbm>>) target(%arg6 : memref<80x128xi32, #tpu.memory_space<vmem>>) target_semaphore(%run_scoped3A : memref<!tpu.dma_semaphore, #tpu.memory_space<semaphore_mem>>)
      %dma_wait3A = arith.constant 0 : i32
      %dma_wait3A_23 = arith.constant 0 : i32
      %dma_wait3A_24 = tpu.memref_slice %arg2[%add3A, %dma_wait3A, %dma_wait3A_23] : memref<32x80x128xi32, #tpu.memory_space<hbm>> -> memref<1x80x128xi32, #tpu.memory_space<hbm>>
      %dma_wait3A_25 = tpu.memref_squeeze %dma_wait3A_24 : memref<1x80x128xi32, #tpu.memory_space<hbm>> -> memref<80x128xi32, #tpu.memory_space<hbm>>
      %dma_wait3A_26 = arith.constant 0 : i32
      %dma_wait3A_27 = arith.constant 0 : i32
      %dma_wait3A_28 = tpu.memref_slice %arg2[%add3A, %dma_wait3A_26, %dma_wait3A_27] : memref<32x80x128xi32, #tpu.memory_space<hbm>> -> memref<1x80x128xi32, #tpu.memory_space<hbm>>
      %dma_wait3A_29 = tpu.memref_squeeze %dma_wait3A_28 : memref<1x80x128xi32, #tpu.memory_space<hbm>> -> memref<80x128xi32, #tpu.memory_space<hbm>>
      tpu.wait_dma2 semaphore(%run_scoped3A : memref<!tpu.dma_semaphore, #tpu.memory_space<semaphore_mem>>) src(%dma_wait3A_29 : memref<80x128xi32, #tpu.memory_space<hbm>>) dst(%arg6 : memref<80x128xi32, #tpu.memory_space<vmem>>)
      tpu.yield
    }) : () -> ()
    %barrier3A = arith.constant 0 : index
    tpu.barrier barrier_id(%barrier3A)
    %scan3A = arith.constant 0 : i32
    %scan3A_3 = arith.constant 0 : i32
    %scan3A_4 = arith.constant 80 : i32
    %scan3A_5 = arith.addi %scan3A_3, %scan3A_4 : i32
    %scan3A_6 = arith.constant 1 : i32
    scf.for %scan3A_16 = %scan3A_3 to %scan3A_5 step %scan3A_6  : i32 {
      "tpu.region"() ({
        %run_scoped3A = tpu.sem_alloc : memref<!tpu.dma_semaphore, #tpu.memory_space<semaphore_mem>>
        %dma_start3A = arith.constant 0 : i32
        %dma_start3A_17 = tpu.memref_slice %arg6[%scan3A_16, %dma_start3A] : memref<80x128xi32, #tpu.memory_space<vmem>> -> memref<1x128xi32, #tpu.memory_space<vmem>>
        %dma_start3A_18 = tpu.memref_squeeze %dma_start3A_17 : memref<1x128xi32, #tpu.memory_space<vmem>> -> memref<128xi32, #tpu.memory_space<vmem>>
        %dma_start3A_19 = arith.constant 0 : i32
        %dma_start3A_20 = arith.constant 0 : i32
        %dma_start3A_21 = tpu.memref_slice %arg8[%dma_start3A_19, %dma_start3A_20] : memref<10112x128xf32, #tpu.memory_space<vmem_shared>> -> memref<10112x128xf32, #tpu.memory_space<vmem_shared>>
        tpu.enqueue_indirect_dma source(%arg7 : memref<128x128xf32, #tpu.memory_space<vmem>>) target(%dma_start3A_21 : memref<10112x128xf32, #tpu.memory_space<vmem_shared>>) offsets(%dma_start3A_18 : memref<128xi32, #tpu.memory_space<vmem>>) semaphore(%run_scoped3A : memref<!tpu.dma_semaphore, #tpu.memory_space<semaphore_mem>>) {add = true}
        %dma_wait3A = arith.constant 0 : i32
        %dma_wait3A_22 = tpu.memref_slice %arg6[%scan3A_16, %dma_wait3A] : memref<80x128xi32, #tpu.memory_space<vmem>> -> memref<1x128xi32, #tpu.memory_space<vmem>>
        %dma_wait3A_23 = tpu.memref_squeeze %dma_wait3A_22 : memref<1x128xi32, #tpu.memory_space<vmem>> -> memref<128xi32, #tpu.memory_space<vmem>>
        %dma_wait3A_24 = arith.constant 0 : i32
        %dma_wait3A_25 = arith.constant 0 : i32
        %dma_wait3A_26 = tpu.memref_slice %arg8[%dma_wait3A_24, %dma_wait3A_25] : memref<10112x128xf32, #tpu.memory_space<vmem_shared>> -> memref<10112x128xf32, #tpu.memory_space<vmem_shared>>
        tpu.wait_indirect_dma semaphore(%run_scoped3A : memref<!tpu.dma_semaphore, #tpu.memory_space<semaphore_mem>>) src(%arg7 : memref<128x128xf32, #tpu.memory_space<vmem>>) dst(%dma_wait3A_26 : memref<10112x128xf32, #tpu.memory_space<vmem_shared>>)
        tpu.yield
      }) : () -> ()
    }
    %scan3A_7 = arith.constant 80 : i32
    %barrier3A_8 = arith.constant 0 : index
    tpu.barrier barrier_id(%barrier3A_8)
    %mul3A_9 = arith.constant 10112 : i32
    %mul3A_10 = arith.muli %arg0, %mul3A_9 : i32
    %mul3A_11 = arith.constant 632 : i32
    %mul3A_12 = arith.muli %arg1, %mul3A_11 : i32
    %add3A_13 = arith.addi %mul3A_10, %mul3A_12 : i32
    %mul3A_14 = arith.constant 632 : i32
    %mul3A_15 = arith.muli %arg1, %mul3A_14 : i32
    "tpu.region"() ({
      %run_scoped3A = tpu.sem_alloc : memref<!tpu.dma_semaphore, #tpu.memory_space<semaphore_mem>>
      %dma_start3A = arith.constant 0 : i32
      %dma_start3A_16 = tpu.memref_slice %arg5[%add3A_13, %dma_start3A] : memref<20224x128xf32, #tpu.memory_space<hbm>> -> memref<632x128xf32, #tpu.memory_space<hbm>>
      %dma_start3A_17 = arith.constant 0 : i32
      %dma_start3A_18 = tpu.memref_slice %arg8[%mul3A_15, %dma_start3A_17] : memref<10112x128xf32, #tpu.memory_space<vmem_shared>> -> memref<632x128xf32, #tpu.memory_space<vmem_shared>>
      tpu.enqueue_dma source(%dma_start3A_18 : memref<632x128xf32, #tpu.memory_space<vmem_shared>>) target(%dma_start3A_16 : memref<632x128xf32, #tpu.memory_space<hbm>>) target_semaphore(%run_scoped3A : memref<!tpu.dma_semaphore, #tpu.memory_space<semaphore_mem>>)
      %dma_wait3A = arith.constant 0 : i32
      %dma_wait3A_19 = tpu.memref_slice %arg5[%add3A_13, %dma_wait3A] : memref<20224x128xf32, #tpu.memory_space<hbm>> -> memref<632x128xf32, #tpu.memory_space<hbm>>
      %dma_wait3A_20 = arith.constant 0 : i32
      %dma_wait3A_21 = tpu.memref_slice %arg8[%mul3A_15, %dma_wait3A_20] : memref<10112x128xf32, #tpu.memory_space<vmem_shared>> -> memref<632x128xf32, #tpu.memory_space<vmem_shared>>
      tpu.wait_dma2 semaphore(%run_scoped3A : memref<!tpu.dma_semaphore, #tpu.memory_space<semaphore_mem>>) src(%dma_wait3A_21 : memref<632x128xf32, #tpu.memory_space<vmem_shared>>) dst(%dma_wait3A_19 : memref<632x128xf32, #tpu.memory_space<hbm>>)
      tpu.yield
    }) : () -> ()
    return
  }
}

#map = affine_map<(d0, d1) -> (0, 0)>
#map1 = affine_map<(d0, d1) -> (0, 0, 0)>
module attributes {stable_mosaic.version = 14 : i64} {
  func.func @conv_kernel(%arg0: i32, %arg1: i32, %arg2: memref<10000x128xf32, #tpu.memory_space<hbm>>, %arg3: memref<32x80x128xi32, #tpu.memory_space<hbm>>, %arg4: memref<32x80x128xi32, #tpu.memory_space<hbm>>, %arg5: memref<632x128xf32, #tpu.memory_space<hbm>>, %arg6: memref<20224x128xf32, #tpu.memory_space<hbm>>, %arg7: memref<40x128xi32, #tpu.memory_space<vmem>>, %arg8: memref<40x128xi32, #tpu.memory_space<vmem>>, %arg9: memref<128x128xf32, #tpu.memory_space<vmem>>, %arg10: memref<128x128xf32, #tpu.memory_space<vmem>>, %arg11: memref<10112x128xf32, #tpu.memory_space<vmem_shared>>, %arg12: memref<!tpu.dma_semaphore, #tpu.memory_space<semaphore_mem>>, %arg13: memref<!tpu.dma_semaphore, #tpu.memory_space<semaphore_mem>>) attributes {dimension_semantics = [#tpu.dimension_semantics<core_parallel>, #tpu.dimension_semantics<subcore_parallel>], iteration_bounds = array<i64: 2, 16>, scalar_prefetch = 0 : i64, scratch_operands = 7 : i64, tpu.core_type = #tpu.core_type<sc_vector_subcore>, window_params = [{transform_indices = #map}, {transform_indices = #map1}, {transform_indices = #map1}, {transform_indices = #map}, {transform_indices = #map}]} {
    %mul3A = arith.constant 16 : i32
    %mul3A_0 = arith.muli %arg0, %mul3A : i32
    %add3A = arith.addi %mul3A_0, %arg1 : i32
    %mul3A_1 = arith.constant 632 : i32
    %mul3A_2 = arith.muli %arg1, %mul3A_1 : i32
    "tpu.region"() ({
      %run_scoped3A_79 = tpu.sem_alloc : memref<!tpu.dma_semaphore, #tpu.memory_space<semaphore_mem>>
      %dma_start3A_80 = arith.constant 0 : i32
      %dma_start3A_81 = tpu.memref_slice %arg11[%mul3A_2, %dma_start3A_80] : memref<10112x128xf32, #tpu.memory_space<vmem_shared>> -> memref<632x128xf32, #tpu.memory_space<vmem_shared>>
      tpu.enqueue_dma source(%arg5 : memref<632x128xf32, #tpu.memory_space<hbm>>) target(%dma_start3A_81 : memref<632x128xf32, #tpu.memory_space<vmem_shared>>) target_semaphore(%run_scoped3A_79 : memref<!tpu.dma_semaphore, #tpu.memory_space<semaphore_mem>>)
      %dma_wait3A_82 = arith.constant 0 : i32
      %dma_wait3A_83 = tpu.memref_slice %arg11[%mul3A_2, %dma_wait3A_82] : memref<10112x128xf32, #tpu.memory_space<vmem_shared>> -> memref<632x128xf32, #tpu.memory_space<vmem_shared>>
      tpu.wait_dma2 semaphore(%run_scoped3A_79 : memref<!tpu.dma_semaphore, #tpu.memory_space<semaphore_mem>>) src(%arg5 : memref<632x128xf32, #tpu.memory_space<hbm>>) dst(%dma_wait3A_83 : memref<632x128xf32, #tpu.memory_space<vmem_shared>>)
      tpu.yield
    }) : () -> ()
    %barrier3A = arith.constant 0 : index
    tpu.barrier barrier_id(%barrier3A)
    "tpu.region"() ({
      %run_scoped3A_79 = tpu.sem_alloc : memref<!tpu.dma_semaphore, #tpu.memory_space<semaphore_mem>>
      %dma_start3A_80 = arith.constant 0 : i32
      %dma_start3A_81 = arith.constant 0 : i32
      %dma_start3A_82 = tpu.memref_slice %arg3[%add3A, %dma_start3A_80, %dma_start3A_81] : memref<32x80x128xi32, #tpu.memory_space<hbm>> -> memref<1x40x128xi32, #tpu.memory_space<hbm>>
      %dma_start3A_83 = tpu.memref_squeeze %dma_start3A_82 : memref<1x40x128xi32, #tpu.memory_space<hbm>> -> memref<40x128xi32, #tpu.memory_space<hbm>>
      %dma_start3A_84 = arith.constant 0 : i32
      %dma_start3A_85 = arith.constant 0 : i32
      %dma_start3A_86 = tpu.memref_slice %arg3[%add3A, %dma_start3A_84, %dma_start3A_85] : memref<32x80x128xi32, #tpu.memory_space<hbm>> -> memref<1x40x128xi32, #tpu.memory_space<hbm>>
      %dma_start3A_87 = tpu.memref_squeeze %dma_start3A_86 : memref<1x40x128xi32, #tpu.memory_space<hbm>> -> memref<40x128xi32, #tpu.memory_space<hbm>>
      tpu.enqueue_dma source(%dma_start3A_87 : memref<40x128xi32, #tpu.memory_space<hbm>>) target(%arg7 : memref<40x128xi32, #tpu.memory_space<vmem>>) target_semaphore(%run_scoped3A_79 : memref<!tpu.dma_semaphore, #tpu.memory_space<semaphore_mem>>)
      %dma_wait3A_88 = arith.constant 0 : i32
      %dma_wait3A_89 = arith.constant 0 : i32
      %dma_wait3A_90 = tpu.memref_slice %arg3[%add3A, %dma_wait3A_88, %dma_wait3A_89] : memref<32x80x128xi32, #tpu.memory_space<hbm>> -> memref<1x40x128xi32, #tpu.memory_space<hbm>>
      %dma_wait3A_91 = tpu.memref_squeeze %dma_wait3A_90 : memref<1x40x128xi32, #tpu.memory_space<hbm>> -> memref<40x128xi32, #tpu.memory_space<hbm>>
      %dma_wait3A_92 = arith.constant 0 : i32
      %dma_wait3A_93 = arith.constant 0 : i32
      %dma_wait3A_94 = tpu.memref_slice %arg3[%add3A, %dma_wait3A_92, %dma_wait3A_93] : memref<32x80x128xi32, #tpu.memory_space<hbm>> -> memref<1x40x128xi32, #tpu.memory_space<hbm>>
      %dma_wait3A_95 = tpu.memref_squeeze %dma_wait3A_94 : memref<1x40x128xi32, #tpu.memory_space<hbm>> -> memref<40x128xi32, #tpu.memory_space<hbm>>
      tpu.wait_dma2 semaphore(%run_scoped3A_79 : memref<!tpu.dma_semaphore, #tpu.memory_space<semaphore_mem>>) src(%dma_wait3A_95 : memref<40x128xi32, #tpu.memory_space<hbm>>) dst(%arg7 : memref<40x128xi32, #tpu.memory_space<vmem>>)
      tpu.yield
    }) : () -> ()
    "tpu.region"() ({
      %run_scoped3A_79 = tpu.sem_alloc : memref<!tpu.dma_semaphore, #tpu.memory_space<semaphore_mem>>
      %dma_start3A_80 = arith.constant 0 : i32
      %dma_start3A_81 = arith.constant 0 : i32
      %dma_start3A_82 = tpu.memref_slice %arg4[%add3A, %dma_start3A_80, %dma_start3A_81] : memref<32x80x128xi32, #tpu.memory_space<hbm>> -> memref<1x40x128xi32, #tpu.memory_space<hbm>>
      %dma_start3A_83 = tpu.memref_squeeze %dma_start3A_82 : memref<1x40x128xi32, #tpu.memory_space<hbm>> -> memref<40x128xi32, #tpu.memory_space<hbm>>
      %dma_start3A_84 = arith.constant 0 : i32
      %dma_start3A_85 = arith.constant 0 : i32
      %dma_start3A_86 = tpu.memref_slice %arg4[%add3A, %dma_start3A_84, %dma_start3A_85] : memref<32x80x128xi32, #tpu.memory_space<hbm>> -> memref<1x40x128xi32, #tpu.memory_space<hbm>>
      %dma_start3A_87 = tpu.memref_squeeze %dma_start3A_86 : memref<1x40x128xi32, #tpu.memory_space<hbm>> -> memref<40x128xi32, #tpu.memory_space<hbm>>
      tpu.enqueue_dma source(%dma_start3A_87 : memref<40x128xi32, #tpu.memory_space<hbm>>) target(%arg8 : memref<40x128xi32, #tpu.memory_space<vmem>>) target_semaphore(%run_scoped3A_79 : memref<!tpu.dma_semaphore, #tpu.memory_space<semaphore_mem>>)
      %dma_wait3A_88 = arith.constant 0 : i32
      %dma_wait3A_89 = arith.constant 0 : i32
      %dma_wait3A_90 = tpu.memref_slice %arg4[%add3A, %dma_wait3A_88, %dma_wait3A_89] : memref<32x80x128xi32, #tpu.memory_space<hbm>> -> memref<1x40x128xi32, #tpu.memory_space<hbm>>
      %dma_wait3A_91 = tpu.memref_squeeze %dma_wait3A_90 : memref<1x40x128xi32, #tpu.memory_space<hbm>> -> memref<40x128xi32, #tpu.memory_space<hbm>>
      %dma_wait3A_92 = arith.constant 0 : i32
      %dma_wait3A_93 = arith.constant 0 : i32
      %dma_wait3A_94 = tpu.memref_slice %arg4[%add3A, %dma_wait3A_92, %dma_wait3A_93] : memref<32x80x128xi32, #tpu.memory_space<hbm>> -> memref<1x40x128xi32, #tpu.memory_space<hbm>>
      %dma_wait3A_95 = tpu.memref_squeeze %dma_wait3A_94 : memref<1x40x128xi32, #tpu.memory_space<hbm>> -> memref<40x128xi32, #tpu.memory_space<hbm>>
      tpu.wait_dma2 semaphore(%run_scoped3A_79 : memref<!tpu.dma_semaphore, #tpu.memory_space<semaphore_mem>>) src(%dma_wait3A_95 : memref<40x128xi32, #tpu.memory_space<hbm>>) dst(%arg8 : memref<40x128xi32, #tpu.memory_space<vmem>>)
      tpu.yield
    }) : () -> ()
    %dma_start3A = arith.constant 0 : i32
    %dma_start3A_3 = arith.constant 0 : i32
    %dma_start3A_4 = tpu.memref_slice %arg7[%dma_start3A, %dma_start3A_3] : memref<40x128xi32, #tpu.memory_space<vmem>> -> memref<1x128xi32, #tpu.memory_space<vmem>>
    %dma_start3A_5 = tpu.memref_squeeze %dma_start3A_4 : memref<1x128xi32, #tpu.memory_space<vmem>> -> memref<128xi32, #tpu.memory_space<vmem>>
    %dma_start3A_6 = arith.constant 0 : i32
    %dma_start3A_7 = arith.constant 0 : i32
    %dma_start3A_8 = tpu.memref_slice %arg2[%dma_start3A_6, %dma_start3A_7] : memref<10000x128xf32, #tpu.memory_space<hbm>> -> memref<10000x128xf32, #tpu.memory_space<hbm>>
    tpu.enqueue_indirect_dma source(%dma_start3A_8 : memref<10000x128xf32, #tpu.memory_space<hbm>>) target(%arg9 : memref<128x128xf32, #tpu.memory_space<vmem>>) offsets(%dma_start3A_5 : memref<128xi32, #tpu.memory_space<vmem>>) semaphore(%arg12 : memref<!tpu.dma_semaphore, #tpu.memory_space<semaphore_mem>>)
    %scan3A = arith.constant 0 : i32
    %scan3A_9 = arith.constant 0 : i32
    %scan3A_10 = arith.constant 19 : i32
    %scan3A_11 = arith.addi %scan3A_9, %scan3A_10 : i32
    %scan3A_12 = arith.constant 1 : i32
    scf.for %scan3A_79 = %scan3A_9 to %scan3A_11 step %scan3A_12  : i32 {
      %mul3A_80 = arith.constant 2 : i32
      %mul3A_81 = arith.muli %mul3A_80, %scan3A_79 : i32
      %add3A_82 = arith.constant 1 : i32
      %add3A_83 = arith.addi %mul3A_81, %add3A_82 : i32
      %dma_start3A_84 = arith.constant 0 : i32
      %dma_start3A_85 = tpu.memref_slice %arg7[%add3A_83, %dma_start3A_84] : memref<40x128xi32, #tpu.memory_space<vmem>> -> memref<1x128xi32, #tpu.memory_space<vmem>>
      %dma_start3A_86 = tpu.memref_squeeze %dma_start3A_85 : memref<1x128xi32, #tpu.memory_space<vmem>> -> memref<128xi32, #tpu.memory_space<vmem>>
      %dma_start3A_87 = arith.constant 0 : i32
      %dma_start3A_88 = arith.constant 0 : i32
      %dma_start3A_89 = tpu.memref_slice %arg2[%dma_start3A_87, %dma_start3A_88] : memref<10000x128xf32, #tpu.memory_space<hbm>> -> memref<10000x128xf32, #tpu.memory_space<hbm>>
      tpu.enqueue_indirect_dma source(%dma_start3A_89 : memref<10000x128xf32, #tpu.memory_space<hbm>>) target(%arg10 : memref<128x128xf32, #tpu.memory_space<vmem>>) offsets(%dma_start3A_86 : memref<128xi32, #tpu.memory_space<vmem>>) semaphore(%arg13 : memref<!tpu.dma_semaphore, #tpu.memory_space<semaphore_mem>>)
      %dma_wait3A_90 = arith.constant 0 : i32
      %dma_wait3A_91 = tpu.memref_slice %arg7[%mul3A_81, %dma_wait3A_90] : memref<40x128xi32, #tpu.memory_space<vmem>> -> memref<1x128xi32, #tpu.memory_space<vmem>>
      %dma_wait3A_92 = tpu.memref_squeeze %dma_wait3A_91 : memref<1x128xi32, #tpu.memory_space<vmem>> -> memref<128xi32, #tpu.memory_space<vmem>>
      %dma_wait3A_93 = arith.constant 0 : i32
      %dma_wait3A_94 = arith.constant 0 : i32
      %dma_wait3A_95 = tpu.memref_slice %arg2[%dma_wait3A_93, %dma_wait3A_94] : memref<10000x128xf32, #tpu.memory_space<hbm>> -> memref<10000x128xf32, #tpu.memory_space<hbm>>
      tpu.wait_indirect_dma semaphore(%arg12 : memref<!tpu.dma_semaphore, #tpu.memory_space<semaphore_mem>>) src(%dma_wait3A_95 : memref<10000x128xf32, #tpu.memory_space<hbm>>) dst(%arg9 : memref<128x128xf32, #tpu.memory_space<vmem>>)
      "tpu.region"() ({
        %run_scoped3A_110 = tpu.sem_alloc : memref<!tpu.dma_semaphore, #tpu.memory_space<semaphore_mem>>
        %dma_start3A_111 = arith.constant 0 : i32
        %dma_start3A_112 = tpu.memref_slice %arg8[%mul3A_81, %dma_start3A_111] : memref<40x128xi32, #tpu.memory_space<vmem>> -> memref<1x128xi32, #tpu.memory_space<vmem>>
        %dma_start3A_113 = tpu.memref_squeeze %dma_start3A_112 : memref<1x128xi32, #tpu.memory_space<vmem>> -> memref<128xi32, #tpu.memory_space<vmem>>
        %dma_start3A_114 = arith.constant 0 : i32
        %dma_start3A_115 = arith.constant 0 : i32
        %dma_start3A_116 = tpu.memref_slice %arg11[%dma_start3A_114, %dma_start3A_115] : memref<10112x128xf32, #tpu.memory_space<vmem_shared>> -> memref<10112x128xf32, #tpu.memory_space<vmem_shared>>
        tpu.enqueue_indirect_dma source(%arg9 : memref<128x128xf32, #tpu.memory_space<vmem>>) target(%dma_start3A_116 : memref<10112x128xf32, #tpu.memory_space<vmem_shared>>) offsets(%dma_start3A_113 : memref<128xi32, #tpu.memory_space<vmem>>) semaphore(%run_scoped3A_110 : memref<!tpu.dma_semaphore, #tpu.memory_space<semaphore_mem>>) {add = true}
        %dma_wait3A_117 = arith.constant 0 : i32
        %dma_wait3A_118 = tpu.memref_slice %arg8[%mul3A_81, %dma_wait3A_117] : memref<40x128xi32, #tpu.memory_space<vmem>> -> memref<1x128xi32, #tpu.memory_space<vmem>>
        %dma_wait3A_119 = tpu.memref_squeeze %dma_wait3A_118 : memref<1x128xi32, #tpu.memory_space<vmem>> -> memref<128xi32, #tpu.memory_space<vmem>>
        %dma_wait3A_120 = arith.constant 0 : i32
        %dma_wait3A_121 = arith.constant 0 : i32
        %dma_wait3A_122 = tpu.memref_slice %arg11[%dma_wait3A_120, %dma_wait3A_121] : memref<10112x128xf32, #tpu.memory_space<vmem_shared>> -> memref<10112x128xf32, #tpu.memory_space<vmem_shared>>
        tpu.wait_indirect_dma semaphore(%run_scoped3A_110 : memref<!tpu.dma_semaphore, #tpu.memory_space<semaphore_mem>>) src(%arg9 : memref<128x128xf32, #tpu.memory_space<vmem>>) dst(%dma_wait3A_122 : memref<10112x128xf32, #tpu.memory_space<vmem_shared>>)
        tpu.yield
      }) : () -> ()
      %add3A_96 = arith.constant 2 : i32
      %add3A_97 = arith.addi %mul3A_81, %add3A_96 : i32
      %dma_start3A_98 = arith.constant 0 : i32
      %dma_start3A_99 = tpu.memref_slice %arg7[%add3A_97, %dma_start3A_98] : memref<40x128xi32, #tpu.memory_space<vmem>> -> memref<1x128xi32, #tpu.memory_space<vmem>>
      %dma_start3A_100 = tpu.memref_squeeze %dma_start3A_99 : memref<1x128xi32, #tpu.memory_space<vmem>> -> memref<128xi32, #tpu.memory_space<vmem>>
      %dma_start3A_101 = arith.constant 0 : i32
      %dma_start3A_102 = arith.constant 0 : i32
      %dma_start3A_103 = tpu.memref_slice %arg2[%dma_start3A_101, %dma_start3A_102] : memref<10000x128xf32, #tpu.memory_space<hbm>> -> memref<10000x128xf32, #tpu.memory_space<hbm>>
      tpu.enqueue_indirect_dma source(%dma_start3A_103 : memref<10000x128xf32, #tpu.memory_space<hbm>>) target(%arg9 : memref<128x128xf32, #tpu.memory_space<vmem>>) offsets(%dma_start3A_100 : memref<128xi32, #tpu.memory_space<vmem>>) semaphore(%arg12 : memref<!tpu.dma_semaphore, #tpu.memory_space<semaphore_mem>>)
      %dma_wait3A_104 = arith.constant 0 : i32
      %dma_wait3A_105 = tpu.memref_slice %arg7[%add3A_83, %dma_wait3A_104] : memref<40x128xi32, #tpu.memory_space<vmem>> -> memref<1x128xi32, #tpu.memory_space<vmem>>
      %dma_wait3A_106 = tpu.memref_squeeze %dma_wait3A_105 : memref<1x128xi32, #tpu.memory_space<vmem>> -> memref<128xi32, #tpu.memory_space<vmem>>
      %dma_wait3A_107 = arith.constant 0 : i32
      %dma_wait3A_108 = arith.constant 0 : i32
      %dma_wait3A_109 = tpu.memref_slice %arg2[%dma_wait3A_107, %dma_wait3A_108] : memref<10000x128xf32, #tpu.memory_space<hbm>> -> memref<10000x128xf32, #tpu.memory_space<hbm>>
      tpu.wait_indirect_dma semaphore(%arg13 : memref<!tpu.dma_semaphore, #tpu.memory_space<semaphore_mem>>) src(%dma_wait3A_109 : memref<10000x128xf32, #tpu.memory_space<hbm>>) dst(%arg10 : memref<128x128xf32, #tpu.memory_space<vmem>>)
      "tpu.region"() ({
        %run_scoped3A_110 = tpu.sem_alloc : memref<!tpu.dma_semaphore, #tpu.memory_space<semaphore_mem>>
        %dma_start3A_111 = arith.constant 0 : i32
        %dma_start3A_112 = tpu.memref_slice %arg8[%add3A_83, %dma_start3A_111] : memref<40x128xi32, #tpu.memory_space<vmem>> -> memref<1x128xi32, #tpu.memory_space<vmem>>
        %dma_start3A_113 = tpu.memref_squeeze %dma_start3A_112 : memref<1x128xi32, #tpu.memory_space<vmem>> -> memref<128xi32, #tpu.memory_space<vmem>>
        %dma_start3A_114 = arith.constant 0 : i32
        %dma_start3A_115 = arith.constant 0 : i32
        %dma_start3A_116 = tpu.memref_slice %arg11[%dma_start3A_114, %dma_start3A_115] : memref<10112x128xf32, #tpu.memory_space<vmem_shared>> -> memref<10112x128xf32, #tpu.memory_space<vmem_shared>>
        tpu.enqueue_indirect_dma source(%arg10 : memref<128x128xf32, #tpu.memory_space<vmem>>) target(%dma_start3A_116 : memref<10112x128xf32, #tpu.memory_space<vmem_shared>>) offsets(%dma_start3A_113 : memref<128xi32, #tpu.memory_space<vmem>>) semaphore(%run_scoped3A_110 : memref<!tpu.dma_semaphore, #tpu.memory_space<semaphore_mem>>) {add = true}
        %dma_wait3A_117 = arith.constant 0 : i32
        %dma_wait3A_118 = tpu.memref_slice %arg8[%add3A_83, %dma_wait3A_117] : memref<40x128xi32, #tpu.memory_space<vmem>> -> memref<1x128xi32, #tpu.memory_space<vmem>>
        %dma_wait3A_119 = tpu.memref_squeeze %dma_wait3A_118 : memref<1x128xi32, #tpu.memory_space<vmem>> -> memref<128xi32, #tpu.memory_space<vmem>>
        %dma_wait3A_120 = arith.constant 0 : i32
        %dma_wait3A_121 = arith.constant 0 : i32
        %dma_wait3A_122 = tpu.memref_slice %arg11[%dma_wait3A_120, %dma_wait3A_121] : memref<10112x128xf32, #tpu.memory_space<vmem_shared>> -> memref<10112x128xf32, #tpu.memory_space<vmem_shared>>
        tpu.wait_indirect_dma semaphore(%run_scoped3A_110 : memref<!tpu.dma_semaphore, #tpu.memory_space<semaphore_mem>>) src(%arg10 : memref<128x128xf32, #tpu.memory_space<vmem>>) dst(%dma_wait3A_122 : memref<10112x128xf32, #tpu.memory_space<vmem_shared>>)
        tpu.yield
      }) : () -> ()
    }
    %scan3A_13 = arith.constant 19 : i32
    %dma_start3A_14 = arith.constant 39 : i32
    %dma_start3A_15 = arith.constant 0 : i32
    %dma_start3A_16 = tpu.memref_slice %arg7[%dma_start3A_14, %dma_start3A_15] : memref<40x128xi32, #tpu.memory_space<vmem>> -> memref<1x128xi32, #tpu.memory_space<vmem>>
    %dma_start3A_17 = tpu.memref_squeeze %dma_start3A_16 : memref<1x128xi32, #tpu.memory_space<vmem>> -> memref<128xi32, #tpu.memory_space<vmem>>
    %dma_start3A_18 = arith.constant 0 : i32
    %dma_start3A_19 = arith.constant 0 : i32
    %dma_start3A_20 = tpu.memref_slice %arg2[%dma_start3A_18, %dma_start3A_19] : memref<10000x128xf32, #tpu.memory_space<hbm>> -> memref<10000x128xf32, #tpu.memory_space<hbm>>
    tpu.enqueue_indirect_dma source(%dma_start3A_20 : memref<10000x128xf32, #tpu.memory_space<hbm>>) target(%arg10 : memref<128x128xf32, #tpu.memory_space<vmem>>) offsets(%dma_start3A_17 : memref<128xi32, #tpu.memory_space<vmem>>) semaphore(%arg13 : memref<!tpu.dma_semaphore, #tpu.memory_space<semaphore_mem>>)
    %dma_wait3A = arith.constant 38 : i32
    %dma_wait3A_21 = arith.constant 0 : i32
    %dma_wait3A_22 = tpu.memref_slice %arg7[%dma_wait3A, %dma_wait3A_21] : memref<40x128xi32, #tpu.memory_space<vmem>> -> memref<1x128xi32, #tpu.memory_space<vmem>>
    %dma_wait3A_23 = tpu.memref_squeeze %dma_wait3A_22 : memref<1x128xi32, #tpu.memory_space<vmem>> -> memref<128xi32, #tpu.memory_space<vmem>>
    %dma_wait3A_24 = arith.constant 0 : i32
    %dma_wait3A_25 = arith.constant 0 : i32
    %dma_wait3A_26 = tpu.memref_slice %arg2[%dma_wait3A_24, %dma_wait3A_25] : memref<10000x128xf32, #tpu.memory_space<hbm>> -> memref<10000x128xf32, #tpu.memory_space<hbm>>
    tpu.wait_indirect_dma semaphore(%arg12 : memref<!tpu.dma_semaphore, #tpu.memory_space<semaphore_mem>>) src(%dma_wait3A_26 : memref<10000x128xf32, #tpu.memory_space<hbm>>) dst(%arg9 : memref<128x128xf32, #tpu.memory_space<vmem>>)
    %run_scoped3A = arith.constant 38 : i32
    "tpu.region"() ({
      %run_scoped3A_79 = tpu.sem_alloc : memref<!tpu.dma_semaphore, #tpu.memory_space<semaphore_mem>>
      %dma_start3A_80 = arith.constant 0 : i32
      %dma_start3A_81 = tpu.memref_slice %arg8[%run_scoped3A, %dma_start3A_80] : memref<40x128xi32, #tpu.memory_space<vmem>> -> memref<1x128xi32, #tpu.memory_space<vmem>>
      %dma_start3A_82 = tpu.memref_squeeze %dma_start3A_81 : memref<1x128xi32, #tpu.memory_space<vmem>> -> memref<128xi32, #tpu.memory_space<vmem>>
      %dma_start3A_83 = arith.constant 0 : i32
      %dma_start3A_84 = arith.constant 0 : i32
      %dma_start3A_85 = tpu.memref_slice %arg11[%dma_start3A_83, %dma_start3A_84] : memref<10112x128xf32, #tpu.memory_space<vmem_shared>> -> memref<10112x128xf32, #tpu.memory_space<vmem_shared>>
      tpu.enqueue_indirect_dma source(%arg9 : memref<128x128xf32, #tpu.memory_space<vmem>>) target(%dma_start3A_85 : memref<10112x128xf32, #tpu.memory_space<vmem_shared>>) offsets(%dma_start3A_82 : memref<128xi32, #tpu.memory_space<vmem>>) semaphore(%run_scoped3A_79 : memref<!tpu.dma_semaphore, #tpu.memory_space<semaphore_mem>>) {add = true}
      %dma_wait3A_86 = arith.constant 0 : i32
      %dma_wait3A_87 = tpu.memref_slice %arg8[%run_scoped3A, %dma_wait3A_86] : memref<40x128xi32, #tpu.memory_space<vmem>> -> memref<1x128xi32, #tpu.memory_space<vmem>>
      %dma_wait3A_88 = tpu.memref_squeeze %dma_wait3A_87 : memref<1x128xi32, #tpu.memory_space<vmem>> -> memref<128xi32, #tpu.memory_space<vmem>>
      %dma_wait3A_89 = arith.constant 0 : i32
      %dma_wait3A_90 = arith.constant 0 : i32
      %dma_wait3A_91 = tpu.memref_slice %arg11[%dma_wait3A_89, %dma_wait3A_90] : memref<10112x128xf32, #tpu.memory_space<vmem_shared>> -> memref<10112x128xf32, #tpu.memory_space<vmem_shared>>
      tpu.wait_indirect_dma semaphore(%run_scoped3A_79 : memref<!tpu.dma_semaphore, #tpu.memory_space<semaphore_mem>>) src(%arg9 : memref<128x128xf32, #tpu.memory_space<vmem>>) dst(%dma_wait3A_91 : memref<10112x128xf32, #tpu.memory_space<vmem_shared>>)
      tpu.yield
    }) : () -> ()
    %dma_wait3A_27 = arith.constant 39 : i32
    %dma_wait3A_28 = arith.constant 0 : i32
    %dma_wait3A_29 = tpu.memref_slice %arg7[%dma_wait3A_27, %dma_wait3A_28] : memref<40x128xi32, #tpu.memory_space<vmem>> -> memref<1x128xi32, #tpu.memory_space<vmem>>
    %dma_wait3A_30 = tpu.memref_squeeze %dma_wait3A_29 : memref<1x128xi32, #tpu.memory_space<vmem>> -> memref<128xi32, #tpu.memory_space<vmem>>
    %dma_wait3A_31 = arith.constant 0 : i32
    %dma_wait3A_32 = arith.constant 0 : i32
    %dma_wait3A_33 = tpu.memref_slice %arg2[%dma_wait3A_31, %dma_wait3A_32] : memref<10000x128xf32, #tpu.memory_space<hbm>> -> memref<10000x128xf32, #tpu.memory_space<hbm>>
    tpu.wait_indirect_dma semaphore(%arg13 : memref<!tpu.dma_semaphore, #tpu.memory_space<semaphore_mem>>) src(%dma_wait3A_33 : memref<10000x128xf32, #tpu.memory_space<hbm>>) dst(%arg10 : memref<128x128xf32, #tpu.memory_space<vmem>>)
    %run_scoped3A_34 = arith.constant 39 : i32
    "tpu.region"() ({
      %run_scoped3A_79 = tpu.sem_alloc : memref<!tpu.dma_semaphore, #tpu.memory_space<semaphore_mem>>
      %dma_start3A_80 = arith.constant 0 : i32
      %dma_start3A_81 = tpu.memref_slice %arg8[%run_scoped3A_34, %dma_start3A_80] : memref<40x128xi32, #tpu.memory_space<vmem>> -> memref<1x128xi32, #tpu.memory_space<vmem>>
      %dma_start3A_82 = tpu.memref_squeeze %dma_start3A_81 : memref<1x128xi32, #tpu.memory_space<vmem>> -> memref<128xi32, #tpu.memory_space<vmem>>
      %dma_start3A_83 = arith.constant 0 : i32
      %dma_start3A_84 = arith.constant 0 : i32
      %dma_start3A_85 = tpu.memref_slice %arg11[%dma_start3A_83, %dma_start3A_84] : memref<10112x128xf32, #tpu.memory_space<vmem_shared>> -> memref<10112x128xf32, #tpu.memory_space<vmem_shared>>
      tpu.enqueue_indirect_dma source(%arg10 : memref<128x128xf32, #tpu.memory_space<vmem>>) target(%dma_start3A_85 : memref<10112x128xf32, #tpu.memory_space<vmem_shared>>) offsets(%dma_start3A_82 : memref<128xi32, #tpu.memory_space<vmem>>) semaphore(%run_scoped3A_79 : memref<!tpu.dma_semaphore, #tpu.memory_space<semaphore_mem>>) {add = true}
      %dma_wait3A_86 = arith.constant 0 : i32
      %dma_wait3A_87 = tpu.memref_slice %arg8[%run_scoped3A_34, %dma_wait3A_86] : memref<40x128xi32, #tpu.memory_space<vmem>> -> memref<1x128xi32, #tpu.memory_space<vmem>>
      %dma_wait3A_88 = tpu.memref_squeeze %dma_wait3A_87 : memref<1x128xi32, #tpu.memory_space<vmem>> -> memref<128xi32, #tpu.memory_space<vmem>>
      %dma_wait3A_89 = arith.constant 0 : i32
      %dma_wait3A_90 = arith.constant 0 : i32
      %dma_wait3A_91 = tpu.memref_slice %arg11[%dma_wait3A_89, %dma_wait3A_90] : memref<10112x128xf32, #tpu.memory_space<vmem_shared>> -> memref<10112x128xf32, #tpu.memory_space<vmem_shared>>
      tpu.wait_indirect_dma semaphore(%run_scoped3A_79 : memref<!tpu.dma_semaphore, #tpu.memory_space<semaphore_mem>>) src(%arg10 : memref<128x128xf32, #tpu.memory_space<vmem>>) dst(%dma_wait3A_91 : memref<10112x128xf32, #tpu.memory_space<vmem_shared>>)
      tpu.yield
    }) : () -> ()
    "tpu.region"() ({
      %run_scoped3A_79 = tpu.sem_alloc : memref<!tpu.dma_semaphore, #tpu.memory_space<semaphore_mem>>
      %dma_start3A_80 = arith.constant 40 : i32
      %dma_start3A_81 = arith.constant 0 : i32
      %dma_start3A_82 = tpu.memref_slice %arg3[%add3A, %dma_start3A_80, %dma_start3A_81] : memref<32x80x128xi32, #tpu.memory_space<hbm>> -> memref<1x40x128xi32, #tpu.memory_space<hbm>>
      %dma_start3A_83 = tpu.memref_squeeze %dma_start3A_82 : memref<1x40x128xi32, #tpu.memory_space<hbm>> -> memref<40x128xi32, #tpu.memory_space<hbm>>
      %dma_start3A_84 = arith.constant 40 : i32
      %dma_start3A_85 = arith.constant 0 : i32
      %dma_start3A_86 = tpu.memref_slice %arg3[%add3A, %dma_start3A_84, %dma_start3A_85] : memref<32x80x128xi32, #tpu.memory_space<hbm>> -> memref<1x40x128xi32, #tpu.memory_space<hbm>>
      %dma_start3A_87 = tpu.memref_squeeze %dma_start3A_86 : memref<1x40x128xi32, #tpu.memory_space<hbm>> -> memref<40x128xi32, #tpu.memory_space<hbm>>
      tpu.enqueue_dma source(%dma_start3A_87 : memref<40x128xi32, #tpu.memory_space<hbm>>) target(%arg7 : memref<40x128xi32, #tpu.memory_space<vmem>>) target_semaphore(%run_scoped3A_79 : memref<!tpu.dma_semaphore, #tpu.memory_space<semaphore_mem>>)
      %dma_wait3A_88 = arith.constant 40 : i32
      %dma_wait3A_89 = arith.constant 0 : i32
      %dma_wait3A_90 = tpu.memref_slice %arg3[%add3A, %dma_wait3A_88, %dma_wait3A_89] : memref<32x80x128xi32, #tpu.memory_space<hbm>> -> memref<1x40x128xi32, #tpu.memory_space<hbm>>
      %dma_wait3A_91 = tpu.memref_squeeze %dma_wait3A_90 : memref<1x40x128xi32, #tpu.memory_space<hbm>> -> memref<40x128xi32, #tpu.memory_space<hbm>>
      %dma_wait3A_92 = arith.constant 40 : i32
      %dma_wait3A_93 = arith.constant 0 : i32
      %dma_wait3A_94 = tpu.memref_slice %arg3[%add3A, %dma_wait3A_92, %dma_wait3A_93] : memref<32x80x128xi32, #tpu.memory_space<hbm>> -> memref<1x40x128xi32, #tpu.memory_space<hbm>>
      %dma_wait3A_95 = tpu.memref_squeeze %dma_wait3A_94 : memref<1x40x128xi32, #tpu.memory_space<hbm>> -> memref<40x128xi32, #tpu.memory_space<hbm>>
      tpu.wait_dma2 semaphore(%run_scoped3A_79 : memref<!tpu.dma_semaphore, #tpu.memory_space<semaphore_mem>>) src(%dma_wait3A_95 : memref<40x128xi32, #tpu.memory_space<hbm>>) dst(%arg7 : memref<40x128xi32, #tpu.memory_space<vmem>>)
      tpu.yield
    }) : () -> ()
    "tpu.region"() ({
      %run_scoped3A_79 = tpu.sem_alloc : memref<!tpu.dma_semaphore, #tpu.memory_space<semaphore_mem>>
      %dma_start3A_80 = arith.constant 40 : i32
      %dma_start3A_81 = arith.constant 0 : i32
      %dma_start3A_82 = tpu.memref_slice %arg4[%add3A, %dma_start3A_80, %dma_start3A_81] : memref<32x80x128xi32, #tpu.memory_space<hbm>> -> memref<1x40x128xi32, #tpu.memory_space<hbm>>
      %dma_start3A_83 = tpu.memref_squeeze %dma_start3A_82 : memref<1x40x128xi32, #tpu.memory_space<hbm>> -> memref<40x128xi32, #tpu.memory_space<hbm>>
      %dma_start3A_84 = arith.constant 40 : i32
      %dma_start3A_85 = arith.constant 0 : i32
      %dma_start3A_86 = tpu.memref_slice %arg4[%add3A, %dma_start3A_84, %dma_start3A_85] : memref<32x80x128xi32, #tpu.memory_space<hbm>> -> memref<1x40x128xi32, #tpu.memory_space<hbm>>
      %dma_start3A_87 = tpu.memref_squeeze %dma_start3A_86 : memref<1x40x128xi32, #tpu.memory_space<hbm>> -> memref<40x128xi32, #tpu.memory_space<hbm>>
      tpu.enqueue_dma source(%dma_start3A_87 : memref<40x128xi32, #tpu.memory_space<hbm>>) target(%arg8 : memref<40x128xi32, #tpu.memory_space<vmem>>) target_semaphore(%run_scoped3A_79 : memref<!tpu.dma_semaphore, #tpu.memory_space<semaphore_mem>>)
      %dma_wait3A_88 = arith.constant 40 : i32
      %dma_wait3A_89 = arith.constant 0 : i32
      %dma_wait3A_90 = tpu.memref_slice %arg4[%add3A, %dma_wait3A_88, %dma_wait3A_89] : memref<32x80x128xi32, #tpu.memory_space<hbm>> -> memref<1x40x128xi32, #tpu.memory_space<hbm>>
      %dma_wait3A_91 = tpu.memref_squeeze %dma_wait3A_90 : memref<1x40x128xi32, #tpu.memory_space<hbm>> -> memref<40x128xi32, #tpu.memory_space<hbm>>
      %dma_wait3A_92 = arith.constant 40 : i32
      %dma_wait3A_93 = arith.constant 0 : i32
      %dma_wait3A_94 = tpu.memref_slice %arg4[%add3A, %dma_wait3A_92, %dma_wait3A_93] : memref<32x80x128xi32, #tpu.memory_space<hbm>> -> memref<1x40x128xi32, #tpu.memory_space<hbm>>
      %dma_wait3A_95 = tpu.memref_squeeze %dma_wait3A_94 : memref<1x40x128xi32, #tpu.memory_space<hbm>> -> memref<40x128xi32, #tpu.memory_space<hbm>>
      tpu.wait_dma2 semaphore(%run_scoped3A_79 : memref<!tpu.dma_semaphore, #tpu.memory_space<semaphore_mem>>) src(%dma_wait3A_95 : memref<40x128xi32, #tpu.memory_space<hbm>>) dst(%arg8 : memref<40x128xi32, #tpu.memory_space<vmem>>)
      tpu.yield
    }) : () -> ()
    %dma_start3A_35 = arith.constant 0 : i32
    %dma_start3A_36 = arith.constant 0 : i32
    %dma_start3A_37 = tpu.memref_slice %arg7[%dma_start3A_35, %dma_start3A_36] : memref<40x128xi32, #tpu.memory_space<vmem>> -> memref<1x128xi32, #tpu.memory_space<vmem>>
    %dma_start3A_38 = tpu.memref_squeeze %dma_start3A_37 : memref<1x128xi32, #tpu.memory_space<vmem>> -> memref<128xi32, #tpu.memory_space<vmem>>
    %dma_start3A_39 = arith.constant 0 : i32
    %dma_start3A_40 = arith.constant 0 : i32
    %dma_start3A_41 = tpu.memref_slice %arg2[%dma_start3A_39, %dma_start3A_40] : memref<10000x128xf32, #tpu.memory_space<hbm>> -> memref<10000x128xf32, #tpu.memory_space<hbm>>
    tpu.enqueue_indirect_dma source(%dma_start3A_41 : memref<10000x128xf32, #tpu.memory_space<hbm>>) target(%arg9 : memref<128x128xf32, #tpu.memory_space<vmem>>) offsets(%dma_start3A_38 : memref<128xi32, #tpu.memory_space<vmem>>) semaphore(%arg12 : memref<!tpu.dma_semaphore, #tpu.memory_space<semaphore_mem>>)
    %scan3A_42 = arith.constant 0 : i32
    %scan3A_43 = arith.constant 0 : i32
    %scan3A_44 = arith.constant 19 : i32
    %scan3A_45 = arith.addi %scan3A_43, %scan3A_44 : i32
    %scan3A_46 = arith.constant 1 : i32
    scf.for %scan3A_79 = %scan3A_43 to %scan3A_45 step %scan3A_46  : i32 {
      %mul3A_80 = arith.constant 2 : i32
      %mul3A_81 = arith.muli %mul3A_80, %scan3A_79 : i32
      %add3A_82 = arith.constant 1 : i32
      %add3A_83 = arith.addi %mul3A_81, %add3A_82 : i32
      %dma_start3A_84 = arith.constant 0 : i32
      %dma_start3A_85 = tpu.memref_slice %arg7[%add3A_83, %dma_start3A_84] : memref<40x128xi32, #tpu.memory_space<vmem>> -> memref<1x128xi32, #tpu.memory_space<vmem>>
      %dma_start3A_86 = tpu.memref_squeeze %dma_start3A_85 : memref<1x128xi32, #tpu.memory_space<vmem>> -> memref<128xi32, #tpu.memory_space<vmem>>
      %dma_start3A_87 = arith.constant 0 : i32
      %dma_start3A_88 = arith.constant 0 : i32
      %dma_start3A_89 = tpu.memref_slice %arg2[%dma_start3A_87, %dma_start3A_88] : memref<10000x128xf32, #tpu.memory_space<hbm>> -> memref<10000x128xf32, #tpu.memory_space<hbm>>
      tpu.enqueue_indirect_dma source(%dma_start3A_89 : memref<10000x128xf32, #tpu.memory_space<hbm>>) target(%arg10 : memref<128x128xf32, #tpu.memory_space<vmem>>) offsets(%dma_start3A_86 : memref<128xi32, #tpu.memory_space<vmem>>) semaphore(%arg13 : memref<!tpu.dma_semaphore, #tpu.memory_space<semaphore_mem>>)
      %dma_wait3A_90 = arith.constant 0 : i32
      %dma_wait3A_91 = tpu.memref_slice %arg7[%mul3A_81, %dma_wait3A_90] : memref<40x128xi32, #tpu.memory_space<vmem>> -> memref<1x128xi32, #tpu.memory_space<vmem>>
      %dma_wait3A_92 = tpu.memref_squeeze %dma_wait3A_91 : memref<1x128xi32, #tpu.memory_space<vmem>> -> memref<128xi32, #tpu.memory_space<vmem>>
      %dma_wait3A_93 = arith.constant 0 : i32
      %dma_wait3A_94 = arith.constant 0 : i32
      %dma_wait3A_95 = tpu.memref_slice %arg2[%dma_wait3A_93, %dma_wait3A_94] : memref<10000x128xf32, #tpu.memory_space<hbm>> -> memref<10000x128xf32, #tpu.memory_space<hbm>>
      tpu.wait_indirect_dma semaphore(%arg12 : memref<!tpu.dma_semaphore, #tpu.memory_space<semaphore_mem>>) src(%dma_wait3A_95 : memref<10000x128xf32, #tpu.memory_space<hbm>>) dst(%arg9 : memref<128x128xf32, #tpu.memory_space<vmem>>)
      "tpu.region"() ({
        %run_scoped3A_110 = tpu.sem_alloc : memref<!tpu.dma_semaphore, #tpu.memory_space<semaphore_mem>>
        %dma_start3A_111 = arith.constant 0 : i32
        %dma_start3A_112 = tpu.memref_slice %arg8[%mul3A_81, %dma_start3A_111] : memref<40x128xi32, #tpu.memory_space<vmem>> -> memref<1x128xi32, #tpu.memory_space<vmem>>
        %dma_start3A_113 = tpu.memref_squeeze %dma_start3A_112 : memref<1x128xi32, #tpu.memory_space<vmem>> -> memref<128xi32, #tpu.memory_space<vmem>>
        %dma_start3A_114 = arith.constant 0 : i32
        %dma_start3A_115 = arith.constant 0 : i32
        %dma_start3A_116 = tpu.memref_slice %arg11[%dma_start3A_114, %dma_start3A_115] : memref<10112x128xf32, #tpu.memory_space<vmem_shared>> -> memref<10112x128xf32, #tpu.memory_space<vmem_shared>>
        tpu.enqueue_indirect_dma source(%arg9 : memref<128x128xf32, #tpu.memory_space<vmem>>) target(%dma_start3A_116 : memref<10112x128xf32, #tpu.memory_space<vmem_shared>>) offsets(%dma_start3A_113 : memref<128xi32, #tpu.memory_space<vmem>>) semaphore(%run_scoped3A_110 : memref<!tpu.dma_semaphore, #tpu.memory_space<semaphore_mem>>) {add = true}
        %dma_wait3A_117 = arith.constant 0 : i32
        %dma_wait3A_118 = tpu.memref_slice %arg8[%mul3A_81, %dma_wait3A_117] : memref<40x128xi32, #tpu.memory_space<vmem>> -> memref<1x128xi32, #tpu.memory_space<vmem>>
        %dma_wait3A_119 = tpu.memref_squeeze %dma_wait3A_118 : memref<1x128xi32, #tpu.memory_space<vmem>> -> memref<128xi32, #tpu.memory_space<vmem>>
        %dma_wait3A_120 = arith.constant 0 : i32
        %dma_wait3A_121 = arith.constant 0 : i32
        %dma_wait3A_122 = tpu.memref_slice %arg11[%dma_wait3A_120, %dma_wait3A_121] : memref<10112x128xf32, #tpu.memory_space<vmem_shared>> -> memref<10112x128xf32, #tpu.memory_space<vmem_shared>>
        tpu.wait_indirect_dma semaphore(%run_scoped3A_110 : memref<!tpu.dma_semaphore, #tpu.memory_space<semaphore_mem>>) src(%arg9 : memref<128x128xf32, #tpu.memory_space<vmem>>) dst(%dma_wait3A_122 : memref<10112x128xf32, #tpu.memory_space<vmem_shared>>)
        tpu.yield
      }) : () -> ()
      %add3A_96 = arith.constant 2 : i32
      %add3A_97 = arith.addi %mul3A_81, %add3A_96 : i32
      %dma_start3A_98 = arith.constant 0 : i32
      %dma_start3A_99 = tpu.memref_slice %arg7[%add3A_97, %dma_start3A_98] : memref<40x128xi32, #tpu.memory_space<vmem>> -> memref<1x128xi32, #tpu.memory_space<vmem>>
      %dma_start3A_100 = tpu.memref_squeeze %dma_start3A_99 : memref<1x128xi32, #tpu.memory_space<vmem>> -> memref<128xi32, #tpu.memory_space<vmem>>
      %dma_start3A_101 = arith.constant 0 : i32
      %dma_start3A_102 = arith.constant 0 : i32
      %dma_start3A_103 = tpu.memref_slice %arg2[%dma_start3A_101, %dma_start3A_102] : memref<10000x128xf32, #tpu.memory_space<hbm>> -> memref<10000x128xf32, #tpu.memory_space<hbm>>
      tpu.enqueue_indirect_dma source(%dma_start3A_103 : memref<10000x128xf32, #tpu.memory_space<hbm>>) target(%arg9 : memref<128x128xf32, #tpu.memory_space<vmem>>) offsets(%dma_start3A_100 : memref<128xi32, #tpu.memory_space<vmem>>) semaphore(%arg12 : memref<!tpu.dma_semaphore, #tpu.memory_space<semaphore_mem>>)
      %dma_wait3A_104 = arith.constant 0 : i32
      %dma_wait3A_105 = tpu.memref_slice %arg7[%add3A_83, %dma_wait3A_104] : memref<40x128xi32, #tpu.memory_space<vmem>> -> memref<1x128xi32, #tpu.memory_space<vmem>>
      %dma_wait3A_106 = tpu.memref_squeeze %dma_wait3A_105 : memref<1x128xi32, #tpu.memory_space<vmem>> -> memref<128xi32, #tpu.memory_space<vmem>>
      %dma_wait3A_107 = arith.constant 0 : i32
      %dma_wait3A_108 = arith.constant 0 : i32
      %dma_wait3A_109 = tpu.memref_slice %arg2[%dma_wait3A_107, %dma_wait3A_108] : memref<10000x128xf32, #tpu.memory_space<hbm>> -> memref<10000x128xf32, #tpu.memory_space<hbm>>
      tpu.wait_indirect_dma semaphore(%arg13 : memref<!tpu.dma_semaphore, #tpu.memory_space<semaphore_mem>>) src(%dma_wait3A_109 : memref<10000x128xf32, #tpu.memory_space<hbm>>) dst(%arg10 : memref<128x128xf32, #tpu.memory_space<vmem>>)
      "tpu.region"() ({
        %run_scoped3A_110 = tpu.sem_alloc : memref<!tpu.dma_semaphore, #tpu.memory_space<semaphore_mem>>
        %dma_start3A_111 = arith.constant 0 : i32
        %dma_start3A_112 = tpu.memref_slice %arg8[%add3A_83, %dma_start3A_111] : memref<40x128xi32, #tpu.memory_space<vmem>> -> memref<1x128xi32, #tpu.memory_space<vmem>>
        %dma_start3A_113 = tpu.memref_squeeze %dma_start3A_112 : memref<1x128xi32, #tpu.memory_space<vmem>> -> memref<128xi32, #tpu.memory_space<vmem>>
        %dma_start3A_114 = arith.constant 0 : i32
        %dma_start3A_115 = arith.constant 0 : i32
        %dma_start3A_116 = tpu.memref_slice %arg11[%dma_start3A_114, %dma_start3A_115] : memref<10112x128xf32, #tpu.memory_space<vmem_shared>> -> memref<10112x128xf32, #tpu.memory_space<vmem_shared>>
        tpu.enqueue_indirect_dma source(%arg10 : memref<128x128xf32, #tpu.memory_space<vmem>>) target(%dma_start3A_116 : memref<10112x128xf32, #tpu.memory_space<vmem_shared>>) offsets(%dma_start3A_113 : memref<128xi32, #tpu.memory_space<vmem>>) semaphore(%run_scoped3A_110 : memref<!tpu.dma_semaphore, #tpu.memory_space<semaphore_mem>>) {add = true}
        %dma_wait3A_117 = arith.constant 0 : i32
        %dma_wait3A_118 = tpu.memref_slice %arg8[%add3A_83, %dma_wait3A_117] : memref<40x128xi32, #tpu.memory_space<vmem>> -> memref<1x128xi32, #tpu.memory_space<vmem>>
        %dma_wait3A_119 = tpu.memref_squeeze %dma_wait3A_118 : memref<1x128xi32, #tpu.memory_space<vmem>> -> memref<128xi32, #tpu.memory_space<vmem>>
        %dma_wait3A_120 = arith.constant 0 : i32
        %dma_wait3A_121 = arith.constant 0 : i32
        %dma_wait3A_122 = tpu.memref_slice %arg11[%dma_wait3A_120, %dma_wait3A_121] : memref<10112x128xf32, #tpu.memory_space<vmem_shared>> -> memref<10112x128xf32, #tpu.memory_space<vmem_shared>>
        tpu.wait_indirect_dma semaphore(%run_scoped3A_110 : memref<!tpu.dma_semaphore, #tpu.memory_space<semaphore_mem>>) src(%arg10 : memref<128x128xf32, #tpu.memory_space<vmem>>) dst(%dma_wait3A_122 : memref<10112x128xf32, #tpu.memory_space<vmem_shared>>)
        tpu.yield
      }) : () -> ()
    }
    %scan3A_47 = arith.constant 19 : i32
    %dma_start3A_48 = arith.constant 39 : i32
    %dma_start3A_49 = arith.constant 0 : i32
    %dma_start3A_50 = tpu.memref_slice %arg7[%dma_start3A_48, %dma_start3A_49] : memref<40x128xi32, #tpu.memory_space<vmem>> -> memref<1x128xi32, #tpu.memory_space<vmem>>
    %dma_start3A_51 = tpu.memref_squeeze %dma_start3A_50 : memref<1x128xi32, #tpu.memory_space<vmem>> -> memref<128xi32, #tpu.memory_space<vmem>>
    %dma_start3A_52 = arith.constant 0 : i32
    %dma_start3A_53 = arith.constant 0 : i32
    %dma_start3A_54 = tpu.memref_slice %arg2[%dma_start3A_52, %dma_start3A_53] : memref<10000x128xf32, #tpu.memory_space<hbm>> -> memref<10000x128xf32, #tpu.memory_space<hbm>>
    tpu.enqueue_indirect_dma source(%dma_start3A_54 : memref<10000x128xf32, #tpu.memory_space<hbm>>) target(%arg10 : memref<128x128xf32, #tpu.memory_space<vmem>>) offsets(%dma_start3A_51 : memref<128xi32, #tpu.memory_space<vmem>>) semaphore(%arg13 : memref<!tpu.dma_semaphore, #tpu.memory_space<semaphore_mem>>)
    %dma_wait3A_55 = arith.constant 38 : i32
    %dma_wait3A_56 = arith.constant 0 : i32
    %dma_wait3A_57 = tpu.memref_slice %arg7[%dma_wait3A_55, %dma_wait3A_56] : memref<40x128xi32, #tpu.memory_space<vmem>> -> memref<1x128xi32, #tpu.memory_space<vmem>>
    %dma_wait3A_58 = tpu.memref_squeeze %dma_wait3A_57 : memref<1x128xi32, #tpu.memory_space<vmem>> -> memref<128xi32, #tpu.memory_space<vmem>>
    %dma_wait3A_59 = arith.constant 0 : i32
    %dma_wait3A_60 = arith.constant 0 : i32
    %dma_wait3A_61 = tpu.memref_slice %arg2[%dma_wait3A_59, %dma_wait3A_60] : memref<10000x128xf32, #tpu.memory_space<hbm>> -> memref<10000x128xf32, #tpu.memory_space<hbm>>
    tpu.wait_indirect_dma semaphore(%arg12 : memref<!tpu.dma_semaphore, #tpu.memory_space<semaphore_mem>>) src(%dma_wait3A_61 : memref<10000x128xf32, #tpu.memory_space<hbm>>) dst(%arg9 : memref<128x128xf32, #tpu.memory_space<vmem>>)
    %run_scoped3A_62 = arith.constant 38 : i32
    "tpu.region"() ({
      %run_scoped3A_79 = tpu.sem_alloc : memref<!tpu.dma_semaphore, #tpu.memory_space<semaphore_mem>>
      %dma_start3A_80 = arith.constant 0 : i32
      %dma_start3A_81 = tpu.memref_slice %arg8[%run_scoped3A_62, %dma_start3A_80] : memref<40x128xi32, #tpu.memory_space<vmem>> -> memref<1x128xi32, #tpu.memory_space<vmem>>
      %dma_start3A_82 = tpu.memref_squeeze %dma_start3A_81 : memref<1x128xi32, #tpu.memory_space<vmem>> -> memref<128xi32, #tpu.memory_space<vmem>>
      %dma_start3A_83 = arith.constant 0 : i32
      %dma_start3A_84 = arith.constant 0 : i32
      %dma_start3A_85 = tpu.memref_slice %arg11[%dma_start3A_83, %dma_start3A_84] : memref<10112x128xf32, #tpu.memory_space<vmem_shared>> -> memref<10112x128xf32, #tpu.memory_space<vmem_shared>>
      tpu.enqueue_indirect_dma source(%arg9 : memref<128x128xf32, #tpu.memory_space<vmem>>) target(%dma_start3A_85 : memref<10112x128xf32, #tpu.memory_space<vmem_shared>>) offsets(%dma_start3A_82 : memref<128xi32, #tpu.memory_space<vmem>>) semaphore(%run_scoped3A_79 : memref<!tpu.dma_semaphore, #tpu.memory_space<semaphore_mem>>) {add = true}
      %dma_wait3A_86 = arith.constant 0 : i32
      %dma_wait3A_87 = tpu.memref_slice %arg8[%run_scoped3A_62, %dma_wait3A_86] : memref<40x128xi32, #tpu.memory_space<vmem>> -> memref<1x128xi32, #tpu.memory_space<vmem>>
      %dma_wait3A_88 = tpu.memref_squeeze %dma_wait3A_87 : memref<1x128xi32, #tpu.memory_space<vmem>> -> memref<128xi32, #tpu.memory_space<vmem>>
      %dma_wait3A_89 = arith.constant 0 : i32
      %dma_wait3A_90 = arith.constant 0 : i32
      %dma_wait3A_91 = tpu.memref_slice %arg11[%dma_wait3A_89, %dma_wait3A_90] : memref<10112x128xf32, #tpu.memory_space<vmem_shared>> -> memref<10112x128xf32, #tpu.memory_space<vmem_shared>>
      tpu.wait_indirect_dma semaphore(%run_scoped3A_79 : memref<!tpu.dma_semaphore, #tpu.memory_space<semaphore_mem>>) src(%arg9 : memref<128x128xf32, #tpu.memory_space<vmem>>) dst(%dma_wait3A_91 : memref<10112x128xf32, #tpu.memory_space<vmem_shared>>)
      tpu.yield
    }) : () -> ()
    %dma_wait3A_63 = arith.constant 39 : i32
    %dma_wait3A_64 = arith.constant 0 : i32
    %dma_wait3A_65 = tpu.memref_slice %arg7[%dma_wait3A_63, %dma_wait3A_64] : memref<40x128xi32, #tpu.memory_space<vmem>> -> memref<1x128xi32, #tpu.memory_space<vmem>>
    %dma_wait3A_66 = tpu.memref_squeeze %dma_wait3A_65 : memref<1x128xi32, #tpu.memory_space<vmem>> -> memref<128xi32, #tpu.memory_space<vmem>>
    %dma_wait3A_67 = arith.constant 0 : i32
    %dma_wait3A_68 = arith.constant 0 : i32
    %dma_wait3A_69 = tpu.memref_slice %arg2[%dma_wait3A_67, %dma_wait3A_68] : memref<10000x128xf32, #tpu.memory_space<hbm>> -> memref<10000x128xf32, #tpu.memory_space<hbm>>
    tpu.wait_indirect_dma semaphore(%arg13 : memref<!tpu.dma_semaphore, #tpu.memory_space<semaphore_mem>>) src(%dma_wait3A_69 : memref<10000x128xf32, #tpu.memory_space<hbm>>) dst(%arg10 : memref<128x128xf32, #tpu.memory_space<vmem>>)
    %run_scoped3A_70 = arith.constant 39 : i32
    "tpu.region"() ({
      %run_scoped3A_79 = tpu.sem_alloc : memref<!tpu.dma_semaphore, #tpu.memory_space<semaphore_mem>>
      %dma_start3A_80 = arith.constant 0 : i32
      %dma_start3A_81 = tpu.memref_slice %arg8[%run_scoped3A_70, %dma_start3A_80] : memref<40x128xi32, #tpu.memory_space<vmem>> -> memref<1x128xi32, #tpu.memory_space<vmem>>
      %dma_start3A_82 = tpu.memref_squeeze %dma_start3A_81 : memref<1x128xi32, #tpu.memory_space<vmem>> -> memref<128xi32, #tpu.memory_space<vmem>>
      %dma_start3A_83 = arith.constant 0 : i32
      %dma_start3A_84 = arith.constant 0 : i32
      %dma_start3A_85 = tpu.memref_slice %arg11[%dma_start3A_83, %dma_start3A_84] : memref<10112x128xf32, #tpu.memory_space<vmem_shared>> -> memref<10112x128xf32, #tpu.memory_space<vmem_shared>>
      tpu.enqueue_indirect_dma source(%arg10 : memref<128x128xf32, #tpu.memory_space<vmem>>) target(%dma_start3A_85 : memref<10112x128xf32, #tpu.memory_space<vmem_shared>>) offsets(%dma_start3A_82 : memref<128xi32, #tpu.memory_space<vmem>>) semaphore(%run_scoped3A_79 : memref<!tpu.dma_semaphore, #tpu.memory_space<semaphore_mem>>) {add = true}
      %dma_wait3A_86 = arith.constant 0 : i32
      %dma_wait3A_87 = tpu.memref_slice %arg8[%run_scoped3A_70, %dma_wait3A_86] : memref<40x128xi32, #tpu.memory_space<vmem>> -> memref<1x128xi32, #tpu.memory_space<vmem>>
      %dma_wait3A_88 = tpu.memref_squeeze %dma_wait3A_87 : memref<1x128xi32, #tpu.memory_space<vmem>> -> memref<128xi32, #tpu.memory_space<vmem>>
      %dma_wait3A_89 = arith.constant 0 : i32
      %dma_wait3A_90 = arith.constant 0 : i32
      %dma_wait3A_91 = tpu.memref_slice %arg11[%dma_wait3A_89, %dma_wait3A_90] : memref<10112x128xf32, #tpu.memory_space<vmem_shared>> -> memref<10112x128xf32, #tpu.memory_space<vmem_shared>>
      tpu.wait_indirect_dma semaphore(%run_scoped3A_79 : memref<!tpu.dma_semaphore, #tpu.memory_space<semaphore_mem>>) src(%arg10 : memref<128x128xf32, #tpu.memory_space<vmem>>) dst(%dma_wait3A_91 : memref<10112x128xf32, #tpu.memory_space<vmem_shared>>)
      tpu.yield
    }) : () -> ()
    %barrier3A_71 = arith.constant 0 : index
    tpu.barrier barrier_id(%barrier3A_71)
    %mul3A_72 = arith.constant 10112 : i32
    %mul3A_73 = arith.muli %arg0, %mul3A_72 : i32
    %mul3A_74 = arith.constant 632 : i32
    %mul3A_75 = arith.muli %arg1, %mul3A_74 : i32
    %add3A_76 = arith.addi %mul3A_73, %mul3A_75 : i32
    %mul3A_77 = arith.constant 632 : i32
    %mul3A_78 = arith.muli %arg1, %mul3A_77 : i32
    "tpu.region"() ({
      %run_scoped3A_79 = tpu.sem_alloc : memref<!tpu.dma_semaphore, #tpu.memory_space<semaphore_mem>>
      %dma_start3A_80 = arith.constant 0 : i32
      %dma_start3A_81 = tpu.memref_slice %arg6[%add3A_76, %dma_start3A_80] : memref<20224x128xf32, #tpu.memory_space<hbm>> -> memref<632x128xf32, #tpu.memory_space<hbm>>
      %dma_start3A_82 = arith.constant 0 : i32
      %dma_start3A_83 = tpu.memref_slice %arg11[%mul3A_78, %dma_start3A_82] : memref<10112x128xf32, #tpu.memory_space<vmem_shared>> -> memref<632x128xf32, #tpu.memory_space<vmem_shared>>
      tpu.enqueue_dma source(%dma_start3A_83 : memref<632x128xf32, #tpu.memory_space<vmem_shared>>) target(%dma_start3A_81 : memref<632x128xf32, #tpu.memory_space<hbm>>) target_semaphore(%run_scoped3A_79 : memref<!tpu.dma_semaphore, #tpu.memory_space<semaphore_mem>>)
      %dma_wait3A_84 = arith.constant 0 : i32
      %dma_wait3A_85 = tpu.memref_slice %arg6[%add3A_76, %dma_wait3A_84] : memref<20224x128xf32, #tpu.memory_space<hbm>> -> memref<632x128xf32, #tpu.memory_space<hbm>>
      %dma_wait3A_86 = arith.constant 0 : i32
      %dma_wait3A_87 = tpu.memref_slice %arg11[%mul3A_78, %dma_wait3A_86] : memref<10112x128xf32, #tpu.memory_space<vmem_shared>> -> memref<632x128xf32, #tpu.memory_space<vmem_shared>>
      tpu.wait_dma2 semaphore(%run_scoped3A_79 : memref<!tpu.dma_semaphore, #tpu.memory_space<semaphore_mem>>) src(%dma_wait3A_87 : memref<632x128xf32, #tpu.memory_space<vmem_shared>>) dst(%dma_wait3A_85 : memref<632x128xf32, #tpu.memory_space<hbm>>)
      tpu.yield
    }) : () -> ()
    return
  }
}

module attributes {stable_mosaic.version = 14 : i64} {
  func.func @body(%arg0: memref<20224x128xf32, #tpu.memory_space<vmem>>, %arg1: memref<10000x128xf32, #tpu.memory_space<vmem>>, %arg2: memref<128x128xf32, #tpu.memory_space<vmem>>, %arg3: memref<10000x1xf32, #tpu.memory_space<vmem>>, %arg4: memref<10000x128xf32, #tpu.memory_space<vmem>>) attributes {dimension_semantics = [], scalar_prefetch = 0 : i64, scratch_operands = 0 : i64, tpu.core_type = #tpu.core_type<tc>} {
    %get3A = arith.constant 0 : index
    %get3A_0 = arith.constant 0 : index
    %get3A_1 = vector.load %arg0[%get3A, %get3A_0] : memref<20224x128xf32, #tpu.memory_space<vmem>>, vector<20224x128xf32>
    %slice3A = vector.extract_strided_slice %get3A_1 {offsets = [0, 0], sizes = [10000, 1], strides = [1, 1]} : vector<20224x128xf32> to vector<10000x1xf32>
    %slice3A_2 = vector.extract_strided_slice %get3A_1 {offsets = [10112, 0], sizes = [10000, 1], strides = [1, 1]} : vector<20224x128xf32> to vector<10000x1xf32>
    %add3A = arith.addf %slice3A, %slice3A_2 : vector<10000x1xf32>
    %add3A_3 = arith.constant 1.000000e+00 : f32
    %add3A_4 = vector.broadcast %add3A_3 : f32 to vector<10000x1xf32>
    %add3A_5 = arith.addf %add3A, %add3A_4 : vector<10000x1xf32>
    %rsqrt3A = math.rsqrt %add3A_5 : vector<10000x1xf32>
    %swap3A = arith.constant 0 : index
    %swap3A_6 = arith.constant 0 : index
    %swap3A_7 = vector.load %arg3[%swap3A, %swap3A_6] : memref<10000x1xf32, #tpu.memory_space<vmem>>, vector<10000x1xf32>
    tpu.vector_store %arg3[%swap3A, %swap3A_6], %rsqrt3A {strides = array<i32>} : memref<10000x1xf32, #tpu.memory_space<vmem>>, vector<10000x1xf32>,
    %get3A_8 = arith.constant 0 : index
    %get3A_9 = arith.constant 0 : index
    %get3A_10 = vector.load %arg1[%get3A_8, %get3A_9] : memref<10000x128xf32, #tpu.memory_space<vmem>>, vector<10000x128xf32>
    %get3A_11 = arith.constant 0 : index
    %get3A_12 = arith.constant 0 : index
    %get3A_13 = vector.load %arg2[%get3A_11, %get3A_12] : memref<128x128xf32, #tpu.memory_space<vmem>>, vector<128x128xf32>
    %dot_general3A = arith.constant dense<0.000000e+00> : vector<10000x128xf32>
    %dot_general3A_14 = tpu.matmul %get3A_10, %get3A_13, %dot_general3A {dimension_numbers = #tpu.dot_dimension_numbers<[1], [0], [0], [1], [0, 0, 1, 1], [], []>, transpose_lhs_hint = false} : vector<10000x128xf32>, vector<128x128xf32>, vector<10000x128xf32> -> vector<10000x128xf32>
    %mul3A = vector.broadcast %rsqrt3A : vector<10000x1xf32> to vector<10000x128xf32>
    %mul3A_15 = arith.mulf %dot_general3A_14, %mul3A : vector<10000x128xf32>
    %swap3A_16 = arith.constant 0 : index
    %swap3A_17 = arith.constant 0 : index
    %swap3A_18 = vector.load %arg4[%swap3A_16, %swap3A_17] : memref<10000x128xf32, #tpu.memory_space<vmem>>, vector<10000x128xf32>
    tpu.vector_store %arg4[%swap3A_16, %swap3A_17], %mul3A_15 {strides = array<i32>} : memref<10000x128xf32, #tpu.memory_space<vmem>>, vector<10000x128xf32>,
    return
  }
}

module attributes {stable_mosaic.version = 14 : i64} {
  func.func @body(%arg0: memref<20224x128xf32, #tpu.memory_space<vmem>>, %arg1: memref<10000x128xf32, #tpu.memory_space<vmem>>, %arg2: memref<1x128xf32, #tpu.memory_space<vmem>>, %arg3: memref<10000x1xf32, #tpu.memory_space<vmem>>, %arg4: memref<128xf32, #tpu.memory_space<vmem>>, %arg5: memref<128xf32, #tpu.memory_space<vmem>>, %arg6: memref<128x128xf32, #tpu.memory_space<vmem>>, %arg7: memref<128x128xf32, #tpu.memory_space<vmem>>, %arg8: memref<128xf32, #tpu.memory_space<vmem>>, %arg9: memref<10000x128xf32, #tpu.memory_space<vmem>>, %arg10: memref<10000x128xf32, #tpu.memory_space<vmem>>) attributes {dimension_semantics = [], scalar_prefetch = 0 : i64, scratch_operands = 0 : i64, tpu.core_type = #tpu.core_type<tc>} {
    %get3A = arith.constant 0 : index
    %get3A_0 = arith.constant 0 : index
    %get3A_1 = vector.load %arg3[%get3A, %get3A_0] : memref<10000x1xf32, #tpu.memory_space<vmem>>, vector<10000x1xf32>
    %get3A_2 = arith.constant 0 : index
    %get3A_3 = arith.constant 0 : index
    %get3A_4 = vector.load %arg0[%get3A_2, %get3A_3] : memref<20224x128xf32, #tpu.memory_space<vmem>>, vector<10000x128xf32>
    %get3A_5 = arith.constant 10112 : index
    %get3A_6 = arith.constant 0 : index
    %get3A_7 = vector.load %arg0[%get3A_5, %get3A_6] : memref<20224x128xf32, #tpu.memory_space<vmem>>, vector<10000x128xf32>
    %add3A = arith.addf %get3A_4, %get3A_7 : vector<10000x128xf32>
    %get3A_8 = arith.constant 0 : index
    %get3A_9 = arith.constant 0 : index
    %get3A_10 = vector.load %arg1[%get3A_8, %get3A_9] : memref<10000x128xf32, #tpu.memory_space<vmem>>, vector<10000x128xf32>
    %add3A_11 = arith.addf %add3A, %get3A_10 : vector<10000x128xf32>
    %mul3A = vector.broadcast %get3A_1 : vector<10000x1xf32> to vector<10000x128xf32>
    %mul3A_12 = arith.mulf %mul3A, %add3A_11 : vector<10000x128xf32>
    %get3A_13 = arith.constant 0 : index
    %get3A_14 = arith.constant 0 : index
    %get3A_15 = vector.load %arg2[%get3A_13, %get3A_14] : memref<1x128xf32, #tpu.memory_space<vmem>>, vector<1x128xf32>
    %add3A_16 = vector.broadcast %get3A_15 : vector<1x128xf32> to vector<10000x128xf32>
    %add3A_17 = arith.addf %mul3A_12, %add3A_16 : vector<10000x128xf32>
    %reduce_sum3A = arith.constant dense<0.000000e+00> : vector<128xf32>
    %reduce_sum3A_18 = vector.multi_reduction <add>, %add3A_17, %reduce_sum3A [0] : vector<10000x128xf32> to vector<128xf32>
    %div3A = arith.constant 1.000000e+04 : f32
    %div3A_19 = vector.broadcast %div3A : f32 to vector<128xf32>
    %div3A_20 = arith.divf %reduce_sum3A_18, %div3A_19 : vector<128xf32>
    %broadcast_in_dim3A = vector.shape_cast %div3A_20 : vector<128xf32> to vector<1x128xf32>
    %sub3A = vector.broadcast %broadcast_in_dim3A : vector<1x128xf32> to vector<10000x128xf32>
    %sub3A_21 = arith.subf %add3A_17, %sub3A : vector<10000x128xf32>
    %integer_pow3A = arith.mulf %sub3A_21, %sub3A_21 : vector<10000x128xf32>
    %reduce_sum3A_22 = arith.constant dense<0.000000e+00> : vector<128xf32>
    %reduce_sum3A_23 = vector.multi_reduction <add>, %integer_pow3A, %reduce_sum3A_22 [0] : vector<10000x128xf32> to vector<128xf32>
    %div3A_24 = arith.constant 1.000000e+04 : f32
    %div3A_25 = vector.broadcast %div3A_24 : f32 to vector<128xf32>
    %div3A_26 = arith.divf %reduce_sum3A_23, %div3A_25 : vector<128xf32>
    %get3A_27 = arith.constant 0 : index
    %get3A_28 = vector.load %arg4[%get3A_27] : memref<128xf32, #tpu.memory_space<vmem>>, vector<128xf32>
    %broadcast_in_dim3A_29 = vector.shape_cast %div3A_20 : vector<128xf32> to vector<1x128xf32>
    %sub3A_30 = vector.broadcast %broadcast_in_dim3A_29 : vector<1x128xf32> to vector<10000x128xf32>
    %sub3A_31 = arith.subf %add3A_17, %sub3A_30 : vector<10000x128xf32>
    %broadcast_in_dim3A_32 = vector.shape_cast %get3A_28 : vector<128xf32> to vector<1x128xf32>
    %mul3A_33 = vector.broadcast %broadcast_in_dim3A_32 : vector<1x128xf32> to vector<10000x128xf32>
    %mul3A_34 = arith.mulf %mul3A_33, %sub3A_31 : vector<10000x128xf32>
    %add3A_35 = arith.constant 9.99999974E-6 : f32
    %add3A_36 = vector.broadcast %add3A_35 : f32 to vector<128xf32>
    %add3A_37 = arith.addf %div3A_26, %add3A_36 : vector<128xf32>
    %sqrt3A = math.sqrt %add3A_37 : vector<128xf32>
    %broadcast_in_dim3A_38 = vector.shape_cast %sqrt3A : vector<128xf32> to vector<1x128xf32>
    %div3A_39 = vector.broadcast %broadcast_in_dim3A_38 : vector<1x128xf32> to vector<10000x128xf32>
    %div3A_40 = arith.divf %mul3A_34, %div3A_39 : vector<10000x128xf32>
    %get3A_41 = arith.constant 0 : index
    %get3A_42 = vector.load %arg5[%get3A_41] : memref<128xf32, #tpu.memory_space<vmem>>, vector<128xf32>
    %broadcast_in_dim3A_43 = vector.shape_cast %get3A_42 : vector<128xf32> to vector<1x128xf32>
    %add3A_44 = vector.broadcast %broadcast_in_dim3A_43 : vector<1x128xf32> to vector<10000x128xf32>
    %add3A_45 = arith.addf %div3A_40, %add3A_44 : vector<10000x128xf32>
    %max3A = arith.constant 0.000000e+00 : f32
    %max3A_46 = vector.broadcast %max3A : f32 to vector<10000x128xf32>
    %max3A_47 = arith.maximumf %add3A_45, %max3A_46 : vector<10000x128xf32>
    %get3A_48 = arith.constant 0 : index
    %get3A_49 = arith.constant 0 : index
    %get3A_50 = vector.load %arg6[%get3A_48, %get3A_49] : memref<128x128xf32, #tpu.memory_space<vmem>>, vector<128x128xf32>
    %dot_general3A = arith.constant dense<0.000000e+00> : vector<10000x128xf32>
    %dot_general3A_51 = tpu.matmul %max3A_47, %get3A_50, %dot_general3A {dimension_numbers = #tpu.dot_dimension_numbers<[1], [0], [0], [1], [0, 0, 1, 1], [], []>, transpose_lhs_hint = false} : vector<10000x128xf32>, vector<128x128xf32>, vector<10000x128xf32> -> vector<10000x128xf32>
    %mul3A_52 = vector.broadcast %get3A_1 : vector<10000x1xf32> to vector<10000x128xf32>
    %mul3A_53 = arith.mulf %mul3A_52, %dot_general3A_51 : vector<10000x128xf32>
    %swap3A = arith.constant 0 : index
    %swap3A_54 = arith.constant 0 : index
    %swap3A_55 = vector.load %arg9[%swap3A, %swap3A_54] : memref<10000x128xf32, #tpu.memory_space<vmem>>, vector<10000x128xf32>
    tpu.vector_store %arg9[%swap3A, %swap3A_54], %mul3A_53 {strides = array<i32>} : memref<10000x128xf32, #tpu.memory_space<vmem>>, vector<10000x128xf32>,
    %get3A_56 = arith.constant 0 : index
    %get3A_57 = arith.constant 0 : index
    %get3A_58 = vector.load %arg7[%get3A_56, %get3A_57] : memref<128x128xf32, #tpu.memory_space<vmem>>, vector<128x128xf32>
    %dot_general3A_59 = arith.constant dense<0.000000e+00> : vector<10000x128xf32>
    %dot_general3A_60 = tpu.matmul %max3A_47, %get3A_58, %dot_general3A_59 {dimension_numbers = #tpu.dot_dimension_numbers<[1], [0], [0], [1], [0, 0, 1, 1], [], []>, transpose_lhs_hint = false} : vector<10000x128xf32>, vector<128x128xf32>, vector<10000x128xf32> -> vector<10000x128xf32>
    %get3A_61 = arith.constant 0 : index
    %get3A_62 = vector.load %arg8[%get3A_61] : memref<128xf32, #tpu.memory_space<vmem>>, vector<128xf32>
    %broadcast_in_dim3A_63 = vector.shape_cast %get3A_62 : vector<128xf32> to vector<1x128xf32>
    %add3A_64 = vector.broadcast %broadcast_in_dim3A_63 : vector<1x128xf32> to vector<10000x128xf32>
    %add3A_65 = arith.addf %dot_general3A_60, %add3A_64 : vector<10000x128xf32>
    %swap3A_66 = arith.constant 0 : index
    %swap3A_67 = arith.constant 0 : index
    %swap3A_68 = vector.load %arg10[%swap3A_66, %swap3A_67] : memref<10000x128xf32, #tpu.memory_space<vmem>>, vector<10000x128xf32>
    tpu.vector_store %arg10[%swap3A_66, %swap3A_67], %add3A_65 {strides = array<i32>} : memref<10000x128xf32, #tpu.memory_space<vmem>>, vector<10000x128xf32>,
    return
  }
}

module attributes {stable_mosaic.version = 14 : i64} {
  func.func @body(%arg0: memref<20224x128xf32, #tpu.memory_space<vmem>>, %arg1: memref<10000x128xf32, #tpu.memory_space<vmem>>, %arg2: memref<10000x128xf32, #tpu.memory_space<vmem>>, %arg3: memref<10000x1xf32, #tpu.memory_space<vmem>>, %arg4: memref<128xf32, #tpu.memory_space<vmem>>, %arg5: memref<128xf32, #tpu.memory_space<vmem>>, %arg6: memref<128x128xf32, #tpu.memory_space<vmem>>, %arg7: memref<128x128xf32, #tpu.memory_space<vmem>>, %arg8: memref<128xf32, #tpu.memory_space<vmem>>, %arg9: memref<10000x128xf32, #tpu.memory_space<vmem>>, %arg10: memref<10000x128xf32, #tpu.memory_space<vmem>>) attributes {dimension_semantics = [], scalar_prefetch = 0 : i64, scratch_operands = 0 : i64, tpu.core_type = #tpu.core_type<tc>} {
    %get3A = arith.constant 0 : index
    %get3A_0 = arith.constant 0 : index
    %get3A_1 = vector.load %arg3[%get3A, %get3A_0] : memref<10000x1xf32, #tpu.memory_space<vmem>>, vector<10000x1xf32>
    %get3A_2 = arith.constant 0 : index
    %get3A_3 = arith.constant 0 : index
    %get3A_4 = vector.load %arg0[%get3A_2, %get3A_3] : memref<20224x128xf32, #tpu.memory_space<vmem>>, vector<10000x128xf32>
    %get3A_5 = arith.constant 10112 : index
    %get3A_6 = arith.constant 0 : index
    %get3A_7 = vector.load %arg0[%get3A_5, %get3A_6] : memref<20224x128xf32, #tpu.memory_space<vmem>>, vector<10000x128xf32>
    %add3A = arith.addf %get3A_4, %get3A_7 : vector<10000x128xf32>
    %get3A_8 = arith.constant 0 : index
    %get3A_9 = arith.constant 0 : index
    %get3A_10 = vector.load %arg1[%get3A_8, %get3A_9] : memref<10000x128xf32, #tpu.memory_space<vmem>>, vector<10000x128xf32>
    %add3A_11 = arith.addf %add3A, %get3A_10 : vector<10000x128xf32>
    %mul3A = vector.broadcast %get3A_1 : vector<10000x1xf32> to vector<10000x128xf32>
    %mul3A_12 = arith.mulf %mul3A, %add3A_11 : vector<10000x128xf32>
    %get3A_13 = arith.constant 0 : index
    %get3A_14 = arith.constant 0 : index
    %get3A_15 = vector.load %arg2[%get3A_13, %get3A_14] : memref<10000x128xf32, #tpu.memory_space<vmem>>, vector<10000x128xf32>
    %add3A_16 = arith.addf %mul3A_12, %get3A_15 : vector<10000x128xf32>
    %reduce_sum3A = arith.constant dense<0.000000e+00> : vector<128xf32>
    %reduce_sum3A_17 = vector.multi_reduction <add>, %add3A_16, %reduce_sum3A [0] : vector<10000x128xf32> to vector<128xf32>
    %div3A = arith.constant 1.000000e+04 : f32
    %div3A_18 = vector.broadcast %div3A : f32 to vector<128xf32>
    %div3A_19 = arith.divf %reduce_sum3A_17, %div3A_18 : vector<128xf32>
    %broadcast_in_dim3A = vector.shape_cast %div3A_19 : vector<128xf32> to vector<1x128xf32>
    %sub3A = vector.broadcast %broadcast_in_dim3A : vector<1x128xf32> to vector<10000x128xf32>
    %sub3A_20 = arith.subf %add3A_16, %sub3A : vector<10000x128xf32>
    %integer_pow3A = arith.mulf %sub3A_20, %sub3A_20 : vector<10000x128xf32>
    %reduce_sum3A_21 = arith.constant dense<0.000000e+00> : vector<128xf32>
    %reduce_sum3A_22 = vector.multi_reduction <add>, %integer_pow3A, %reduce_sum3A_21 [0] : vector<10000x128xf32> to vector<128xf32>
    %div3A_23 = arith.constant 1.000000e+04 : f32
    %div3A_24 = vector.broadcast %div3A_23 : f32 to vector<128xf32>
    %div3A_25 = arith.divf %reduce_sum3A_22, %div3A_24 : vector<128xf32>
    %get3A_26 = arith.constant 0 : index
    %get3A_27 = vector.load %arg4[%get3A_26] : memref<128xf32, #tpu.memory_space<vmem>>, vector<128xf32>
    %broadcast_in_dim3A_28 = vector.shape_cast %div3A_19 : vector<128xf32> to vector<1x128xf32>
    %sub3A_29 = vector.broadcast %broadcast_in_dim3A_28 : vector<1x128xf32> to vector<10000x128xf32>
    %sub3A_30 = arith.subf %add3A_16, %sub3A_29 : vector<10000x128xf32>
    %broadcast_in_dim3A_31 = vector.shape_cast %get3A_27 : vector<128xf32> to vector<1x128xf32>
    %mul3A_32 = vector.broadcast %broadcast_in_dim3A_31 : vector<1x128xf32> to vector<10000x128xf32>
    %mul3A_33 = arith.mulf %mul3A_32, %sub3A_30 : vector<10000x128xf32>
    %add3A_34 = arith.constant 9.99999974E-6 : f32
    %add3A_35 = vector.broadcast %add3A_34 : f32 to vector<128xf32>
    %add3A_36 = arith.addf %div3A_25, %add3A_35 : vector<128xf32>
    %sqrt3A = math.sqrt %add3A_36 : vector<128xf32>
    %broadcast_in_dim3A_37 = vector.shape_cast %sqrt3A : vector<128xf32> to vector<1x128xf32>
    %div3A_38 = vector.broadcast %broadcast_in_dim3A_37 : vector<1x128xf32> to vector<10000x128xf32>
    %div3A_39 = arith.divf %mul3A_33, %div3A_38 : vector<10000x128xf32>
    %get3A_40 = arith.constant 0 : index
    %get3A_41 = vector.load %arg5[%get3A_40] : memref<128xf32, #tpu.memory_space<vmem>>, vector<128xf32>
    %broadcast_in_dim3A_42 = vector.shape_cast %get3A_41 : vector<128xf32> to vector<1x128xf32>
    %add3A_43 = vector.broadcast %broadcast_in_dim3A_42 : vector<1x128xf32> to vector<10000x128xf32>
    %add3A_44 = arith.addf %div3A_39, %add3A_43 : vector<10000x128xf32>
    %max3A = arith.constant 0.000000e+00 : f32
    %max3A_45 = vector.broadcast %max3A : f32 to vector<10000x128xf32>
    %max3A_46 = arith.maximumf %add3A_44, %max3A_45 : vector<10000x128xf32>
    %get3A_47 = arith.constant 0 : index
    %get3A_48 = arith.constant 0 : index
    %get3A_49 = vector.load %arg6[%get3A_47, %get3A_48] : memref<128x128xf32, #tpu.memory_space<vmem>>, vector<128x128xf32>
    %dot_general3A = arith.constant dense<0.000000e+00> : vector<10000x128xf32>
    %dot_general3A_50 = tpu.matmul %max3A_46, %get3A_49, %dot_general3A {dimension_numbers = #tpu.dot_dimension_numbers<[1], [0], [0], [1], [0, 0, 1, 1], [], []>, transpose_lhs_hint = false} : vector<10000x128xf32>, vector<128x128xf32>, vector<10000x128xf32> -> vector<10000x128xf32>
    %mul3A_51 = vector.broadcast %get3A_1 : vector<10000x1xf32> to vector<10000x128xf32>
    %mul3A_52 = arith.mulf %mul3A_51, %dot_general3A_50 : vector<10000x128xf32>
    %swap3A = arith.constant 0 : index
    %swap3A_53 = arith.constant 0 : index
    %swap3A_54 = vector.load %arg9[%swap3A, %swap3A_53] : memref<10000x128xf32, #tpu.memory_space<vmem>>, vector<10000x128xf32>
    tpu.vector_store %arg9[%swap3A, %swap3A_53], %mul3A_52 {strides = array<i32>} : memref<10000x128xf32, #tpu.memory_space<vmem>>, vector<10000x128xf32>,
    %get3A_55 = arith.constant 0 : index
    %get3A_56 = arith.constant 0 : index
    %get3A_57 = vector.load %arg7[%get3A_55, %get3A_56] : memref<128x128xf32, #tpu.memory_space<vmem>>, vector<128x128xf32>
    %dot_general3A_58 = arith.constant dense<0.000000e+00> : vector<10000x128xf32>
    %dot_general3A_59 = tpu.matmul %max3A_46, %get3A_57, %dot_general3A_58 {dimension_numbers = #tpu.dot_dimension_numbers<[1], [0], [0], [1], [0, 0, 1, 1], [], []>, transpose_lhs_hint = false} : vector<10000x128xf32>, vector<128x128xf32>, vector<10000x128xf32> -> vector<10000x128xf32>
    %get3A_60 = arith.constant 0 : index
    %get3A_61 = vector.load %arg8[%get3A_60] : memref<128xf32, #tpu.memory_space<vmem>>, vector<128xf32>
    %broadcast_in_dim3A_62 = vector.shape_cast %get3A_61 : vector<128xf32> to vector<1x128xf32>
    %add3A_63 = vector.broadcast %broadcast_in_dim3A_62 : vector<1x128xf32> to vector<10000x128xf32>
    %add3A_64 = arith.addf %dot_general3A_59, %add3A_63 : vector<10000x128xf32>
    %swap3A_65 = arith.constant 0 : index
    %swap3A_66 = arith.constant 0 : index
    %swap3A_67 = vector.load %arg10[%swap3A_65, %swap3A_66] : memref<10000x128xf32, #tpu.memory_space<vmem>>, vector<10000x128xf32>
    tpu.vector_store %arg10[%swap3A_65, %swap3A_66], %add3A_64 {strides = array<i32>} : memref<10000x128xf32, #tpu.memory_space<vmem>>, vector<10000x128xf32>,
    return
  }
}

module attributes {stable_mosaic.version = 14 : i64} {
  func.func @body(%arg0: memref<20224x128xf32, #tpu.memory_space<vmem>>, %arg1: memref<10000x128xf32, #tpu.memory_space<vmem>>, %arg2: memref<10000x128xf32, #tpu.memory_space<vmem>>, %arg3: memref<10000x1xf32, #tpu.memory_space<vmem>>, %arg4: memref<128xf32, #tpu.memory_space<vmem>>, %arg5: memref<128xf32, #tpu.memory_space<vmem>>, %arg6: memref<10000x1xi32, #tpu.memory_space<vmem>>, %arg7: memref<128x128xf32, #tpu.memory_space<vmem>>, %arg8: memref<128xf32, #tpu.memory_space<vmem>>, %arg9: memref<128xf32, #tpu.memory_space<vmem>>, %arg10: memref<128xf32, #tpu.memory_space<vmem>>, %arg11: memref<128x40xf32, #tpu.memory_space<vmem>>, %arg12: memref<40xf32, #tpu.memory_space<vmem>>, %arg13: memref<128x40xf32, #tpu.memory_space<vmem>>, %arg14: memref<128x128xf32, #tpu.memory_space<vmem>>) attributes {dimension_semantics = [], scalar_prefetch = 0 : i64, scratch_operands = 1 : i64, tpu.core_type = #tpu.core_type<tc>} {
    %get3A = arith.constant 0 : index
    %get3A_0 = arith.constant 0 : index
    %get3A_1 = vector.load %arg3[%get3A, %get3A_0] : memref<10000x1xf32, #tpu.memory_space<vmem>>, vector<10000x1xf32>
    %get3A_2 = arith.constant 0 : index
    %get3A_3 = arith.constant 0 : index
    %get3A_4 = vector.load %arg0[%get3A_2, %get3A_3] : memref<20224x128xf32, #tpu.memory_space<vmem>>, vector<10000x128xf32>
    %get3A_5 = arith.constant 10112 : index
    %get3A_6 = arith.constant 0 : index
    %get3A_7 = vector.load %arg0[%get3A_5, %get3A_6] : memref<20224x128xf32, #tpu.memory_space<vmem>>, vector<10000x128xf32>
    %add3A = arith.addf %get3A_4, %get3A_7 : vector<10000x128xf32>
    %get3A_8 = arith.constant 0 : index
    %get3A_9 = arith.constant 0 : index
    %get3A_10 = vector.load %arg1[%get3A_8, %get3A_9] : memref<10000x128xf32, #tpu.memory_space<vmem>>, vector<10000x128xf32>
    %add3A_11 = arith.addf %add3A, %get3A_10 : vector<10000x128xf32>
    %mul3A = vector.broadcast %get3A_1 : vector<10000x1xf32> to vector<10000x128xf32>
    %mul3A_12 = arith.mulf %mul3A, %add3A_11 : vector<10000x128xf32>
    %get3A_13 = arith.constant 0 : index
    %get3A_14 = arith.constant 0 : index
    %get3A_15 = vector.load %arg2[%get3A_13, %get3A_14] : memref<10000x128xf32, #tpu.memory_space<vmem>>, vector<10000x128xf32>
    %add3A_16 = arith.addf %mul3A_12, %get3A_15 : vector<10000x128xf32>
    %reduce_sum3A = arith.constant dense<0.000000e+00> : vector<128xf32>
    %reduce_sum3A_17 = vector.multi_reduction <add>, %add3A_16, %reduce_sum3A [0] : vector<10000x128xf32> to vector<128xf32>
    %div3A = arith.constant 1.000000e+04 : f32
    %div3A_18 = vector.broadcast %div3A : f32 to vector<128xf32>
    %div3A_19 = arith.divf %reduce_sum3A_17, %div3A_18 : vector<128xf32>
    %broadcast_in_dim3A = vector.shape_cast %div3A_19 : vector<128xf32> to vector<1x128xf32>
    %sub3A = vector.broadcast %broadcast_in_dim3A : vector<1x128xf32> to vector<10000x128xf32>
    %sub3A_20 = arith.subf %add3A_16, %sub3A : vector<10000x128xf32>
    %integer_pow3A = arith.mulf %sub3A_20, %sub3A_20 : vector<10000x128xf32>
    %reduce_sum3A_21 = arith.constant dense<0.000000e+00> : vector<128xf32>
    %reduce_sum3A_22 = vector.multi_reduction <add>, %integer_pow3A, %reduce_sum3A_21 [0] : vector<10000x128xf32> to vector<128xf32>
    %div3A_23 = arith.constant 1.000000e+04 : f32
    %div3A_24 = vector.broadcast %div3A_23 : f32 to vector<128xf32>
    %div3A_25 = arith.divf %reduce_sum3A_22, %div3A_24 : vector<128xf32>
    %get3A_26 = arith.constant 0 : index
    %get3A_27 = vector.load %arg4[%get3A_26] : memref<128xf32, #tpu.memory_space<vmem>>, vector<128xf32>
    %broadcast_in_dim3A_28 = vector.shape_cast %div3A_19 : vector<128xf32> to vector<1x128xf32>
    %sub3A_29 = vector.broadcast %broadcast_in_dim3A_28 : vector<1x128xf32> to vector<10000x128xf32>
    %sub3A_30 = arith.subf %add3A_16, %sub3A_29 : vector<10000x128xf32>
    %broadcast_in_dim3A_31 = vector.shape_cast %get3A_27 : vector<128xf32> to vector<1x128xf32>
    %mul3A_32 = vector.broadcast %broadcast_in_dim3A_31 : vector<1x128xf32> to vector<10000x128xf32>
    %mul3A_33 = arith.mulf %mul3A_32, %sub3A_30 : vector<10000x128xf32>
    %add3A_34 = arith.constant 9.99999974E-6 : f32
    %add3A_35 = vector.broadcast %add3A_34 : f32 to vector<128xf32>
    %add3A_36 = arith.addf %div3A_25, %add3A_35 : vector<128xf32>
    %sqrt3A = math.sqrt %add3A_36 : vector<128xf32>
    %broadcast_in_dim3A_37 = vector.shape_cast %sqrt3A : vector<128xf32> to vector<1x128xf32>
    %div3A_38 = vector.broadcast %broadcast_in_dim3A_37 : vector<1x128xf32> to vector<10000x128xf32>
    %div3A_39 = arith.divf %mul3A_33, %div3A_38 : vector<10000x128xf32>
    %get3A_40 = arith.constant 0 : index
    %get3A_41 = vector.load %arg5[%get3A_40] : memref<128xf32, #tpu.memory_space<vmem>>, vector<128xf32>
    %broadcast_in_dim3A_42 = vector.shape_cast %get3A_41 : vector<128xf32> to vector<1x128xf32>
    %add3A_43 = vector.broadcast %broadcast_in_dim3A_42 : vector<1x128xf32> to vector<10000x128xf32>
    %add3A_44 = arith.addf %div3A_39, %add3A_43 : vector<10000x128xf32>
    %max3A = arith.constant 0.000000e+00 : f32
    %max3A_45 = vector.broadcast %max3A : f32 to vector<10000x128xf32>
    %max3A_46 = arith.maximumf %add3A_44, %max3A_45 : vector<10000x128xf32>
    %get3A_47 = arith.constant 0 : index
    %get3A_48 = arith.constant 0 : index
    %get3A_49 = vector.load %arg6[%get3A_47, %get3A_48] : memref<10000x1xi32, #tpu.memory_space<vmem>>, vector<10000x1xi32>
    %scan3A = arith.constant 0 : i32
    %scan3A_50 = arith.constant 128 : i32
    %scan3A_51 = arith.addi %scan3A, %scan3A_50 : i32
    %scan3A_52 = arith.constant 1 : i32
    scf.for %scan3A_115 = %scan3A to %scan3A_51 step %scan3A_52  : i32 {
      %eq3A = vector.broadcast %scan3A_115 : i32 to vector<10000x1xi32>
      %eq3A_116 = arith.cmpi eq, %get3A_49, %eq3A : vector<10000x1xi32>
      %jit3A = arith.constant 0xFF800000 : f32
      %broadcast_in_dim3A_117 = vector.shape_cast %eq3A_116 : vector<10000x1xi1> to vector<10000x1xi1>
      %broadcast_in_dim3A_118 = vector.broadcast %broadcast_in_dim3A_117 : vector<10000x1xi1> to vector<10000x128xi1>
      %broadcast_in_dim3A_119 = vector.broadcast %jit3A : f32 to vector<10000x128xf32>
      %select_n3A = arith.select %broadcast_in_dim3A_118, %max3A_46, %broadcast_in_dim3A_119 : vector<10000x128xi1>, vector<10000x128xf32>
      %reduce_max3A = arith.constant dense<0xFF800000> : vector<128xf32>
      %reduce_max3A_120 = vector.multi_reduction <maximumf>, %select_n3A, %reduce_max3A [0] : vector<10000x128xf32> to vector<128xf32>
      %broadcast_in_dim3A_121 = vector.shape_cast %reduce_max3A_120 : vector<128xf32> to vector<1x128xf32>
      %swap3A_122 = arith.index_cast %scan3A_115 : i32 to index
      %swap3A_123 = arith.constant 0 : index
      %swap3A_124 = vector.load %arg14[%swap3A_122, %swap3A_123] : memref<128x128xf32, #tpu.memory_space<vmem>>, vector<1x128xf32>
      tpu.vector_store %arg14[%swap3A_122, %swap3A_123], %broadcast_in_dim3A_121 {strides = array<i32>} : memref<128x128xf32, #tpu.memory_space<vmem>>, vector<1x128xf32>,
    }
    %scan3A_53 = arith.constant 128 : i32
    %get3A_54 = arith.constant 0 : index
    %get3A_55 = arith.constant 0 : index
    %get3A_56 = vector.load %arg14[%get3A_54, %get3A_55] : memref<128x128xf32, #tpu.memory_space<vmem>>, vector<128x128xf32>
    %get3A_57 = arith.constant 0 : index
    %get3A_58 = arith.constant 0 : index
    %get3A_59 = vector.load %arg7[%get3A_57, %get3A_58] : memref<128x128xf32, #tpu.memory_space<vmem>>, vector<128x128xf32>
    %dot_general3A = arith.constant dense<0.000000e+00> : vector<128x128xf32>
    %dot_general3A_60 = tpu.matmul %get3A_56, %get3A_59, %dot_general3A {dimension_numbers = #tpu.dot_dimension_numbers<[1], [0], [0], [1], [0, 0, 1, 1], [], []>, transpose_lhs_hint = false} : vector<128x128xf32>, vector<128x128xf32>, vector<128x128xf32> -> vector<128x128xf32>
    %get3A_61 = arith.constant 0 : index
    %get3A_62 = vector.load %arg8[%get3A_61] : memref<128xf32, #tpu.memory_space<vmem>>, vector<128xf32>
    %broadcast_in_dim3A_63 = vector.shape_cast %get3A_62 : vector<128xf32> to vector<1x128xf32>
    %add3A_64 = vector.broadcast %broadcast_in_dim3A_63 : vector<1x128xf32> to vector<128x128xf32>
    %add3A_65 = arith.addf %dot_general3A_60, %add3A_64 : vector<128x128xf32>
    %reduce_sum3A_66 = arith.constant dense<0.000000e+00> : vector<128xf32>
    %reduce_sum3A_67 = vector.multi_reduction <add>, %add3A_65, %reduce_sum3A_66 [0] : vector<128x128xf32> to vector<128xf32>
    %div3A_68 = arith.constant 1.280000e+02 : f32
    %div3A_69 = vector.broadcast %div3A_68 : f32 to vector<128xf32>
    %div3A_70 = arith.divf %reduce_sum3A_67, %div3A_69 : vector<128xf32>
    %broadcast_in_dim3A_71 = vector.shape_cast %div3A_70 : vector<128xf32> to vector<1x128xf32>
    %sub3A_72 = vector.broadcast %broadcast_in_dim3A_71 : vector<1x128xf32> to vector<128x128xf32>
    %sub3A_73 = arith.subf %add3A_65, %sub3A_72 : vector<128x128xf32>
    %integer_pow3A_74 = arith.mulf %sub3A_73, %sub3A_73 : vector<128x128xf32>
    %reduce_sum3A_75 = arith.constant dense<0.000000e+00> : vector<128xf32>
    %reduce_sum3A_76 = vector.multi_reduction <add>, %integer_pow3A_74, %reduce_sum3A_75 [0] : vector<128x128xf32> to vector<128xf32>
    %div3A_77 = arith.constant 1.280000e+02 : f32
    %div3A_78 = vector.broadcast %div3A_77 : f32 to vector<128xf32>
    %div3A_79 = arith.divf %reduce_sum3A_76, %div3A_78 : vector<128xf32>
    %get3A_80 = arith.constant 0 : index
    %get3A_81 = vector.load %arg9[%get3A_80] : memref<128xf32, #tpu.memory_space<vmem>>, vector<128xf32>
    %broadcast_in_dim3A_82 = vector.shape_cast %div3A_70 : vector<128xf32> to vector<1x128xf32>
    %sub3A_83 = vector.broadcast %broadcast_in_dim3A_82 : vector<1x128xf32> to vector<128x128xf32>
    %sub3A_84 = arith.subf %add3A_65, %sub3A_83 : vector<128x128xf32>
    %broadcast_in_dim3A_85 = vector.shape_cast %get3A_81 : vector<128xf32> to vector<1x128xf32>
    %mul3A_86 = vector.broadcast %broadcast_in_dim3A_85 : vector<1x128xf32> to vector<128x128xf32>
    %mul3A_87 = arith.mulf %mul3A_86, %sub3A_84 : vector<128x128xf32>
    %add3A_88 = arith.constant 9.99999974E-6 : f32
    %add3A_89 = vector.broadcast %add3A_88 : f32 to vector<128xf32>
    %add3A_90 = arith.addf %div3A_79, %add3A_89 : vector<128xf32>
    %sqrt3A_91 = math.sqrt %add3A_90 : vector<128xf32>
    %broadcast_in_dim3A_92 = vector.shape_cast %sqrt3A_91 : vector<128xf32> to vector<1x128xf32>
    %div3A_93 = vector.broadcast %broadcast_in_dim3A_92 : vector<1x128xf32> to vector<128x128xf32>
    %div3A_94 = arith.divf %mul3A_87, %div3A_93 : vector<128x128xf32>
    %get3A_95 = arith.constant 0 : index
    %get3A_96 = vector.load %arg10[%get3A_95] : memref<128xf32, #tpu.memory_space<vmem>>, vector<128xf32>
    %broadcast_in_dim3A_97 = vector.shape_cast %get3A_96 : vector<128xf32> to vector<1x128xf32>
    %add3A_98 = vector.broadcast %broadcast_in_dim3A_97 : vector<1x128xf32> to vector<128x128xf32>
    %add3A_99 = arith.addf %div3A_94, %add3A_98 : vector<128x128xf32>
    %max3A_100 = arith.constant 0.000000e+00 : f32
    %max3A_101 = vector.broadcast %max3A_100 : f32 to vector<128x128xf32>
    %max3A_102 = arith.maximumf %add3A_99, %max3A_101 : vector<128x128xf32>
    %get3A_103 = arith.constant 0 : index
    %get3A_104 = arith.constant 0 : index
    %get3A_105 = vector.load %arg11[%get3A_103, %get3A_104] : memref<128x40xf32, #tpu.memory_space<vmem>>, vector<128x40xf32>
    %dot_general3A_106 = arith.constant dense<0.000000e+00> : vector<128x40xf32>
    %dot_general3A_107 = tpu.matmul %max3A_102, %get3A_105, %dot_general3A_106 {dimension_numbers = #tpu.dot_dimension_numbers<[1], [0], [0], [1], [0, 0, 1, 1], [], []>, transpose_lhs_hint = false} : vector<128x128xf32>, vector<128x40xf32>, vector<128x40xf32> -> vector<128x40xf32>
    %get3A_108 = arith.constant 0 : index
    %get3A_109 = vector.load %arg12[%get3A_108] : memref<40xf32, #tpu.memory_space<vmem>>, vector<40xf32>
    %broadcast_in_dim3A_110 = vector.shape_cast %get3A_109 : vector<40xf32> to vector<1x40xf32>
    %add3A_111 = vector.broadcast %broadcast_in_dim3A_110 : vector<1x40xf32> to vector<128x40xf32>
    %add3A_112 = arith.addf %dot_general3A_107, %add3A_111 : vector<128x40xf32>
    %swap3A = arith.constant 0 : index
    %swap3A_113 = arith.constant 0 : index
    %swap3A_114 = vector.load %arg13[%swap3A, %swap3A_113] : memref<128x40xf32, #tpu.memory_space<vmem>>, vector<128x40xf32>
    tpu.vector_store %arg13[%swap3A, %swap3A_113], %add3A_112 {strides = array<i32>} : memref<128x40xf32, #tpu.memory_space<vmem>>, vector<128x40xf32>,
    return
  }
}

</mosaic_0001>

<sc_bundles>
// kernel: kernel.10.cloned.1.call-start
scs
__scs_entry_jumppad:
0x0: {  	(pc) =	sbr.rel $0x88, $3  }
0x1: {  	(tag) =	ssettag $0x0;
	lr =	simm.s32 $0x1  }
0x2: {  	[smem:$0x3F8A] =	sst lr;
	_ =	strace $0xD0000000  }
0x3: {  	_ = 	snop  }
0x4: {  	_ = 	snop  }
0x5: {  	_ = 	snop  }
0x6: {  	_ = 	snop  }
0x7: {  	_ = 	snop  }
__scs_overlays_trampoline_lowered:
0x8: {  	[smem:$0x3F99] =	sst s0  }
0x9: {  	[smem:$0x3F9A] =	sst s1  }
0xa: {  	[smem:$0x3F9B] =	sst s2  }
0xb: {  	[smem:$0x3F9C] =	sst s3  }
0xc: {  	[smem:$0x3F9D] =	sst s4  }
0xd: {  	[smem:$0x3F9E] =	sst s5  }
0xe: {  	[smem:$0x3F9F] =	sst s6  }
0xf: {  	[smem:$0x3FA0] =	sst s7  }
0x10: {  	[smem:$0x3FA1] =	sst s8  }
0x11: {  	[smem:$0x3FA2] =	sst s9;
	s0 =	simm.s32 @!p0 $0x0  }
0x12: {  	s1 =	sld [smem:$0x3F88];
	s0 =	simm.s32 @p0 $0x1  }
0x13: {  	[smem:$0x3FA3] =	sst s0;
	s0 =	simm.s32 @!p1 $0x0  }
0x14: {  	s2 =	sld [smem:$0x3F87];
	s0 =	simm.s32 @p1 $0x1  }
0x15: {  	[smem:$0x3FA4] =	sst s0;
	s0 =	simm.s32 @!p2 $0x0  }
0x16: {  	s3 =	sld [smem:$0x3FDB];
	s0 =	simm.s32 @p2 $0x1  }
0x17: {  	s4 =	simm.s32 $0x1BF5;
	[smem:$0x3FA6] =	sst s0  }
0x18: {  	s0 =	sld [smem:$0x3F89];
	_ =	swait.ge [sflag:s4], $0x0  }
0x19: {  	s7 =	sld [smem:$0x3F8A]  }
0x1a: {  	s8 =	sadd.s32 $0xFFFFE003, lr  }
0x1b: {  	s9 =	sadd.s32 $0xFFFFFEF7, lr;
	s5 =	simm.s32 $0xFFFFFFFF;
	p2 =	slt.u32 s8, $0xFFFFF086  }
0x1c: {  	p1 =	slt.u32 s9, $0xF7A;
	s5 =	simm.s32 @!p2 $0x0  }
0x1d: {  	s5 =	simm.s32 @p1 $0x1;
	p0 =	seq.s32 s7, s2  }
0x1e: {  	s7 =	smul.u32 @!p0 $0xF7A, s2;
	p2 =	seq.s32 @!p0 s5, $0x0  }
0x1f: {  	s9 =	smul.u32 $0xF7A, s1;
	s8 =	simm.s32 @!p0 $0x1BF5;
	p2 =	por !p2, p0  }
0x20: {  	[sflag:s8] =	ssyncset.s32 @!p0 $0xFFFFF086;
	s6 =	sadd.s32 @!p0 s3, s7;
	s7 =	simm.s32 @!p0 $0x108  }
0x21: {  	s3 =	sadd.s32 s3, s9;
	s6 =	sadd.s32 @!p0 $0x88, s6;
	s7 =	simm.s32 @p2 $0x1082  }
0x22: {  	[simem:s7], [sflag:s8] =	dma.local @!p0 [hbm:s6], $0xF7A  }
0x23: {  	s9 =	sor.u32 $0xD0000000, s2;
	s6 =	simm.s32 $0x108;
	_ =	swait.ge @!p0 [sflag:s8], $0x0  }
0x24: {  	s3 =	sadd.s32 $0x88, s3;
	s6 =	simm.s32 @!p1 $0x1082;
	[sflag:s4] =	ssyncset.s32 $0xFFFFF086  }
0x25: {  	[simem:s6], [sflag:s4] =	dma.local [hbm:s3], $0xF7A  }
0x26: {  	[smem:$0x3F8A] =	sst s1;
	(tag) =	ssettag s2;
	_ =	strace s9  }
0x27: {  	s1 =	sld [smem:$0x3F9A]  }
0x28: {  	s2 =	sld [smem:$0x3F9B]  }
0x29: {  	s4 =	sld [smem:$0x3F9D]  }
0x2a: {  	p0 =	seq.s32 s5, $0x0;
	s5 =	sld [smem:$0x3F9E]  }
0x2b: {  	s6 =	sld [smem:$0x3F9F]  }
0x2c: {  	s7 =	sld [smem:$0x3FA0]  }
0x2d: {  	s3 =	simm.s32 $0x108;
	s8 =	sld [smem:$0x3FA1]  }
0x2e: {  	s3 =	simm.s32 @!p0 $0x1082;
	s9 =	sld [smem:$0x3FA2]  }
0x2f: {  	lr =	sadd.s32 s0, s3;
	s0 =	sld [smem:$0x3F99]  }
0x30: {  	s3 =	sld [smem:$0x3F9C]  }
0x31: {  	[smem:$0x3FA5] =	sst s10  }
0x32: {  	s10 =	sld [smem:$0x3FA3];
	_ =	sdelay $0x3  }
0x33: {  	p0 =	seq.s32 s10, $0x1;
	s10 =	sld [smem:$0x3FA5];
	_ =	sdelay $0x3  }
0x34: {  	[smem:$0x3FA5] =	sst s10  }
0x35: {  	s10 =	sld [smem:$0x3FA4];
	_ =	sdelay $0x3  }
0x36: {  	p1 =	seq.s32 s10, $0x1;
	s10 =	sld [smem:$0x3FA5];
	_ =	sdelay $0x3  }
0x37: {  	[smem:$0x3FA5] =	sst s10  }
0x38: {  	s10 =	sld [smem:$0x3FA6]  }
0x39: {  	_ = 	snop;
	(pc) =	sbr.ind lr, $3  }
0x3a: {  	_ = 	snop  }
0x3b: {  	_ = 	snop  }
0x3c: {  	p2 =	seq.s32 s10, $0x1;
	s10 =	sld [smem:$0x3FA5]  }
0x3d: {  	_ =	shalt  }
0x3e: {  	_ =	shalt  }
0x3f: {  	_ =	shalt  }
0x40: {  	_ =	shalt  }
0x41: {  	_ =	shalt  }
0x42: {  	_ =	shalt  }
0x43: {  	_ =	shalt  }
0x44: {  	_ =	shalt  }
0x45: {  	_ =	shalt  }
0x46: {  	_ =	shalt  }
0x47: {  	_ =	shalt  }
0x48: {  	_ =	shalt  }
0x49: {  	_ =	shalt  }
0x4a: {  	_ =	shalt  }
0x4b: {  	_ =	shalt  }
0x4c: {  	_ =	shalt  }
0x4d: {  	_ =	shalt  }
0x4e: {  	_ =	shalt  }
0x4f: {  	_ =	shalt  }
0x50: {  	_ =	shalt  }
0x51: {  	_ =	shalt  }
0x52: {  	_ =	shalt  }
0x53: {  	_ =	shalt  }
0x54: {  	_ =	shalt  }
0x55: {  	_ =	shalt  }
0x56: {  	_ =	shalt  }
0x57: {  	_ =	shalt  }
0x58: {  	_ =	shalt  }
0x59: {  	_ =	shalt  }
0x5a: {  	_ =	shalt  }
0x5b: {  	_ =	shalt  }
0x5c: {  	_ =	shalt  }
0x5d: {  	_ =	shalt  }
0x5e: {  	_ =	shalt  }
0x5f: {  	_ =	shalt  }
0x60: {  	_ =	shalt  }
0x61: {  	_ =	shalt  }
0x62: {  	_ =	shalt  }
0x63: {  	_ =	shalt  }
0x64: {  	_ =	shalt  }
0x65: {  	_ =	shalt  }
0x66: {  	_ =	shalt  }
0x67: {  	_ =	shalt  }
0x68: {  	_ =	shalt  }
0x69: {  	_ =	shalt  }
0x6a: {  	_ =	shalt  }
0x6b: {  	_ =	shalt  }
0x6c: {  	_ =	shalt  }
0x6d: {  	_ =	shalt  }
0x6e: {  	_ =	shalt  }
0x6f: {  	_ =	shalt  }
0x70: {  	_ =	shalt  }
0x71: {  	_ =	shalt  }
0x72: {  	_ =	shalt  }
0x73: {  	_ =	shalt  }
0x74: {  	_ =	shalt  }
0x75: {  	_ =	shalt  }
0x76: {  	_ =	shalt  }
0x77: {  	_ =	shalt  }
0x78: {  	_ =	shalt  }
0x79: {  	_ =	shalt  }
0x7a: {  	_ =	shalt  }
0x7b: {  	_ =	shalt  }
0x7c: {  	_ =	shalt  }
0x7d: {  	_ =	shalt  }
0x7e: {  	_ =	shalt  }
0x7f: {  	_ =	shalt  }
0x80: {  	_ =	shalt  }
0x81: {  	_ =	shalt  }
0x82: {  	_ =	shalt  }
0x83: {  	_ =	shalt  }
0x84: {  	_ =	shalt  }
0x85: {  	_ =	shalt  }
0x86: {  	_ =	shalt  }
0x87: {  	_ =	shalt  }
.Lfunc_end0:
.L_simem_size_0:
called_computation_lowered:
.L_overlay_start_0:
0x88: {  	s2 =	sld [smem:$0x3FD9]  }
0x89: {  	s3 =	sld [smem:$0x3FFE];
	_ =	sdelay $0x1  }
0x8a: {  	s1 =	srdreg.scid  }
0x8b: {  	s0 =	sand.u32 $0x1, s1  }
0x8c: {  	s16 =	sshll.u32 s0, $0xA;
	s2 =	sadd.s32 s3, s2  }
0x8d: {  	s2 =	sadd.s32 s2, s16  }
0x8e: {  	[smem:$0x3FB1] =	sst s2  }
0x8f: {  	_ = 	snop  }
0x90: {  	(tm) =	ssettm $0x1  }
0x91: {  	s17 =	sld [smem:$0x3FFB];
	_ =	sdelay $0x3  }
0x92: {  	_ =	strace s17  }
0x93: {  	s2 =	sld [smem:$0x3FFC];
	_ =	sdelay $0x3  }
0x94: {  	_ =	strace s2  }
0x95: {  	s2 =	sld [smem:$0x3FFD];
	_ =	sdelay $0x3  }
0x96: {  	_ =	strace s2  }
0x97: {  	_ =	strace $0x8FFFFFFF  }
0x98: {  	s18 =	sld [smem:$0x3FDB];
	_ =	sdelay $0x1  }
0x99: {  	s19 =	simm.s32 $_scs_section_size  }
0x9a: {  	s4 =	simm.s32 $_size__tile_overlayer_lowered;
	s5 =	simm.s32 $_tile_overlayer_lowered  }
0x9b: {  	s22 =	simm.s32 $0x1BFF;
	s21 =	sshll.u32 s5, $0x1;
	s2 =	sadd.s32 s19, s18  }
0x9c: {  	s6 =	simm.s32 $0x0;
	s20 =	sshll.u32 s4, $0x1;
	s4 =	sadd.s32 s21, s2  }
0x9d: {  	[timem:s6], [sflag:s22] =	dma.local [hbm:s4], s20  }
0x9e: {  	_ =	swait.ge [sflag:s22], s20  }
0x9f: {  	s3 =	ssub.s32 $0x0, s20;
	[sflag:s22] =	ssyncset.done $0x0  }
0xa0: {  	[sflag:s22] =	ssyncadd.s32 s3;
	_ =	sdelay $0x1  }
0xa1: {  	s23 =	simm.s32 $0x1B8B  }
0xa2: {  	_ =	swait.ge [sflag:s23], $0x1  }
0xa3: {  	[sflag:s23] =	ssyncset.done $0x0  }
0xa4: {  	s25 =	simm.s32 $0x1B8E;
	s24 =	sld [smem:$0x3FFE];
	[sflag:s23] =	ssyncadd.s32 $0xFFFFFFFF  }
0xa5: {  	s26 =	simm.s32 $execute0_lowered;
	[smem:$0x3FD2] =	sst s25  }
0xa6: {  	s4 =	sshll.u32 s26, $0x1;
	_ =	strace $0x80000046;
	[dreg:$0x1] =	wrdreg $0xFFFFFFFF  }
0xa7: {  	s28 =	simm.s32 $_size_execute0_lowered;
	s2 =	sadd.s32 s2, s4;
	[dreg:$0x0] =	wrdreg $0x0  }
0xa8: {  	s4 =	sshll.u32 s28, $0x1;
	[dreg:$0x2] =	wrdreg s2  }
0xa9: {  	[dreg:$0x3] =	wrdreg s4  }
0xaa: {  	[dreg:$0x4] =	wrdreg $0xC0  }
0xab: {  	_ =	task [dreg:s6], $0x5FFFF  }
0xac: {  	[dreg:$0x1] =	wrdreg $0xFFFFFFFF  }
0xad: {  	[dreg:$0x0] =	wrdreg $0x60  }
0xae: {  	[dreg:$0x2] =	wrdreg s24  }
0xaf: {  	[dreg:$0x3] =	wrdreg $0x68000  }
0xb0: {  	[dreg:$0x4] =	wrdreg $0x9  }
0xb1: {  	_ =	task.clear_ibuf [dreg:s6], $0x5FFFF;
	_ =	strace $0x90000046  }
0xb2: {  	s29 =	simm.s32 $0x9;
	_ =	strace $0x80000048  }
0xb3: {  	_ =	swait.ge [sflag:s29], $0x1  }
0xb4: {  	[sflag:s29] =	ssyncadd.s32 $0xFFFFFFFF  }
0xb5: {  	_ =	strace $0x90000048  }
0xb6: {  	_ =	sfence  }
0xb7: {  	s30 =	sld [smem:$0x0];
	_ =	sdelay $0x2  }
0xb8: {  	s31 =	sshll.u32 s1, $0xD;
	s1 =	sshrl.u32 s1, $0x2  }
0xb9: {  	s3 =	sand.u32 $0x4000, s31;
	s1 =	sadd.s32 s1, s30  }
0xba: {  	s0 =	sor.u32 s3, s0;
	s1 =	sshll.u32 s1, $0x11  }
0xbb: {  	s0 =	sor.u32 s1, s0  }
0xbc: {  	s0 =	sadd.s32 $0x8F2B, s0  }
0xbd: {  	[sflag:s0] =	ssyncadd.remote.s32 $0x1  }
0xbe: {  	_ =	sfence.sel $0xFFFF  }
0xbf: {  	[dreg:$0x0] =	wrdreg $0xFFFFFFFF;
	(pc) =	sbr.abs _section_cstart, $3  }
0xc0: {  	[dreg:$0x1] =	wrdreg $0xFFFFFFFF  }
0xc1: {  	_ =	task.clear_ibuf [dreg:s6], $0x2FFFF;
	_ =	strace $0x9FFFFFFF  }
0xc2: {  	(tm) =	ssettm $0x7FFFFFFF  }
0xc3: {  	_ =	shalt  }
tec
execute0_lowered:
.L_overlay_start_1:
0x0: {  	(tag) =	ssettag $0x1  }
0x1: {  	s0 =	srdreg.scid;
	s7 =	rddreg [dreg:$0x0]  }
0x2: {  	s2 =	rddreg [dreg:$0x1];
	s6 =	sand.u32 $0x1, s0;
	s0 =	stileid.u32  }
0x3: {  	s3 =	simm.s32 $0x0;
	s13 =	simm.s32 $0x80;
	s8 =	smul.u32 $0x2780, s0  }
0x4: {  	s14 =	simm.s32 $0x0;
	[smem:$0x7FF] =	sst s3;
	s9 =	smul.u32 $0x27800, s6  }
0x5: {  	s5 =	sadd.s32 $0xF600, s7;
	s1 =	sshll.u32 s6, $0x4;
	s11 =	smul.u32 $0x4F000, s0  }
0x6: {  	s6 =	ssub.s32 $0x2, s6;
	s31 =	sshll.u32 s0, $0x6;
	s4 =	sor.u32 s0, s1  }
0x7: {  	s1 =	rddreg [dreg:$0x2];
	_ =	strace $0x80000047;
	s28 =	sshrl.u32 s6, $0x1  }
0x8: {  	s4 =	smul.u32 $0x500, s4;
	s8 =	sadd.s32 s8, s9;
	s29 =	sshrl.u32 s11, $0x2  }
0x9: {  	s30 =	ssub.s32 s6, s28;
	s6 =	sor.u32 $0x1C01, s31;
	s11 =	simm.s32 $0x1  }
0xa: {  	s8 =	sadd.s32 s8, s7;
	s12 =	sadd.s32 s29, s2;
	s9 =	smax.u32 s30, $0x1  }
0xb: {  	s10 =	sadd.s32 s4, s7;
	s4 =	sadd.s32 $0x11E00, s7;
	s8 =	sadd.s32 $0x12600, s8  }
0xc: {  	s7 =	sadd.s32 $0x5600, s10;
	s10 =	sshrl.u32 s12, $0x3;
	s12 =	simm.s32 $0x2800  }
.LBB2_1:
0xd: {  	[spmem:s10], [sflag:s6] =	dma.local [hbm:s5], $0x2780  }
0xe: {  	_ =	swait.ge [sflag:s11], $0x2780  }
0xf: {  	[sflag:s11] =	ssyncset.done $0x0  }
0x10: {  	[sflag:s11] =	ssyncadd.s32 $0xFFFFD880  }
0x11: {  	[tilespmem:s12], [sflag:$0x1] =	stream.linear.gather [hbm4b:s4+s3], $0x4000, $0x38;
	[tilespmem:$0x1A400] =	vst v63  }
0x12: {  	_ =	swait.ge [sflag:s11], $0x4000  }
0x13: {  	[sflag:s11] =	ssyncset.done $0x0  }
0x14: {  	[sflag:s11] =	ssyncadd.s32 $0xFFFFC000  }
0x15: {  	[tilespmem:s3], [sflag:$0x1] =	stream.linear.gather [hbm4b:s7+s3], $0x2800, $0x38;
	[tilespmem:$0x1A400] =	vst v63  }
0x16: {  	_ =	swait.ge [sflag:s11], $0x2800  }
0x17: {  	[sflag:s11] =	ssyncset.done $0x0  }
0x18: {  	[sflag:s11] =	ssyncadd.s32 $0xFFFFD800  }
0x19: {  	s15 =	simm.s32 $0x0;
	[bflag:$0x0] =	sbarrier.arrive $0xFFFF  }
0x1a: {  	[spmem:s2] =	stream.indirect.scatter.add.f32 [tilespmem:s12], [sflag:$0x1], $0x80, s15, s13, $0xb8;
	[tilespmem:$0x1A400] =	vst v63  }
0x1b: {  	_ =	swait.ge [sflag:s11], $0x4000  }
0x1c: {  	s15 =	simm.s32 $0x200;
	[sflag:s11] =	ssyncset.done $0x0  }
.LBB2_2:
0x1d: {  	s16 =	sshra.s32 s15, $0x2;
	[sflag:s11] =	ssyncadd.s32 $0xFFFFC000;
	p0 =	sne.s32 s15, $0x9E00  }
0x1e: {  	[spmem:s2] =	stream.indirect.scatter.add.f32 [tilespmem:s12], [sflag:$0x1], $0x80, s16, s13, $0xb8;
	[tilespmem:$0x1A400] =	vst v63  }
.Ltmp0:
0x1f: {  	_ = 	snop;
	(pc) =	sbr.rel @p0 .LBB2_2-.Ltmp0, $4  }
0x20: {  	_ = 	snop  }
0x21: {  	s15 =	sadd.s32 $0x200, s15  }
0x22: {  	_ =	swait.ge [sflag:s11], $0x4000  }
0x23: {  	[sflag:s11] =	ssyncset.done $0x0  }
0x24: {  	s14 =	sadd.s32 $0x1, s14  }
0x25: {  	[sflag:s11] =	ssyncadd.s32 $0xFFFFC000;
	p0 =	sne.s32 s14, s9  }
.Ltmp1:
0x26: {  	[bflag:$0x0] =	sbarrier.arrive $0xFFFF;
	(pc) =	sbr.rel @p0 .LBB2_1-.Ltmp1, $4  }
0x27: {  	[hbm:s8], [sflag:s6] =	dma.local [spmem:s10], $0x2780  }
0x28: {  	_ =	swait.ge [sflag:s11], $0x2780  }
0x29: {  	[sflag:s11] =	ssyncset.done $0x0  }
0x2a: {  	[sflag:s11] =	ssyncadd.s32 $0xFFFFD880  }
0x2b: {  	_ =	sfence.sel $0x180000  }
0x2c: {  	[bflag:$0x0] =	sbarrier.arrive $0xFFFF  }
0x2d: {  	p0 =	sne.s32 s0, $0x0;
	_ =	strace $0x90000047  }
0x2e: {  	s0 =	sadd.s32 @!p0 $0x100000, s1;
	[bflag:$0x2] =	sbarrier.arrive $0xFFFF  }
0x2f: {  	[sflag:s0] =	ssyncadd.tile.s32 @!p0 $0x1;
	_ =	shalt  }
.Lfunc_end2:
_tile_overlayer_lowered:
.L_overlay_start_2:
0x30: {  	(tag) =	ssettag $0x2  }
0x31: {  	s0 =	rddreg [dreg:$0x0];
	s2 =	stileid.u32  }
0x32: {  	s1 =	rddreg [dreg:$0x1];
	p0 =	sne.s32 s2, $0x0  }
0x33: {  	s3 =	rddreg [dreg:$0x2];
	[bflag:$0x3] =	sbarrier.arrive $0xFFFF;
	s2 =	simm.s32 @!p0 $0x1C01  }
0x34: {  	[timem:s3], [sflag:s2] =	dma.local @!p0 [hbm:s0], s1  }
0x35: {  	s0 =	simm.s32 @!p0 $0x1  }
0x36: {  	_ =	swait.ge @!p0 [sflag:s0], s1  }
0x37: {  	s1 =	ssub.s32 @!p0 $0x0, s1;
	[sflag:s0] =	ssyncset.done @!p0 $0x0  }
0x38: {  	[sflag:s0] =	ssyncadd.s32 @!p0 s1  }
0x39: {  	[bflag:$0x3] =	sbarrier.arrive $0xFFFF  }
0x3a: {  	_ =	shalt  }

// kernel: kernel.13.cloned.1.call-start
scs
__scs_entry_jumppad:
0x0: {  	(pc) =	sbr.rel $0x88, $3  }
0x1: {  	(tag) =	ssettag $0x0;
	lr =	simm.s32 $0x1  }
0x2: {  	[smem:$0x3F8A] =	sst lr;
	_ =	strace $0xD0000000  }
0x3: {  	_ = 	snop  }
0x4: {  	_ = 	snop  }
0x5: {  	_ = 	snop  }
0x6: {  	_ = 	snop  }
0x7: {  	_ = 	snop  }
__scs_overlays_trampoline_lowered:
0x8: {  	[smem:$0x3F99] =	sst s0  }
0x9: {  	[smem:$0x3F9A] =	sst s1  }
0xa: {  	[smem:$0x3F9B] =	sst s2  }
0xb: {  	[smem:$0x3F9C] =	sst s3  }
0xc: {  	[smem:$0x3F9D] =	sst s4  }
0xd: {  	[smem:$0x3F9E] =	sst s5  }
0xe: {  	[smem:$0x3F9F] =	sst s6  }
0xf: {  	[smem:$0x3FA0] =	sst s7  }
0x10: {  	[smem:$0x3FA1] =	sst s8  }
0x11: {  	[smem:$0x3FA2] =	sst s9;
	s0 =	simm.s32 @!p0 $0x0  }
0x12: {  	s1 =	sld [smem:$0x3F88];
	s0 =	simm.s32 @p0 $0x1  }
0x13: {  	[smem:$0x3FA3] =	sst s0;
	s0 =	simm.s32 @!p1 $0x0  }
0x14: {  	s2 =	sld [smem:$0x3F87];
	s0 =	simm.s32 @p1 $0x1  }
0x15: {  	[smem:$0x3FA4] =	sst s0;
	s0 =	simm.s32 @!p2 $0x0  }
0x16: {  	s3 =	sld [smem:$0x3FDB];
	s0 =	simm.s32 @p2 $0x1  }
0x17: {  	s4 =	simm.s32 $0x1BF5;
	[smem:$0x3FA6] =	sst s0  }
0x18: {  	s0 =	sld [smem:$0x3F89];
	_ =	swait.ge [sflag:s4], $0x0  }
0x19: {  	s7 =	sld [smem:$0x3F8A]  }
0x1a: {  	s8 =	sadd.s32 $0xFFFFE003, lr  }
0x1b: {  	s9 =	sadd.s32 $0xFFFFFEF7, lr;
	s5 =	simm.s32 $0xFFFFFFFF;
	p2 =	slt.u32 s8, $0xFFFFF086  }
0x1c: {  	p1 =	slt.u32 s9, $0xF7A;
	s5 =	simm.s32 @!p2 $0x0  }
0x1d: {  	s5 =	simm.s32 @p1 $0x1;
	p0 =	seq.s32 s7, s2  }
0x1e: {  	s7 =	smul.u32 @!p0 $0xF7A, s2;
	p2 =	seq.s32 @!p0 s5, $0x0  }
0x1f: {  	s9 =	smul.u32 $0xF7A, s1;
	s8 =	simm.s32 @!p0 $0x1BF5;
	p2 =	por !p2, p0  }
0x20: {  	[sflag:s8] =	ssyncset.s32 @!p0 $0xFFFFF086;
	s6 =	sadd.s32 @!p0 s3, s7;
	s7 =	simm.s32 @!p0 $0x108  }
0x21: {  	s3 =	sadd.s32 s3, s9;
	s6 =	sadd.s32 @!p0 $0x88, s6;
	s7 =	simm.s32 @p2 $0x1082  }
0x22: {  	[simem:s7], [sflag:s8] =	dma.local @!p0 [hbm:s6], $0xF7A  }
0x23: {  	s9 =	sor.u32 $0xD0000000, s2;
	s6 =	simm.s32 $0x108;
	_ =	swait.ge @!p0 [sflag:s8], $0x0  }
0x24: {  	s3 =	sadd.s32 $0x88, s3;
	s6 =	simm.s32 @!p1 $0x1082;
	[sflag:s4] =	ssyncset.s32 $0xFFFFF086  }
0x25: {  	[simem:s6], [sflag:s4] =	dma.local [hbm:s3], $0xF7A  }
0x26: {  	[smem:$0x3F8A] =	sst s1;
	(tag) =	ssettag s2;
	_ =	strace s9  }
0x27: {  	s1 =	sld [smem:$0x3F9A]  }
0x28: {  	s2 =	sld [smem:$0x3F9B]  }
0x29: {  	s4 =	sld [smem:$0x3F9D]  }
0x2a: {  	p0 =	seq.s32 s5, $0x0;
	s5 =	sld [smem:$0x3F9E]  }
0x2b: {  	s6 =	sld [smem:$0x3F9F]  }
0x2c: {  	s7 =	sld [smem:$0x3FA0]  }
0x2d: {  	s3 =	simm.s32 $0x108;
	s8 =	sld [smem:$0x3FA1]  }
0x2e: {  	s3 =	simm.s32 @!p0 $0x1082;
	s9 =	sld [smem:$0x3FA2]  }
0x2f: {  	lr =	sadd.s32 s0, s3;
	s0 =	sld [smem:$0x3F99]  }
0x30: {  	s3 =	sld [smem:$0x3F9C]  }
0x31: {  	[smem:$0x3FA5] =	sst s10  }
0x32: {  	s10 =	sld [smem:$0x3FA3];
	_ =	sdelay $0x3  }
0x33: {  	p0 =	seq.s32 s10, $0x1;
	s10 =	sld [smem:$0x3FA5];
	_ =	sdelay $0x3  }
0x34: {  	[smem:$0x3FA5] =	sst s10  }
0x35: {  	s10 =	sld [smem:$0x3FA4];
	_ =	sdelay $0x3  }
0x36: {  	p1 =	seq.s32 s10, $0x1;
	s10 =	sld [smem:$0x3FA5];
	_ =	sdelay $0x3  }
0x37: {  	[smem:$0x3FA5] =	sst s10  }
0x38: {  	s10 =	sld [smem:$0x3FA6]  }
0x39: {  	_ = 	snop;
	(pc) =	sbr.ind lr, $3  }
0x3a: {  	_ = 	snop  }
0x3b: {  	_ = 	snop  }
0x3c: {  	p2 =	seq.s32 s10, $0x1;
	s10 =	sld [smem:$0x3FA5]  }
0x3d: {  	_ =	shalt  }
0x3e: {  	_ =	shalt  }
0x3f: {  	_ =	shalt  }
0x40: {  	_ =	shalt  }
0x41: {  	_ =	shalt  }
0x42: {  	_ =	shalt  }
0x43: {  	_ =	shalt  }
0x44: {  	_ =	shalt  }
0x45: {  	_ =	shalt  }
0x46: {  	_ =	shalt  }
0x47: {  	_ =	shalt  }
0x48: {  	_ =	shalt  }
0x49: {  	_ =	shalt  }
0x4a: {  	_ =	shalt  }
0x4b: {  	_ =	shalt  }
0x4c: {  	_ =	shalt  }
0x4d: {  	_ =	shalt  }
0x4e: {  	_ =	shalt  }
0x4f: {  	_ =	shalt  }
0x50: {  	_ =	shalt  }
0x51: {  	_ =	shalt  }
0x52: {  	_ =	shalt  }
0x53: {  	_ =	shalt  }
0x54: {  	_ =	shalt  }
0x55: {  	_ =	shalt  }
0x56: {  	_ =	shalt  }
0x57: {  	_ =	shalt  }
0x58: {  	_ =	shalt  }
0x59: {  	_ =	shalt  }
0x5a: {  	_ =	shalt  }
0x5b: {  	_ =	shalt  }
0x5c: {  	_ =	shalt  }
0x5d: {  	_ =	shalt  }
0x5e: {  	_ =	shalt  }
0x5f: {  	_ =	shalt  }
0x60: {  	_ =	shalt  }
0x61: {  	_ =	shalt  }
0x62: {  	_ =	shalt  }
0x63: {  	_ =	shalt  }
0x64: {  	_ =	shalt  }
0x65: {  	_ =	shalt  }
0x66: {  	_ =	shalt  }
0x67: {  	_ =	shalt  }
0x68: {  	_ =	shalt  }
0x69: {  	_ =	shalt  }
0x6a: {  	_ =	shalt  }
0x6b: {  	_ =	shalt  }
0x6c: {  	_ =	shalt  }
0x6d: {  	_ =	shalt  }
0x6e: {  	_ =	shalt  }
0x6f: {  	_ =	shalt  }
0x70: {  	_ =	shalt  }
0x71: {  	_ =	shalt  }
0x72: {  	_ =	shalt  }
0x73: {  	_ =	shalt  }
0x74: {  	_ =	shalt  }
0x75: {  	_ =	shalt  }
0x76: {  	_ =	shalt  }
0x77: {  	_ =	shalt  }
0x78: {  	_ =	shalt  }
0x79: {  	_ =	shalt  }
0x7a: {  	_ =	shalt  }
0x7b: {  	_ =	shalt  }
0x7c: {  	_ =	shalt  }
0x7d: {  	_ =	shalt  }
0x7e: {  	_ =	shalt  }
0x7f: {  	_ =	shalt  }
0x80: {  	_ =	shalt  }
0x81: {  	_ =	shalt  }
0x82: {  	_ =	shalt  }
0x83: {  	_ =	shalt  }
0x84: {  	_ =	shalt  }
0x85: {  	_ =	shalt  }
0x86: {  	_ =	shalt  }
0x87: {  	_ =	shalt  }
.Lfunc_end0:
.L_simem_size_0:
called_computation.1_lowered:
.L_overlay_start_0:
0x88: {  	s2 =	sld [smem:$0x3FD9]  }
0x89: {  	s3 =	sld [smem:$0x3FFE];
	_ =	sdelay $0x1  }
0x8a: {  	s1 =	srdreg.scid  }
0x8b: {  	s0 =	sand.u32 $0x1, s1  }
0x8c: {  	s16 =	sshll.u32 s0, $0xA;
	s2 =	sadd.s32 s3, s2  }
0x8d: {  	s2 =	sadd.s32 s2, s16  }
0x8e: {  	[smem:$0x3FB1] =	sst s2  }
0x8f: {  	_ = 	snop  }
0x90: {  	(tm) =	ssettm $0x1  }
0x91: {  	s17 =	sld [smem:$0x3FFB];
	_ =	sdelay $0x3  }
0x92: {  	_ =	strace s17  }
0x93: {  	s2 =	sld [smem:$0x3FFC];
	_ =	sdelay $0x3  }
0x94: {  	_ =	strace s2  }
0x95: {  	s2 =	sld [smem:$0x3FFD];
	_ =	sdelay $0x3  }
0x96: {  	_ =	strace s2  }
0x97: {  	_ =	strace $0x8FFFFFFF  }
0x98: {  	s18 =	sld [smem:$0x3FDB];
	_ =	sdelay $0x1  }
0x99: {  	s19 =	simm.s32 $_scs_section_size  }
0x9a: {  	s4 =	simm.s32 $_size__tile_overlayer_lowered;
	s5 =	simm.s32 $_tile_overlayer_lowered  }
0x9b: {  	s22 =	simm.s32 $0x1BFF;
	s21 =	sshll.u32 s5, $0x1;
	s2 =	sadd.s32 s19, s18  }
0x9c: {  	s6 =	simm.s32 $0x0;
	s20 =	sshll.u32 s4, $0x1;
	s4 =	sadd.s32 s21, s2  }
0x9d: {  	[timem:s6], [sflag:s22] =	dma.local [hbm:s4], s20  }
0x9e: {  	_ =	swait.ge [sflag:s22], s20  }
0x9f: {  	s3 =	ssub.s32 $0x0, s20;
	[sflag:s22] =	ssyncset.done $0x0  }
0xa0: {  	[sflag:s22] =	ssyncadd.s32 s3;
	_ =	sdelay $0x1  }
0xa1: {  	s23 =	simm.s32 $0x1B8B  }
0xa2: {  	_ =	swait.ge [sflag:s23], $0x1  }
0xa3: {  	[sflag:s23] =	ssyncset.done $0x0  }
0xa4: {  	s25 =	simm.s32 $0x1B8E;
	s24 =	sld [smem:$0x3FFE];
	[sflag:s23] =	ssyncadd.s32 $0xFFFFFFFF  }
0xa5: {  	s26 =	simm.s32 $execute0_lowered;
	[smem:$0x3FD2] =	sst s25  }
0xa6: {  	s4 =	sshll.u32 s26, $0x1;
	_ =	strace $0x80000049;
	[dreg:$0x1] =	wrdreg $0xFFFFFFFF  }
0xa7: {  	s28 =	simm.s32 $_size_execute0_lowered;
	s2 =	sadd.s32 s2, s4;
	[dreg:$0x0] =	wrdreg $0x0  }
0xa8: {  	s4 =	sshll.u32 s28, $0x1;
	[dreg:$0x2] =	wrdreg s2  }
0xa9: {  	[dreg:$0x3] =	wrdreg s4  }
0xaa: {  	[dreg:$0x4] =	wrdreg $0xC0  }
0xab: {  	_ =	task [dreg:s6], $0x5FFFF  }
0xac: {  	[dreg:$0x1] =	wrdreg $0xFFFFFFFF  }
0xad: {  	[dreg:$0x0] =	wrdreg $0x60  }
0xae: {  	[dreg:$0x2] =	wrdreg s24  }
0xaf: {  	[dreg:$0x3] =	wrdreg $0xA8000  }
0xb0: {  	[dreg:$0x4] =	wrdreg $0x9  }
0xb1: {  	_ =	task.clear_ibuf [dreg:s6], $0x5FFFF;
	_ =	strace $0x90000049  }
0xb2: {  	s29 =	simm.s32 $0x9;
	_ =	strace $0x8000004B  }
0xb3: {  	_ =	swait.ge [sflag:s29], $0x1  }
0xb4: {  	[sflag:s29] =	ssyncadd.s32 $0xFFFFFFFF  }
0xb5: {  	_ =	strace $0x9000004B  }
0xb6: {  	_ =	sfence  }
0xb7: {  	s30 =	sld [smem:$0x0];
	_ =	sdelay $0x2  }
0xb8: {  	s31 =	sshll.u32 s1, $0xD;
	s1 =	sshrl.u32 s1, $0x2  }
0xb9: {  	s3 =	sand.u32 $0x4000, s31;
	s1 =	sadd.s32 s1, s30  }
0xba: {  	s0 =	sor.u32 s3, s0;
	s1 =	sshll.u32 s1, $0x11  }
0xbb: {  	s0 =	sor.u32 s1, s0  }
0xbc: {  	s0 =	sadd.s32 $0x8F2B, s0  }
0xbd: {  	[sflag:s0] =	ssyncadd.remote.s32 $0x1  }
0xbe: {  	_ =	sfence.sel $0xFFFF  }
0xbf: {  	[dreg:$0x0] =	wrdreg $0xFFFFFFFF;
	(pc) =	sbr.abs _section_cstart, $3  }
0xc0: {  	[dreg:$0x1] =	wrdreg $0xFFFFFFFF  }
0xc1: {  	_ =	task.clear_ibuf [dreg:s6], $0x2FFFF;
	_ =	strace $0x9FFFFFFF  }
0xc2: {  	(tm) =	ssettm $0x7FFFFFFF  }
0xc3: {  	_ =	shalt  }
tec
execute0_lowered:
.L_overlay_start_1:
0x0: {  	(tag) =	ssettag $0x1  }
0x1: {  	s6 =	rddreg [dreg:$0x0]  }
0x2: {  	s1 =	rddreg [dreg:$0x1]  }
0x3: {  	s0 =	rddreg [dreg:$0x2]  }
0x4: {  	s2 =	simm.s32 $0x0;
	s5 =	srdreg.scid;
	s3 =	stileid.u32  }
0x5: {  	s15 =	simm.s32 $0x1400;
	s16 =	simm.s32 $0x80;
	s17 =	simm.s32 $0x2800  }
0x6: {  	s18 =	simm.s32 $0x6800;
	s19 =	simm.s32 $0x1;
	s20 =	simm.s32 $0x2  }
0x7: {  	s21 =	simm.s32 $0x1380;
	s22 =	simm.s32 $0x2700;
	[smem:$0x7FF] =	sst s2  }
0x8: {  	s4 =	sadd.s32 $0x11E00, s6;
	s9 =	sadd.s32 $0x61600, s6;
	s7 =	smul.u32 $0x2780, s3  }
0x9: {  	s5 =	sand.u32 $0x1, s5;
	s10 =	sadd.s32 $0x5600, s6;
	s24 =	smul.u32 $0x4F000, s3  }
0xa: {  	s28 =	sshll.u32 s3, $0x6;
	_ =	strace $0x8000004A;
	s8 =	smul.u32 $0x27800, s5  }
0xb: {  	s11 =	sshll.u32 s5, $0x4;
	s12 =	ssub.s32 $0x2, s5;
	s5 =	sadd.s32 $0xF600, s6  }
0xc: {  	s23 =	sor.u32 s3, s11;
	s25 =	sshrl.u32 s12, $0x1;
	s26 =	sshrl.u32 s24, $0x2  }
0xd: {  	s24 =	simm.s32 $0x0;
	s7 =	sadd.s32 s7, s8;
	s13 =	smul.u32 $0x2800, s23  }
0xe: {  	s12 =	ssub.s32 s12, s25;
	s30 =	sadd.s32 s26, s1;
	s23 =	simm.s32 $0x2780  }
0xf: {  	s14 =	sadd.s32 s7, s6;
	s6 =	sor.u32 $0x1C03, s28;
	s12 =	smax.u32 s12, $0x1  }
0x10: {  	s29 =	sshrl.u32 s13, $0x3;
	s11 =	sadd.s32 $0x6B600, s14;
	s13 =	sshrl.u32 s30, $0x3  }
0x11: {  	s14 =	simm.s32 $0x3;
	s31 =	sadd.s32 $0x280, s29;
	s7 =	sadd.s32 s9, s29  }
0x12: {  	s8 =	sadd.s32 s10, s29;
	s9 =	sadd.s32 s9, s31;
	s10 =	sadd.s32 s10, s31  }
.LBB2_1:
0x13: {  	[spmem:s13], [sflag:s6] =	dma.local [hbm:s5], $0x2780  }
0x14: {  	_ =	swait.ge [sflag:s14], $0x2780  }
0x15: {  	[sflag:s14] =	ssyncset.done $0x0  }
0x16: {  	[sflag:s14] =	ssyncadd.s32 $0xFFFFD880  }
0x17: {  	[bflag:$0x0] =	sbarrier.arrive $0xFFFF  }
0x18: {  	[tilespmem:s2], [sflag:$0x3] =	stream.linear.gather [hbm4b:s7+s2], $0x1400, $0x38;
	[tilespmem:$0x1E400] =	vst v63  }
0x19: {  	_ =	swait.ge [sflag:s14], $0x1400  }
0x1a: {  	[sflag:s14] =	ssyncset.done $0x0  }
0x1b: {  	[sflag:s14] =	ssyncadd.s32 $0xFFFFEC00  }
0x1c: {  	[tilespmem:s15], [sflag:$0x3] =	stream.linear.gather [hbm4b:s8+s2], $0x1400, $0x38;
	[tilespmem:$0x1E400] =	vst v63  }
0x1d: {  	_ =	swait.ge [sflag:s14], $0x1400  }
0x1e: {  	[sflag:s14] =	ssyncset.done $0x0  }
0x1f: {  	[sflag:s14] =	ssyncadd.s32 $0xFFFFEC00  }
0x20: {  	[tilespmem:s17], [sflag:$0x1] =	stream.indirect.gather [hbm4b:s4+s16], $0x80, s2, s16, $0xb8;
	[tilespmem:$0x1E400] =	vst v63  }
0x21: {  	s25 =	simm.s32 $0x80  }
0x22: {  	[tilespmem:s18], [sflag:$0x2] =	stream.indirect.gather [hbm4b:s4+s16], $0x80, s25, s16, $0xb8;
	[tilespmem:$0x1E400] =	vst v63  }
0x23: {  	_ =	swait.ge [sflag:s19], $0x4000  }
0x24: {  	[sflag:s19] =	ssyncset.done $0x0  }
0x25: {  	s29 =	simm.s32 $0x1400;
	[sflag:s19] =	ssyncadd.s32 $0xFFFFC000  }
0x26: {  	[spmem:s1] =	stream.indirect.scatter.add.f32 [tilespmem:s17], [sflag:$0x3], $0x80, s29, s16, $0xb8;
	[tilespmem:$0x1E400] =	vst v63  }
0x27: {  	_ =	swait.ge [sflag:s14], $0x4000  }
0x28: {  	[sflag:s14] =	ssyncset.done $0x0  }
0x29: {  	s30 =	simm.s32 $0x100;
	[sflag:s14] =	ssyncadd.s32 $0xFFFFC000  }
0x2a: {  	[tilespmem:s17], [sflag:$0x1] =	stream.indirect.gather [hbm4b:s4+s16], $0x80, s30, s16, $0xb8;
	[tilespmem:$0x1E400] =	vst v63  }
0x2b: {  	_ =	swait.ge [sflag:s20], $0x4000  }
0x2c: {  	[sflag:s20] =	ssyncset.done $0x0  }
0x2d: {  	s31 =	simm.s32 $0x1480;
	[sflag:s20] =	ssyncadd.s32 $0xFFFFC000  }
0x2e: {  	[spmem:s1] =	stream.indirect.scatter.add.f32 [tilespmem:s18], [sflag:$0x3], $0x80, s31, s16, $0xb8;
	[tilespmem:$0x1E400] =	vst v63  }
0x2f: {  	_ =	swait.ge [sflag:s14], $0x4000  }
0x30: {  	s26 =	simm.s32 $0x800;
	s25 =	simm.s32 $0x100;
	[sflag:s14] =	ssyncset.done $0x0  }
.LBB2_2:
0x31: {  	s28 =	sadd.s32 $0x80, s25  }
0x32: {  	[sflag:s14] =	ssyncadd.s32 $0xFFFFC000;
	s29 =	smov.u32 s26;
	s30 =	sadd.s32 $0x400, s26  }
0x33: {  	[tilespmem:s18], [sflag:$0x2] =	stream.indirect.gather [hbm4b:s4+s16], $0x80, s28, s16, $0xb8;
	[tilespmem:$0x1E400] =	vst v63  }
0x34: {  	p0 =	sne.s32 s26, $0x4800;
	_ =	swait.ge [sflag:s19], $0x4000  }
0x35: {  	[sflag:s19] =	ssyncset.done $0x0  }
0x36: {  	s26 =	sadd.s32 $0x1400, s25;
	[sflag:s19] =	ssyncadd.s32 $0xFFFFC000  }
0x37: {  	[spmem:s1] =	stream.indirect.scatter.add.f32 [tilespmem:s17], [sflag:$0x3], $0x80, s26, s16, $0xb8;
	[tilespmem:$0x1E400] =	vst v63  }
0x38: {  	_ =	swait.ge [sflag:s14], $0x4000  }
0x39: {  	[sflag:s14] =	ssyncset.done $0x0  }
0x3a: {  	s26 =	sadd.s32 $0x100, s25;
	[sflag:s14] =	ssyncadd.s32 $0xFFFFC000  }
0x3b: {  	[tilespmem:s17], [sflag:$0x1] =	stream.indirect.gather [hbm4b:s4+s16], $0x80, s26, s16, $0xb8;
	[tilespmem:$0x1E400] =	vst v63  }
0x3c: {  	_ =	swait.ge [sflag:s20], $0x4000  }
.Ltmp0:
0x3d: {  	[sflag:s20] =	ssyncset.done $0x0;
	(pc) =	sbr.rel @p0 .LBB2_2-.Ltmp0, $4  }
0x3e: {  	s25 =	sadd.s32 $0x1480, s25;
	[sflag:s20] =	ssyncadd.s32 $0xFFFFC000  }
0x3f: {  	[spmem:s1] =	stream.indirect.scatter.add.f32 [tilespmem:s18], [sflag:$0x3], $0x80, s25, s16, $0xb8;
	[tilespmem:$0x1E400] =	vst v63  }
0x40: {  	_ =	swait.ge [sflag:s14], $0x4000  }
0x41: {  	s26 =	smov.u32 s30;
	s25 =	sshra.s32 s29, $0x2;
	[sflag:s14] =	ssyncset.done $0x0  }
0x42: {  	s26 =	sadd.s32 $0x80, s25;
	[sflag:s14] =	ssyncadd.s32 $0xFFFFC000  }
0x43: {  	[tilespmem:s18], [sflag:$0x2] =	stream.indirect.gather [hbm4b:s4+s16], $0x80, s26, s16, $0xb8;
	[tilespmem:$0x1E400] =	vst v63  }
0x44: {  	_ =	swait.ge [sflag:s19], $0x4000  }
0x45: {  	[sflag:s19] =	ssyncset.done $0x0  }
0x46: {  	s29 =	sadd.s32 $0x1400, s25;
	[sflag:s19] =	ssyncadd.s32 $0xFFFFC000  }
0x47: {  	[spmem:s1] =	stream.indirect.scatter.add.f32 [tilespmem:s17], [sflag:$0x3], $0x80, s29, s16, $0xb8;
	[tilespmem:$0x1E400] =	vst v63  }
0x48: {  	_ =	swait.ge [sflag:s14], $0x4000  }
0x49: {  	[sflag:s14] =	ssyncset.done $0x0  }
0x4a: {  	s30 =	sadd.s32 $0x100, s25;
	[sflag:s14] =	ssyncadd.s32 $0xFFFFC000  }
0x4b: {  	[tilespmem:s17], [sflag:$0x1] =	stream.indirect.gather [hbm4b:s4+s16], $0x80, s30, s16, $0xb8;
	[tilespmem:$0x1E400] =	vst v63  }
0x4c: {  	_ =	swait.ge [sflag:s20], $0x4000  }
0x4d: {  	[sflag:s20] =	ssyncset.done $0x0  }
0x4e: {  	s31 =	sadd.s32 $0x1480, s25;
	[sflag:s20] =	ssyncadd.s32 $0xFFFFC000  }
0x4f: {  	[spmem:s1] =	stream.indirect.scatter.add.f32 [tilespmem:s18], [sflag:$0x3], $0x80, s31, s16, $0xb8;
	[tilespmem:$0x1E400] =	vst v63  }
0x50: {  	_ =	swait.ge [sflag:s14], $0x4000  }
0x51: {  	[sflag:s14] =	ssyncset.done $0x0  }
0x52: {  	[sflag:s14] =	ssyncadd.s32 $0xFFFFC000  }
0x53: {  	[tilespmem:s18], [sflag:$0x2] =	stream.indirect.gather [hbm4b:s4+s16], $0x80, s21, s16, $0xb8;
	[tilespmem:$0x1E400] =	vst v63  }
0x54: {  	_ =	swait.ge [sflag:s19], $0x4000  }
0x55: {  	[sflag:s19] =	ssyncset.done $0x0  }
0x56: {  	[sflag:s19] =	ssyncadd.s32 $0xFFFFC000  }
0x57: {  	[spmem:s1] =	stream.indirect.scatter.add.f32 [tilespmem:s17], [sflag:$0x3], $0x80, s22, s16, $0xb8;
	[tilespmem:$0x1E400] =	vst v63  }
0x58: {  	_ =	swait.ge [sflag:s14], $0x4000  }
0x59: {  	[sflag:s14] =	ssyncset.done $0x0  }
0x5a: {  	[sflag:s14] =	ssyncadd.s32 $0xFFFFC000  }
0x5b: {  	_ =	swait.ge [sflag:s20], $0x4000  }
0x5c: {  	[sflag:s20] =	ssyncset.done $0x0  }
0x5d: {  	[sflag:s20] =	ssyncadd.s32 $0xFFFFC000  }
0x5e: {  	[spmem:s1] =	stream.indirect.scatter.add.f32 [tilespmem:s18], [sflag:$0x3], $0x80, s23, s16, $0xb8;
	[tilespmem:$0x1E400] =	vst v63  }
0x5f: {  	_ =	swait.ge [sflag:s14], $0x4000  }
0x60: {  	[sflag:s14] =	ssyncset.done $0x0  }
0x61: {  	s26 =	simm.s32 $0x0;
	[sflag:s14] =	ssyncadd.s32 $0xFFFFC000  }
0x62: {  	[tilespmem:s26], [sflag:$0x3] =	stream.linear.gather [hbm4b:s9+s26], $0x1400, $0x38;
	[tilespmem:$0x1E400] =	vst v63  }
0x63: {  	_ =	swait.ge [sflag:s14], $0x1400  }
0x64: {  	[sflag:s14] =	ssyncset.done $0x0  }
0x65: {  	[sflag:s14] =	ssyncadd.s32 $0xFFFFEC00  }
0x66: {  	[tilespmem:s15], [sflag:$0x3] =	stream.linear.gather [hbm4b:s10+s26], $0x1400, $0x38;
	[tilespmem:$0x1E400] =	vst v63  }
0x67: {  	_ =	swait.ge [sflag:s14], $0x1400  }
0x68: {  	[sflag:s14] =	ssyncset.done $0x0  }
0x69: {  	[sflag:s14] =	ssyncadd.s32 $0xFFFFEC00  }
0x6a: {  	[tilespmem:s17], [sflag:$0x1] =	stream.indirect.gather [hbm4b:s4+s16], $0x80, s26, s16, $0xb8;
	[tilespmem:$0x1E400] =	vst v63  }
0x6b: {  	s28 =	simm.s32 $0x80  }
0x6c: {  	[tilespmem:s18], [sflag:$0x2] =	stream.indirect.gather [hbm4b:s4+s16], $0x80, s28, s16, $0xb8;
	[tilespmem:$0x1E400] =	vst v63  }
0x6d: {  	_ =	swait.ge [sflag:s19], $0x4000  }
0x6e: {  	[sflag:s19] =	ssyncset.done $0x0  }
0x6f: {  	s29 =	simm.s32 $0x1400;
	[sflag:s19] =	ssyncadd.s32 $0xFFFFC000  }
0x70: {  	[spmem:s1] =	stream.indirect.scatter.add.f32 [tilespmem:s17], [sflag:$0x3], $0x80, s29, s16, $0xb8;
	[tilespmem:$0x1E400] =	vst v63  }
0x71: {  	_ =	swait.ge [sflag:s14], $0x4000  }
0x72: {  	[sflag:s14] =	ssyncset.done $0x0  }
0x73: {  	s30 =	simm.s32 $0x100;
	[sflag:s14] =	ssyncadd.s32 $0xFFFFC000  }
0x74: {  	[tilespmem:s17], [sflag:$0x1] =	stream.indirect.gather [hbm4b:s4+s16], $0x80, s30, s16, $0xb8;
	[tilespmem:$0x1E400] =	vst v63  }
0x75: {  	_ =	swait.ge [sflag:s20], $0x4000  }
0x76: {  	[sflag:s20] =	ssyncset.done $0x0  }
0x77: {  	s31 =	simm.s32 $0x1480;
	[sflag:s20] =	ssyncadd.s32 $0xFFFFC000  }
0x78: {  	[spmem:s1] =	stream.indirect.scatter.add.f32 [tilespmem:s18], [sflag:$0x3], $0x80, s31, s16, $0xb8;
	[tilespmem:$0x1E400] =	vst v63  }
0x79: {  	_ =	swait.ge [sflag:s14], $0x4000  }
0x7a: {  	s25 =	simm.s32 $0x100;
	s26 =	simm.s32 $0x800;
	[sflag:s14] =	ssyncset.done $0x0  }
.LBB2_4:
0x7b: {  	s28 =	sadd.s32 $0x80, s25  }
0x7c: {  	[sflag:s14] =	ssyncadd.s32 $0xFFFFC000;
	s29 =	smov.u32 s26;
	s30 =	sadd.s32 $0x400, s26  }
0x7d: {  	[tilespmem:s18], [sflag:$0x2] =	stream.indirect.gather [hbm4b:s4+s16], $0x80, s28, s16, $0xb8;
	[tilespmem:$0x1E400] =	vst v63  }
0x7e: {  	p0 =	sne.s32 s26, $0x4800;
	_ =	swait.ge [sflag:s19], $0x4000  }
0x7f: {  	[sflag:s19] =	ssyncset.done $0x0  }
0x80: {  	s26 =	sadd.s32 $0x1400, s25;
	[sflag:s19] =	ssyncadd.s32 $0xFFFFC000  }
0x81: {  	[spmem:s1] =	stream.indirect.scatter.add.f32 [tilespmem:s17], [sflag:$0x3], $0x80, s26, s16, $0xb8;
	[tilespmem:$0x1E400] =	vst v63  }
0x82: {  	_ =	swait.ge [sflag:s14], $0x4000  }
0x83: {  	[sflag:s14] =	ssyncset.done $0x0  }
0x84: {  	s26 =	sadd.s32 $0x100, s25;
	[sflag:s14] =	ssyncadd.s32 $0xFFFFC000  }
0x85: {  	[tilespmem:s17], [sflag:$0x1] =	stream.indirect.gather [hbm4b:s4+s16], $0x80, s26, s16, $0xb8;
	[tilespmem:$0x1E400] =	vst v63  }
0x86: {  	_ =	swait.ge [sflag:s20], $0x4000  }
.Ltmp1:
0x87: {  	[sflag:s20] =	ssyncset.done $0x0;
	(pc) =	sbr.rel @p0 .LBB2_4-.Ltmp1, $4  }
0x88: {  	s25 =	sadd.s32 $0x1480, s25;
	[sflag:s20] =	ssyncadd.s32 $0xFFFFC000  }
0x89: {  	[spmem:s1] =	stream.indirect.scatter.add.f32 [tilespmem:s18], [sflag:$0x3], $0x80, s25, s16, $0xb8;
	[tilespmem:$0x1E400] =	vst v63  }
0x8a: {  	_ =	swait.ge [sflag:s14], $0x4000  }
0x8b: {  	s26 =	smov.u32 s30;
	s25 =	sshra.s32 s29, $0x2;
	[sflag:s14] =	ssyncset.done $0x0  }
0x8c: {  	s26 =	sadd.s32 $0x80, s25;
	[sflag:s14] =	ssyncadd.s32 $0xFFFFC000  }
0x8d: {  	[tilespmem:s18], [sflag:$0x2] =	stream.indirect.gather [hbm4b:s4+s16], $0x80, s26, s16, $0xb8;
	[tilespmem:$0x1E400] =	vst v63  }
0x8e: {  	_ =	swait.ge [sflag:s19], $0x4000  }
0x8f: {  	[sflag:s19] =	ssyncset.done $0x0  }
0x90: {  	s29 =	sadd.s32 $0x1400, s25;
	[sflag:s19] =	ssyncadd.s32 $0xFFFFC000  }
0x91: {  	[spmem:s1] =	stream.indirect.scatter.add.f32 [tilespmem:s17], [sflag:$0x3], $0x80, s29, s16, $0xb8;
	[tilespmem:$0x1E400] =	vst v63  }
0x92: {  	_ =	swait.ge [sflag:s14], $0x4000  }
0x93: {  	[sflag:s14] =	ssyncset.done $0x0  }
0x94: {  	s30 =	sadd.s32 $0x100, s25;
	[sflag:s14] =	ssyncadd.s32 $0xFFFFC000  }
0x95: {  	[tilespmem:s17], [sflag:$0x1] =	stream.indirect.gather [hbm4b:s4+s16], $0x80, s30, s16, $0xb8;
	[tilespmem:$0x1E400] =	vst v63  }
0x96: {  	_ =	swait.ge [sflag:s20], $0x4000  }
0x97: {  	[sflag:s20] =	ssyncset.done $0x0  }
0x98: {  	s31 =	sadd.s32 $0x1480, s25;
	[sflag:s20] =	ssyncadd.s32 $0xFFFFC000  }
0x99: {  	[spmem:s1] =	stream.indirect.scatter.add.f32 [tilespmem:s18], [sflag:$0x3], $0x80, s31, s16, $0xb8;
	[tilespmem:$0x1E400] =	vst v63  }
0x9a: {  	_ =	swait.ge [sflag:s14], $0x4000  }
0x9b: {  	[sflag:s14] =	ssyncset.done $0x0  }
0x9c: {  	[sflag:s14] =	ssyncadd.s32 $0xFFFFC000  }
0x9d: {  	[tilespmem:s18], [sflag:$0x2] =	stream.indirect.gather [hbm4b:s4+s16], $0x80, s21, s16, $0xb8;
	[tilespmem:$0x1E400] =	vst v63  }
0x9e: {  	_ =	swait.ge [sflag:s19], $0x4000  }
0x9f: {  	[sflag:s19] =	ssyncset.done $0x0  }
0xa0: {  	[sflag:s19] =	ssyncadd.s32 $0xFFFFC000  }
0xa1: {  	[spmem:s1] =	stream.indirect.scatter.add.f32 [tilespmem:s17], [sflag:$0x3], $0x80, s22, s16, $0xb8;
	[tilespmem:$0x1E400] =	vst v63  }
0xa2: {  	_ =	swait.ge [sflag:s14], $0x4000  }
0xa3: {  	[sflag:s14] =	ssyncset.done $0x0  }
0xa4: {  	[sflag:s14] =	ssyncadd.s32 $0xFFFFC000  }
0xa5: {  	_ =	swait.ge [sflag:s20], $0x4000  }
0xa6: {  	[sflag:s20] =	ssyncset.done $0x0  }
0xa7: {  	[sflag:s20] =	ssyncadd.s32 $0xFFFFC000  }
0xa8: {  	[spmem:s1] =	stream.indirect.scatter.add.f32 [tilespmem:s18], [sflag:$0x3], $0x80, s23, s16, $0xb8;
	[tilespmem:$0x1E400] =	vst v63  }
0xa9: {  	_ =	swait.ge [sflag:s14], $0x4000  }
0xaa: {  	s24 =	sadd.s32 $0x1, s24;
	[sflag:s14] =	ssyncset.done $0x0  }
0xab: {  	p0 =	sne.s32 s24, s12;
	[sflag:s14] =	ssyncadd.s32 $0xFFFFC000  }
.Ltmp2:
0xac: {  	[bflag:$0x0] =	sbarrier.arrive $0xFFFF;
	(pc) =	sbr.rel @p0 .LBB2_1-.Ltmp2, $4  }
0xad: {  	[hbm:s11], [sflag:s6] =	dma.local [spmem:s13], $0x2780  }
0xae: {  	_ =	swait.ge [sflag:s14], $0x2780  }
0xaf: {  	[sflag:s14] =	ssyncset.done $0x0  }
0xb0: {  	[sflag:s14] =	ssyncadd.s32 $0xFFFFD880  }
0xb1: {  	_ =	sfence.sel $0x180000  }
0xb2: {  	[bflag:$0x0] =	sbarrier.arrive $0xFFFF  }
0xb3: {  	p0 =	sne.s32 s3, $0x0;
	_ =	strace $0x9000004A  }
0xb4: {  	s0 =	sadd.s32 @!p0 $0x100000, s0;
	[bflag:$0x2] =	sbarrier.arrive $0xFFFF  }
0xb5: {  	[sflag:s0] =	ssyncadd.tile.s32 @!p0 $0x1;
	_ =	shalt  }
.Lfunc_end2:
_tile_overlayer_lowered:
.L_overlay_start_2:
0xb6: {  	(tag) =	ssettag $0x2  }
0xb7: {  	s0 =	rddreg [dreg:$0x0];
	s2 =	stileid.u32  }
0xb8: {  	s1 =	rddreg [dreg:$0x1];
	p0 =	sne.s32 s2, $0x0  }
0xb9: {  	s3 =	rddreg [dreg:$0x2];
	[bflag:$0x3] =	sbarrier.arrive $0xFFFF;
	s2 =	simm.s32 @!p0 $0x1C03  }
0xba: {  	[timem:s3], [sflag:s2] =	dma.local @!p0 [hbm:s0], s1  }
0xbb: {  	s0 =	simm.s32 @!p0 $0x3  }
0xbc: {  	_ =	swait.ge @!p0 [sflag:s0], s1  }
0xbd: {  	s1 =	ssub.s32 @!p0 $0x0, s1;
	[sflag:s0] =	ssyncset.done @!p0 $0x0  }
0xbe: {  	[sflag:s0] =	ssyncadd.s32 @!p0 s1  }
0xbf: {  	[bflag:$0x3] =	sbarrier.arrive $0xFFFF  }
0xc0: {  	_ =	shalt  }

// kernel: kernel.16.cloned.1.call-start
scs
__scs_entry_jumppad:
0x0: {  	(pc) =	sbr.rel $0x88, $3  }
0x1: {  	(tag) =	ssettag $0x0;
	lr =	simm.s32 $0x1  }
0x2: {  	[smem:$0x3F8A] =	sst lr;
	_ =	strace $0xD0000000  }
0x3: {  	_ = 	snop  }
0x4: {  	_ = 	snop  }
0x5: {  	_ = 	snop  }
0x6: {  	_ = 	snop  }
0x7: {  	_ = 	snop  }
__scs_overlays_trampoline_lowered:
0x8: {  	[smem:$0x3F99] =	sst s0  }
0x9: {  	[smem:$0x3F9A] =	sst s1  }
0xa: {  	[smem:$0x3F9B] =	sst s2  }
0xb: {  	[smem:$0x3F9C] =	sst s3  }
0xc: {  	[smem:$0x3F9D] =	sst s4  }
0xd: {  	[smem:$0x3F9E] =	sst s5  }
0xe: {  	[smem:$0x3F9F] =	sst s6  }
0xf: {  	[smem:$0x3FA0] =	sst s7  }
0x10: {  	[smem:$0x3FA1] =	sst s8  }
0x11: {  	[smem:$0x3FA2] =	sst s9;
	s0 =	simm.s32 @!p0 $0x0  }
0x12: {  	s1 =	sld [smem:$0x3F88];
	s0 =	simm.s32 @p0 $0x1  }
0x13: {  	[smem:$0x3FA3] =	sst s0;
	s0 =	simm.s32 @!p1 $0x0  }
0x14: {  	s2 =	sld [smem:$0x3F87];
	s0 =	simm.s32 @p1 $0x1  }
0x15: {  	[smem:$0x3FA4] =	sst s0;
	s0 =	simm.s32 @!p2 $0x0  }
0x16: {  	s3 =	sld [smem:$0x3FDB];
	s0 =	simm.s32 @p2 $0x1  }
0x17: {  	s4 =	simm.s32 $0x1BF5;
	[smem:$0x3FA6] =	sst s0  }
0x18: {  	s0 =	sld [smem:$0x3F89];
	_ =	swait.ge [sflag:s4], $0x0  }
0x19: {  	s7 =	sld [smem:$0x3F8A]  }
0x1a: {  	s8 =	sadd.s32 $0xFFFFE003, lr  }
0x1b: {  	s9 =	sadd.s32 $0xFFFFFEF7, lr;
	s5 =	simm.s32 $0xFFFFFFFF;
	p2 =	slt.u32 s8, $0xFFFFF086  }
0x1c: {  	p1 =	slt.u32 s9, $0xF7A;
	s5 =	simm.s32 @!p2 $0x0  }
0x1d: {  	s5 =	simm.s32 @p1 $0x1;
	p0 =	seq.s32 s7, s2  }
0x1e: {  	s7 =	smul.u32 @!p0 $0xF7A, s2;
	p2 =	seq.s32 @!p0 s5, $0x0  }
0x1f: {  	s9 =	smul.u32 $0xF7A, s1;
	s8 =	simm.s32 @!p0 $0x1BF5;
	p2 =	por !p2, p0  }
0x20: {  	[sflag:s8] =	ssyncset.s32 @!p0 $0xFFFFF086;
	s6 =	sadd.s32 @!p0 s3, s7;
	s7 =	simm.s32 @!p0 $0x108  }
0x21: {  	s3 =	sadd.s32 s3, s9;
	s6 =	sadd.s32 @!p0 $0x88, s6;
	s7 =	simm.s32 @p2 $0x1082  }
0x22: {  	[simem:s7], [sflag:s8] =	dma.local @!p0 [hbm:s6], $0xF7A  }
0x23: {  	s9 =	sor.u32 $0xD0000000, s2;
	s6 =	simm.s32 $0x108;
	_ =	swait.ge @!p0 [sflag:s8], $0x0  }
0x24: {  	s3 =	sadd.s32 $0x88, s3;
	s6 =	simm.s32 @!p1 $0x1082;
	[sflag:s4] =	ssyncset.s32 $0xFFFFF086  }
0x25: {  	[simem:s6], [sflag:s4] =	dma.local [hbm:s3], $0xF7A  }
0x26: {  	[smem:$0x3F8A] =	sst s1;
	(tag) =	ssettag s2;
	_ =	strace s9  }
0x27: {  	s1 =	sld [smem:$0x3F9A]  }
0x28: {  	s2 =	sld [smem:$0x3F9B]  }
0x29: {  	s4 =	sld [smem:$0x3F9D]  }
0x2a: {  	p0 =	seq.s32 s5, $0x0;
	s5 =	sld [smem:$0x3F9E]  }
0x2b: {  	s6 =	sld [smem:$0x3F9F]  }
0x2c: {  	s7 =	sld [smem:$0x3FA0]  }
0x2d: {  	s3 =	simm.s32 $0x108;
	s8 =	sld [smem:$0x3FA1]  }
0x2e: {  	s3 =	simm.s32 @!p0 $0x1082;
	s9 =	sld [smem:$0x3FA2]  }
0x2f: {  	lr =	sadd.s32 s0, s3;
	s0 =	sld [smem:$0x3F99]  }
0x30: {  	s3 =	sld [smem:$0x3F9C]  }
0x31: {  	[smem:$0x3FA5] =	sst s10  }
0x32: {  	s10 =	sld [smem:$0x3FA3];
	_ =	sdelay $0x3  }
0x33: {  	p0 =	seq.s32 s10, $0x1;
	s10 =	sld [smem:$0x3FA5];
	_ =	sdelay $0x3  }
0x34: {  	[smem:$0x3FA5] =	sst s10  }
0x35: {  	s10 =	sld [smem:$0x3FA4];
	_ =	sdelay $0x3  }
0x36: {  	p1 =	seq.s32 s10, $0x1;
	s10 =	sld [smem:$0x3FA5];
	_ =	sdelay $0x3  }
0x37: {  	[smem:$0x3FA5] =	sst s10  }
0x38: {  	s10 =	sld [smem:$0x3FA6]  }
0x39: {  	_ = 	snop;
	(pc) =	sbr.ind lr, $3  }
0x3a: {  	_ = 	snop  }
0x3b: {  	_ = 	snop  }
0x3c: {  	p2 =	seq.s32 s10, $0x1;
	s10 =	sld [smem:$0x3FA5]  }
0x3d: {  	_ =	shalt  }
0x3e: {  	_ =	shalt  }
0x3f: {  	_ =	shalt  }
0x40: {  	_ =	shalt  }
0x41: {  	_ =	shalt  }
0x42: {  	_ =	shalt  }
0x43: {  	_ =	shalt  }
0x44: {  	_ =	shalt  }
0x45: {  	_ =	shalt  }
0x46: {  	_ =	shalt  }
0x47: {  	_ =	shalt  }
0x48: {  	_ =	shalt  }
0x49: {  	_ =	shalt  }
0x4a: {  	_ =	shalt  }
0x4b: {  	_ =	shalt  }
0x4c: {  	_ =	shalt  }
0x4d: {  	_ =	shalt  }
0x4e: {  	_ =	shalt  }
0x4f: {  	_ =	shalt  }
0x50: {  	_ =	shalt  }
0x51: {  	_ =	shalt  }
0x52: {  	_ =	shalt  }
0x53: {  	_ =	shalt  }
0x54: {  	_ =	shalt  }
0x55: {  	_ =	shalt  }
0x56: {  	_ =	shalt  }
0x57: {  	_ =	shalt  }
0x58: {  	_ =	shalt  }
0x59: {  	_ =	shalt  }
0x5a: {  	_ =	shalt  }
0x5b: {  	_ =	shalt  }
0x5c: {  	_ =	shalt  }
0x5d: {  	_ =	shalt  }
0x5e: {  	_ =	shalt  }
0x5f: {  	_ =	shalt  }
0x60: {  	_ =	shalt  }
0x61: {  	_ =	shalt  }
0x62: {  	_ =	shalt  }
0x63: {  	_ =	shalt  }
0x64: {  	_ =	shalt  }
0x65: {  	_ =	shalt  }
0x66: {  	_ =	shalt  }
0x67: {  	_ =	shalt  }
0x68: {  	_ =	shalt  }
0x69: {  	_ =	shalt  }
0x6a: {  	_ =	shalt  }
0x6b: {  	_ =	shalt  }
0x6c: {  	_ =	shalt  }
0x6d: {  	_ =	shalt  }
0x6e: {  	_ =	shalt  }
0x6f: {  	_ =	shalt  }
0x70: {  	_ =	shalt  }
0x71: {  	_ =	shalt  }
0x72: {  	_ =	shalt  }
0x73: {  	_ =	shalt  }
0x74: {  	_ =	shalt  }
0x75: {  	_ =	shalt  }
0x76: {  	_ =	shalt  }
0x77: {  	_ =	shalt  }
0x78: {  	_ =	shalt  }
0x79: {  	_ =	shalt  }
0x7a: {  	_ =	shalt  }
0x7b: {  	_ =	shalt  }
0x7c: {  	_ =	shalt  }
0x7d: {  	_ =	shalt  }
0x7e: {  	_ =	shalt  }
0x7f: {  	_ =	shalt  }
0x80: {  	_ =	shalt  }
0x81: {  	_ =	shalt  }
0x82: {  	_ =	shalt  }
0x83: {  	_ =	shalt  }
0x84: {  	_ =	shalt  }
0x85: {  	_ =	shalt  }
0x86: {  	_ =	shalt  }
0x87: {  	_ =	shalt  }
.Lfunc_end0:
.L_simem_size_0:
called_computation.2_lowered:
.L_overlay_start_0:
0x88: {  	s2 =	sld [smem:$0x3FD9]  }
0x89: {  	s3 =	sld [smem:$0x3FFE];
	_ =	sdelay $0x1  }
0x8a: {  	s1 =	srdreg.scid  }
0x8b: {  	s0 =	sand.u32 $0x1, s1  }
0x8c: {  	s16 =	sshll.u32 s0, $0xA;
	s2 =	sadd.s32 s3, s2  }
0x8d: {  	s2 =	sadd.s32 s2, s16  }
0x8e: {  	[smem:$0x3FB1] =	sst s2  }
0x8f: {  	_ = 	snop  }
0x90: {  	(tm) =	ssettm $0x1  }
0x91: {  	s17 =	sld [smem:$0x3FFB];
	_ =	sdelay $0x3  }
0x92: {  	_ =	strace s17  }
0x93: {  	s2 =	sld [smem:$0x3FFC];
	_ =	sdelay $0x3  }
0x94: {  	_ =	strace s2  }
0x95: {  	s2 =	sld [smem:$0x3FFD];
	_ =	sdelay $0x3  }
0x96: {  	_ =	strace s2  }
0x97: {  	_ =	strace $0x8FFFFFFF  }
0x98: {  	s18 =	sld [smem:$0x3FDB];
	_ =	sdelay $0x1  }
0x99: {  	s19 =	simm.s32 $_scs_section_size  }
0x9a: {  	s4 =	simm.s32 $_size__tile_overlayer_lowered;
	s5 =	simm.s32 $_tile_overlayer_lowered  }
0x9b: {  	s22 =	simm.s32 $0x1BFF;
	s21 =	sshll.u32 s5, $0x1;
	s2 =	sadd.s32 s19, s18  }
0x9c: {  	s6 =	simm.s32 $0x0;
	s20 =	sshll.u32 s4, $0x1;
	s4 =	sadd.s32 s21, s2  }
0x9d: {  	[timem:s6], [sflag:s22] =	dma.local [hbm:s4], s20  }
0x9e: {  	_ =	swait.ge [sflag:s22], s20  }
0x9f: {  	s3 =	ssub.s32 $0x0, s20;
	[sflag:s22] =	ssyncset.done $0x0  }
0xa0: {  	[sflag:s22] =	ssyncadd.s32 s3;
	_ =	sdelay $0x1  }
0xa1: {  	s23 =	simm.s32 $0x1B8B  }
0xa2: {  	_ =	swait.ge [sflag:s23], $0x1  }
0xa3: {  	[sflag:s23] =	ssyncset.done $0x0  }
0xa4: {  	s25 =	simm.s32 $0x1B8E;
	s24 =	sld [smem:$0x3FFE];
	[sflag:s23] =	ssyncadd.s32 $0xFFFFFFFF  }
0xa5: {  	s26 =	simm.s32 $execute0_lowered;
	[smem:$0x3FD2] =	sst s25  }
0xa6: {  	s4 =	sshll.u32 s26, $0x1;
	_ =	strace $0x8000004C;
	[dreg:$0x1] =	wrdreg $0xFFFFFFFF  }
0xa7: {  	s28 =	simm.s32 $_size_execute0_lowered;
	s2 =	sadd.s32 s2, s4;
	[dreg:$0x0] =	wrdreg $0x0  }
0xa8: {  	s4 =	sshll.u32 s28, $0x1;
	[dreg:$0x2] =	wrdreg s2  }
0xa9: {  	[dreg:$0x3] =	wrdreg s4  }
0xaa: {  	[dreg:$0x4] =	wrdreg $0xC0  }
0xab: {  	_ =	task [dreg:s6], $0x5FFFF  }
0xac: {  	[dreg:$0x1] =	wrdreg $0xFFFFFFFF  }
0xad: {  	[dreg:$0x0] =	wrdreg $0x60  }
0xae: {  	[dreg:$0x2] =	wrdreg s24  }
0xaf: {  	[dreg:$0x3] =	wrdreg $0xA8000  }
0xb0: {  	[dreg:$0x4] =	wrdreg $0x9  }
0xb1: {  	_ =	task.clear_ibuf [dreg:s6], $0x5FFFF;
	_ =	strace $0x9000004C  }
0xb2: {  	s29 =	simm.s32 $0x9;
	_ =	strace $0x8000004E  }
0xb3: {  	_ =	swait.ge [sflag:s29], $0x1  }
0xb4: {  	[sflag:s29] =	ssyncadd.s32 $0xFFFFFFFF  }
0xb5: {  	_ =	strace $0x9000004E  }
0xb6: {  	_ =	sfence  }
0xb7: {  	s30 =	sld [smem:$0x0];
	_ =	sdelay $0x2  }
0xb8: {  	s31 =	sshll.u32 s1, $0xD;
	s1 =	sshrl.u32 s1, $0x2  }
0xb9: {  	s3 =	sand.u32 $0x4000, s31;
	s1 =	sadd.s32 s1, s30  }
0xba: {  	s0 =	sor.u32 s3, s0;
	s1 =	sshll.u32 s1, $0x11  }
0xbb: {  	s0 =	sor.u32 s1, s0  }
0xbc: {  	s0 =	sadd.s32 $0x8F2B, s0  }
0xbd: {  	[sflag:s0] =	ssyncadd.remote.s32 $0x1  }
0xbe: {  	_ =	sfence.sel $0xFFFF  }
0xbf: {  	[dreg:$0x0] =	wrdreg $0xFFFFFFFF;
	(pc) =	sbr.abs _section_cstart, $3  }
0xc0: {  	[dreg:$0x1] =	wrdreg $0xFFFFFFFF  }
0xc1: {  	_ =	task.clear_ibuf [dreg:s6], $0x2FFFF;
	_ =	strace $0x9FFFFFFF  }
0xc2: {  	(tm) =	ssettm $0x7FFFFFFF  }
0xc3: {  	_ =	shalt  }
tec
execute0_lowered:
.L_overlay_start_1:
0x0: {  	(tag) =	ssettag $0x1  }
0x1: {  	s6 =	rddreg [dreg:$0x0]  }
0x2: {  	s1 =	rddreg [dreg:$0x1]  }
0x3: {  	s0 =	rddreg [dreg:$0x2]  }
0x4: {  	s2 =	simm.s32 $0x0;
	s5 =	srdreg.scid;
	s3 =	stileid.u32  }
0x5: {  	s15 =	simm.s32 $0x1400;
	s16 =	simm.s32 $0x80;
	s17 =	simm.s32 $0x2800  }
0x6: {  	s18 =	simm.s32 $0x6800;
	s19 =	simm.s32 $0x1;
	s20 =	simm.s32 $0x2  }
0x7: {  	s21 =	simm.s32 $0x1380;
	s22 =	simm.s32 $0x2700;
	[smem:$0x7FF] =	sst s2  }
0x8: {  	s4 =	sadd.s32 $0x11E00, s6;
	s9 =	sadd.s32 $0x61600, s6;
	s7 =	smul.u32 $0x2780, s3  }
0x9: {  	s5 =	sand.u32 $0x1, s5;
	s10 =	sadd.s32 $0x5600, s6;
	s24 =	smul.u32 $0x4F000, s3  }
0xa: {  	s28 =	sshll.u32 s3, $0x6;
	_ =	strace $0x8000004D;
	s8 =	smul.u32 $0x27800, s5  }
0xb: {  	s11 =	sshll.u32 s5, $0x4;
	s12 =	ssub.s32 $0x2, s5;
	s5 =	sadd.s32 $0xF600, s6  }
0xc: {  	s23 =	sor.u32 s3, s11;
	s25 =	sshrl.u32 s12, $0x1;
	s26 =	sshrl.u32 s24, $0x2  }
0xd: {  	s24 =	simm.s32 $0x0;
	s7 =	sadd.s32 s7, s8;
	s13 =	smul.u32 $0x2800, s23  }
0xe: {  	s12 =	ssub.s32 s12, s25;
	s30 =	sadd.s32 s26, s1;
	s23 =	simm.s32 $0x2780  }
0xf: {  	s14 =	sadd.s32 s7, s6;
	s6 =	sor.u32 $0x1C03, s28;
	s12 =	smax.u32 s12, $0x1  }
0x10: {  	s29 =	sshrl.u32 s13, $0x3;
	s11 =	sadd.s32 $0x6B600, s14;
	s13 =	sshrl.u32 s30, $0x3  }
0x11: {  	s14 =	simm.s32 $0x3;
	s31 =	sadd.s32 $0x280, s29;
	s7 =	sadd.s32 s9, s29  }
0x12: {  	s8 =	sadd.s32 s10, s29;
	s9 =	sadd.s32 s9, s31;
	s10 =	sadd.s32 s10, s31  }
.LBB2_1:
0x13: {  	[spmem:s13], [sflag:s6] =	dma.local [hbm:s5], $0x2780  }
0x14: {  	_ =	swait.ge [sflag:s14], $0x2780  }
0x15: {  	[sflag:s14] =	ssyncset.done $0x0  }
0x16: {  	[sflag:s14] =	ssyncadd.s32 $0xFFFFD880  }
0x17: {  	[bflag:$0x0] =	sbarrier.arrive $0xFFFF  }
0x18: {  	[tilespmem:s2], [sflag:$0x3] =	stream.linear.gather [hbm4b:s7+s2], $0x1400, $0x38;
	[tilespmem:$0x1E400] =	vst v63  }
0x19: {  	_ =	swait.ge [sflag:s14], $0x1400  }
0x1a: {  	[sflag:s14] =	ssyncset.done $0x0  }
0x1b: {  	[sflag:s14] =	ssyncadd.s32 $0xFFFFEC00  }
0x1c: {  	[tilespmem:s15], [sflag:$0x3] =	stream.linear.gather [hbm4b:s8+s2], $0x1400, $0x38;
	[tilespmem:$0x1E400] =	vst v63  }
0x1d: {  	_ =	swait.ge [sflag:s14], $0x1400  }
0x1e: {  	[sflag:s14] =	ssyncset.done $0x0  }
0x1f: {  	[sflag:s14] =	ssyncadd.s32 $0xFFFFEC00  }
0x20: {  	[tilespmem:s17], [sflag:$0x1] =	stream.indirect.gather [hbm4b:s4+s16], $0x80, s2, s16, $0xb8;
	[tilespmem:$0x1E400] =	vst v63  }
0x21: {  	s25 =	simm.s32 $0x80  }
0x22: {  	[tilespmem:s18], [sflag:$0x2] =	stream.indirect.gather [hbm4b:s4+s16], $0x80, s25, s16, $0xb8;
	[tilespmem:$0x1E400] =	vst v63  }
0x23: {  	_ =	swait.ge [sflag:s19], $0x4000  }
0x24: {  	[sflag:s19] =	ssyncset.done $0x0  }
0x25: {  	s29 =	simm.s32 $0x1400;
	[sflag:s19] =	ssyncadd.s32 $0xFFFFC000  }
0x26: {  	[spmem:s1] =	stream.indirect.scatter.add.f32 [tilespmem:s17], [sflag:$0x3], $0x80, s29, s16, $0xb8;
	[tilespmem:$0x1E400] =	vst v63  }
0x27: {  	_ =	swait.ge [sflag:s14], $0x4000  }
0x28: {  	[sflag:s14] =	ssyncset.done $0x0  }
0x29: {  	s30 =	simm.s32 $0x100;
	[sflag:s14] =	ssyncadd.s32 $0xFFFFC000  }
0x2a: {  	[tilespmem:s17], [sflag:$0x1] =	stream.indirect.gather [hbm4b:s4+s16], $0x80, s30, s16, $0xb8;
	[tilespmem:$0x1E400] =	vst v63  }
0x2b: {  	_ =	swait.ge [sflag:s20], $0x4000  }
0x2c: {  	[sflag:s20] =	ssyncset.done $0x0  }
0x2d: {  	s31 =	simm.s32 $0x1480;
	[sflag:s20] =	ssyncadd.s32 $0xFFFFC000  }
0x2e: {  	[spmem:s1] =	stream.indirect.scatter.add.f32 [tilespmem:s18], [sflag:$0x3], $0x80, s31, s16, $0xb8;
	[tilespmem:$0x1E400] =	vst v63  }
0x2f: {  	_ =	swait.ge [sflag:s14], $0x4000  }
0x30: {  	s26 =	simm.s32 $0x800;
	s25 =	simm.s32 $0x100;
	[sflag:s14] =	ssyncset.done $0x0  }
.LBB2_2:
0x31: {  	s28 =	sadd.s32 $0x80, s25  }
0x32: {  	[sflag:s14] =	ssyncadd.s32 $0xFFFFC000;
	s29 =	smov.u32 s26;
	s30 =	sadd.s32 $0x400, s26  }
0x33: {  	[tilespmem:s18], [sflag:$0x2] =	stream.indirect.gather [hbm4b:s4+s16], $0x80, s28, s16, $0xb8;
	[tilespmem:$0x1E400] =	vst v63  }
0x34: {  	p0 =	sne.s32 s26, $0x4800;
	_ =	swait.ge [sflag:s19], $0x4000  }
0x35: {  	[sflag:s19] =	ssyncset.done $0x0  }
0x36: {  	s26 =	sadd.s32 $0x1400, s25;
	[sflag:s19] =	ssyncadd.s32 $0xFFFFC000  }
0x37: {  	[spmem:s1] =	stream.indirect.scatter.add.f32 [tilespmem:s17], [sflag:$0x3], $0x80, s26, s16, $0xb8;
	[tilespmem:$0x1E400] =	vst v63  }
0x38: {  	_ =	swait.ge [sflag:s14], $0x4000  }
0x39: {  	[sflag:s14] =	ssyncset.done $0x0  }
0x3a: {  	s26 =	sadd.s32 $0x100, s25;
	[sflag:s14] =	ssyncadd.s32 $0xFFFFC000  }
0x3b: {  	[tilespmem:s17], [sflag:$0x1] =	stream.indirect.gather [hbm4b:s4+s16], $0x80, s26, s16, $0xb8;
	[tilespmem:$0x1E400] =	vst v63  }
0x3c: {  	_ =	swait.ge [sflag:s20], $0x4000  }
.Ltmp0:
0x3d: {  	[sflag:s20] =	ssyncset.done $0x0;
	(pc) =	sbr.rel @p0 .LBB2_2-.Ltmp0, $4  }
0x3e: {  	s25 =	sadd.s32 $0x1480, s25;
	[sflag:s20] =	ssyncadd.s32 $0xFFFFC000  }
0x3f: {  	[spmem:s1] =	stream.indirect.scatter.add.f32 [tilespmem:s18], [sflag:$0x3], $0x80, s25, s16, $0xb8;
	[tilespmem:$0x1E400] =	vst v63  }
0x40: {  	_ =	swait.ge [sflag:s14], $0x4000  }
0x41: {  	s26 =	smov.u32 s30;
	s25 =	sshra.s32 s29, $0x2;
	[sflag:s14] =	ssyncset.done $0x0  }
0x42: {  	s26 =	sadd.s32 $0x80, s25;
	[sflag:s14] =	ssyncadd.s32 $0xFFFFC000  }
0x43: {  	[tilespmem:s18], [sflag:$0x2] =	stream.indirect.gather [hbm4b:s4+s16], $0x80, s26, s16, $0xb8;
	[tilespmem:$0x1E400] =	vst v63  }
0x44: {  	_ =	swait.ge [sflag:s19], $0x4000  }
0x45: {  	[sflag:s19] =	ssyncset.done $0x0  }
0x46: {  	s29 =	sadd.s32 $0x1400, s25;
	[sflag:s19] =	ssyncadd.s32 $0xFFFFC000  }
0x47: {  	[spmem:s1] =	stream.indirect.scatter.add.f32 [tilespmem:s17], [sflag:$0x3], $0x80, s29, s16, $0xb8;
	[tilespmem:$0x1E400] =	vst v63  }
0x48: {  	_ =	swait.ge [sflag:s14], $0x4000  }
0x49: {  	[sflag:s14] =	ssyncset.done $0x0  }
0x4a: {  	s30 =	sadd.s32 $0x100, s25;
	[sflag:s14] =	ssyncadd.s32 $0xFFFFC000  }
0x4b: {  	[tilespmem:s17], [sflag:$0x1] =	stream.indirect.gather [hbm4b:s4+s16], $0x80, s30, s16, $0xb8;
	[tilespmem:$0x1E400] =	vst v63  }
0x4c: {  	_ =	swait.ge [sflag:s20], $0x4000  }
0x4d: {  	[sflag:s20] =	ssyncset.done $0x0  }
0x4e: {  	s31 =	sadd.s32 $0x1480, s25;
	[sflag:s20] =	ssyncadd.s32 $0xFFFFC000  }
0x4f: {  	[spmem:s1] =	stream.indirect.scatter.add.f32 [tilespmem:s18], [sflag:$0x3], $0x80, s31, s16, $0xb8;
	[tilespmem:$0x1E400] =	vst v63  }
0x50: {  	_ =	swait.ge [sflag:s14], $0x4000  }
0x51: {  	[sflag:s14] =	ssyncset.done $0x0  }
0x52: {  	[sflag:s14] =	ssyncadd.s32 $0xFFFFC000  }
0x53: {  	[tilespmem:s18], [sflag:$0x2] =	stream.indirect.gather [hbm4b:s4+s16], $0x80, s21, s16, $0xb8;
	[tilespmem:$0x1E400] =	vst v63  }
0x54: {  	_ =	swait.ge [sflag:s19], $0x4000  }
0x55: {  	[sflag:s19] =	ssyncset.done $0x0  }
0x56: {  	[sflag:s19] =	ssyncadd.s32 $0xFFFFC000  }
0x57: {  	[spmem:s1] =	stream.indirect.scatter.add.f32 [tilespmem:s17], [sflag:$0x3], $0x80, s22, s16, $0xb8;
	[tilespmem:$0x1E400] =	vst v63  }
0x58: {  	_ =	swait.ge [sflag:s14], $0x4000  }
0x59: {  	[sflag:s14] =	ssyncset.done $0x0  }
0x5a: {  	[sflag:s14] =	ssyncadd.s32 $0xFFFFC000  }
0x5b: {  	_ =	swait.ge [sflag:s20], $0x4000  }
0x5c: {  	[sflag:s20] =	ssyncset.done $0x0  }
0x5d: {  	[sflag:s20] =	ssyncadd.s32 $0xFFFFC000  }
0x5e: {  	[spmem:s1] =	stream.indirect.scatter.add.f32 [tilespmem:s18], [sflag:$0x3], $0x80, s23, s16, $0xb8;
	[tilespmem:$0x1E400] =	vst v63  }
0x5f: {  	_ =	swait.ge [sflag:s14], $0x4000  }
0x60: {  	[sflag:s14] =	ssyncset.done $0x0  }
0x61: {  	s26 =	simm.s32 $0x0;
	[sflag:s14] =	ssyncadd.s32 $0xFFFFC000  }
0x62: {  	[tilespmem:s26], [sflag:$0x3] =	stream.linear.gather [hbm4b:s9+s26], $0x1400, $0x38;
	[tilespmem:$0x1E400] =	vst v63  }
0x63: {  	_ =	swait.ge [sflag:s14], $0x1400  }
0x64: {  	[sflag:s14] =	ssyncset.done $0x0  }
0x65: {  	[sflag:s14] =	ssyncadd.s32 $0xFFFFEC00  }
0x66: {  	[tilespmem:s15], [sflag:$0x3] =	stream.linear.gather [hbm4b:s10+s26], $0x1400, $0x38;
	[tilespmem:$0x1E400] =	vst v63  }
0x67: {  	_ =	swait.ge [sflag:s14], $0x1400  }
0x68: {  	[sflag:s14] =	ssyncset.done $0x0  }
0x69: {  	[sflag:s14] =	ssyncadd.s32 $0xFFFFEC00  }
0x6a: {  	[tilespmem:s17], [sflag:$0x1] =	stream.indirect.gather [hbm4b:s4+s16], $0x80, s26, s16, $0xb8;
	[tilespmem:$0x1E400] =	vst v63  }
0x6b: {  	s28 =	simm.s32 $0x80  }
0x6c: {  	[tilespmem:s18], [sflag:$0x2] =	stream.indirect.gather [hbm4b:s4+s16], $0x80, s28, s16, $0xb8;
	[tilespmem:$0x1E400] =	vst v63  }
0x6d: {  	_ =	swait.ge [sflag:s19], $0x4000  }
0x6e: {  	[sflag:s19] =	ssyncset.done $0x0  }
0x6f: {  	s29 =	simm.s32 $0x1400;
	[sflag:s19] =	ssyncadd.s32 $0xFFFFC000  }
0x70: {  	[spmem:s1] =	stream.indirect.scatter.add.f32 [tilespmem:s17], [sflag:$0x3], $0x80, s29, s16, $0xb8;
	[tilespmem:$0x1E400] =	vst v63  }
0x71: {  	_ =	swait.ge [sflag:s14], $0x4000  }
0x72: {  	[sflag:s14] =	ssyncset.done $0x0  }
0x73: {  	s30 =	simm.s32 $0x100;
	[sflag:s14] =	ssyncadd.s32 $0xFFFFC000  }
0x74: {  	[tilespmem:s17], [sflag:$0x1] =	stream.indirect.gather [hbm4b:s4+s16], $0x80, s30, s16, $0xb8;
	[tilespmem:$0x1E400] =	vst v63  }
0x75: {  	_ =	swait.ge [sflag:s20], $0x4000  }
0x76: {  	[sflag:s20] =	ssyncset.done $0x0  }
0x77: {  	s31 =	simm.s32 $0x1480;
	[sflag:s20] =	ssyncadd.s32 $0xFFFFC000  }
0x78: {  	[spmem:s1] =	stream.indirect.scatter.add.f32 [tilespmem:s18], [sflag:$0x3], $0x80, s31, s16, $0xb8;
	[tilespmem:$0x1E400] =	vst v63  }
0x79: {  	_ =	swait.ge [sflag:s14], $0x4000  }
0x7a: {  	s25 =	simm.s32 $0x100;
	s26 =	simm.s32 $0x800;
	[sflag:s14] =	ssyncset.done $0x0  }
.LBB2_4:
0x7b: {  	s28 =	sadd.s32 $0x80, s25  }
0x7c: {  	[sflag:s14] =	ssyncadd.s32 $0xFFFFC000;
	s29 =	smov.u32 s26;
	s30 =	sadd.s32 $0x400, s26  }
0x7d: {  	[tilespmem:s18], [sflag:$0x2] =	stream.indirect.gather [hbm4b:s4+s16], $0x80, s28, s16, $0xb8;
	[tilespmem:$0x1E400] =	vst v63  }
0x7e: {  	p0 =	sne.s32 s26, $0x4800;
	_ =	swait.ge [sflag:s19], $0x4000  }
0x7f: {  	[sflag:s19] =	ssyncset.done $0x0  }
0x80: {  	s26 =	sadd.s32 $0x1400, s25;
	[sflag:s19] =	ssyncadd.s32 $0xFFFFC000  }
0x81: {  	[spmem:s1] =	stream.indirect.scatter.add.f32 [tilespmem:s17], [sflag:$0x3], $0x80, s26, s16, $0xb8;
	[tilespmem:$0x1E400] =	vst v63  }
0x82: {  	_ =	swait.ge [sflag:s14], $0x4000  }
0x83: {  	[sflag:s14] =	ssyncset.done $0x0  }
0x84: {  	s26 =	sadd.s32 $0x100, s25;
	[sflag:s14] =	ssyncadd.s32 $0xFFFFC000  }
0x85: {  	[tilespmem:s17], [sflag:$0x1] =	stream.indirect.gather [hbm4b:s4+s16], $0x80, s26, s16, $0xb8;
	[tilespmem:$0x1E400] =	vst v63  }
0x86: {  	_ =	swait.ge [sflag:s20], $0x4000  }
.Ltmp1:
0x87: {  	[sflag:s20] =	ssyncset.done $0x0;
	(pc) =	sbr.rel @p0 .LBB2_4-.Ltmp1, $4  }
0x88: {  	s25 =	sadd.s32 $0x1480, s25;
	[sflag:s20] =	ssyncadd.s32 $0xFFFFC000  }
0x89: {  	[spmem:s1] =	stream.indirect.scatter.add.f32 [tilespmem:s18], [sflag:$0x3], $0x80, s25, s16, $0xb8;
	[tilespmem:$0x1E400] =	vst v63  }
0x8a: {  	_ =	swait.ge [sflag:s14], $0x4000  }
0x8b: {  	s26 =	smov.u32 s30;
	s25 =	sshra.s32 s29, $0x2;
	[sflag:s14] =	ssyncset.done $0x0  }
0x8c: {  	s26 =	sadd.s32 $0x80, s25;
	[sflag:s14] =	ssyncadd.s32 $0xFFFFC000  }
0x8d: {  	[tilespmem:s18], [sflag:$0x2] =	stream.indirect.gather [hbm4b:s4+s16], $0x80, s26, s16, $0xb8;
	[tilespmem:$0x1E400] =	vst v63  }
0x8e: {  	_ =	swait.ge [sflag:s19], $0x4000  }
0x8f: {  	[sflag:s19] =	ssyncset.done $0x0  }
0x90: {  	s29 =	sadd.s32 $0x1400, s25;
	[sflag:s19] =	ssyncadd.s32 $0xFFFFC000  }
0x91: {  	[spmem:s1] =	stream.indirect.scatter.add.f32 [tilespmem:s17], [sflag:$0x3], $0x80, s29, s16, $0xb8;
	[tilespmem:$0x1E400] =	vst v63  }
0x92: {  	_ =	swait.ge [sflag:s14], $0x4000  }
0x93: {  	[sflag:s14] =	ssyncset.done $0x0  }
0x94: {  	s30 =	sadd.s32 $0x100, s25;
	[sflag:s14] =	ssyncadd.s32 $0xFFFFC000  }
0x95: {  	[tilespmem:s17], [sflag:$0x1] =	stream.indirect.gather [hbm4b:s4+s16], $0x80, s30, s16, $0xb8;
	[tilespmem:$0x1E400] =	vst v63  }
0x96: {  	_ =	swait.ge [sflag:s20], $0x4000  }
0x97: {  	[sflag:s20] =	ssyncset.done $0x0  }
0x98: {  	s31 =	sadd.s32 $0x1480, s25;
	[sflag:s20] =	ssyncadd.s32 $0xFFFFC000  }
0x99: {  	[spmem:s1] =	stream.indirect.scatter.add.f32 [tilespmem:s18], [sflag:$0x3], $0x80, s31, s16, $0xb8;
	[tilespmem:$0x1E400] =	vst v63  }
0x9a: {  	_ =	swait.ge [sflag:s14], $0x4000  }
0x9b: {  	[sflag:s14] =	ssyncset.done $0x0  }
0x9c: {  	[sflag:s14] =	ssyncadd.s32 $0xFFFFC000  }
0x9d: {  	[tilespmem:s18], [sflag:$0x2] =	stream.indirect.gather [hbm4b:s4+s16], $0x80, s21, s16, $0xb8;
	[tilespmem:$0x1E400] =	vst v63  }
0x9e: {  	_ =	swait.ge [sflag:s19], $0x4000  }
0x9f: {  	[sflag:s19] =	ssyncset.done $0x0  }
0xa0: {  	[sflag:s19] =	ssyncadd.s32 $0xFFFFC000  }
0xa1: {  	[spmem:s1] =	stream.indirect.scatter.add.f32 [tilespmem:s17], [sflag:$0x3], $0x80, s22, s16, $0xb8;
	[tilespmem:$0x1E400] =	vst v63  }
0xa2: {  	_ =	swait.ge [sflag:s14], $0x4000  }
0xa3: {  	[sflag:s14] =	ssyncset.done $0x0  }
0xa4: {  	[sflag:s14] =	ssyncadd.s32 $0xFFFFC000  }
0xa5: {  	_ =	swait.ge [sflag:s20], $0x4000  }
0xa6: {  	[sflag:s20] =	ssyncset.done $0x0  }
0xa7: {  	[sflag:s20] =	ssyncadd.s32 $0xFFFFC000  }
0xa8: {  	[spmem:s1] =	stream.indirect.scatter.add.f32 [tilespmem:s18], [sflag:$0x3], $0x80, s23, s16, $0xb8;
	[tilespmem:$0x1E400] =	vst v63  }
0xa9: {  	_ =	swait.ge [sflag:s14], $0x4000  }
0xaa: {  	s24 =	sadd.s32 $0x1, s24;
	[sflag:s14] =	ssyncset.done $0x0  }
0xab: {  	p0 =	sne.s32 s24, s12;
	[sflag:s14] =	ssyncadd.s32 $0xFFFFC000  }
.Ltmp2:
0xac: {  	[bflag:$0x0] =	sbarrier.arrive $0xFFFF;
	(pc) =	sbr.rel @p0 .LBB2_1-.Ltmp2, $4  }
0xad: {  	[hbm:s11], [sflag:s6] =	dma.local [spmem:s13], $0x2780  }
0xae: {  	_ =	swait.ge [sflag:s14], $0x2780  }
0xaf: {  	[sflag:s14] =	ssyncset.done $0x0  }
0xb0: {  	[sflag:s14] =	ssyncadd.s32 $0xFFFFD880  }
0xb1: {  	_ =	sfence.sel $0x180000  }
0xb2: {  	[bflag:$0x0] =	sbarrier.arrive $0xFFFF  }
0xb3: {  	p0 =	sne.s32 s3, $0x0;
	_ =	strace $0x9000004D  }
0xb4: {  	s0 =	sadd.s32 @!p0 $0x100000, s0;
	[bflag:$0x2] =	sbarrier.arrive $0xFFFF  }
0xb5: {  	[sflag:s0] =	ssyncadd.tile.s32 @!p0 $0x1;
	_ =	shalt  }
.Lfunc_end2:
_tile_overlayer_lowered:
.L_overlay_start_2:
0xb6: {  	(tag) =	ssettag $0x2  }
0xb7: {  	s0 =	rddreg [dreg:$0x0];
	s2 =	stileid.u32  }
0xb8: {  	s1 =	rddreg [dreg:$0x1];
	p0 =	sne.s32 s2, $0x0  }
0xb9: {  	s3 =	rddreg [dreg:$0x2];
	[bflag:$0x3] =	sbarrier.arrive $0xFFFF;
	s2 =	simm.s32 @!p0 $0x1C03  }
0xba: {  	[timem:s3], [sflag:s2] =	dma.local @!p0 [hbm:s0], s1  }
0xbb: {  	s0 =	simm.s32 @!p0 $0x3  }
0xbc: {  	_ =	swait.ge @!p0 [sflag:s0], s1  }
0xbd: {  	s1 =	ssub.s32 @!p0 $0x0, s1;
	[sflag:s0] =	ssyncset.done @!p0 $0x0  }
0xbe: {  	[sflag:s0] =	ssyncadd.s32 @!p0 s1  }
0xbf: {  	[bflag:$0x3] =	sbarrier.arrive $0xFFFF  }
0xc0: {  	_ =	shalt  }

// kernel: kernel.19.cloned.1.call-start
scs
__scs_entry_jumppad:
0x0: {  	(pc) =	sbr.rel $0x88, $3  }
0x1: {  	(tag) =	ssettag $0x0;
	lr =	simm.s32 $0x1  }
0x2: {  	[smem:$0x3F8A] =	sst lr;
	_ =	strace $0xD0000000  }
0x3: {  	_ = 	snop  }
0x4: {  	_ = 	snop  }
0x5: {  	_ = 	snop  }
0x6: {  	_ = 	snop  }
0x7: {  	_ = 	snop  }
__scs_overlays_trampoline_lowered:
0x8: {  	[smem:$0x3F99] =	sst s0  }
0x9: {  	[smem:$0x3F9A] =	sst s1  }
0xa: {  	[smem:$0x3F9B] =	sst s2  }
0xb: {  	[smem:$0x3F9C] =	sst s3  }
0xc: {  	[smem:$0x3F9D] =	sst s4  }
0xd: {  	[smem:$0x3F9E] =	sst s5  }
0xe: {  	[smem:$0x3F9F] =	sst s6  }
0xf: {  	[smem:$0x3FA0] =	sst s7  }
0x10: {  	[smem:$0x3FA1] =	sst s8  }
0x11: {  	[smem:$0x3FA2] =	sst s9;
	s0 =	simm.s32 @!p0 $0x0  }
0x12: {  	s1 =	sld [smem:$0x3F88];
	s0 =	simm.s32 @p0 $0x1  }
0x13: {  	[smem:$0x3FA3] =	sst s0;
	s0 =	simm.s32 @!p1 $0x0  }
0x14: {  	s2 =	sld [smem:$0x3F87];
	s0 =	simm.s32 @p1 $0x1  }
0x15: {  	[smem:$0x3FA4] =	sst s0;
	s0 =	simm.s32 @!p2 $0x0  }
0x16: {  	s3 =	sld [smem:$0x3FDB];
	s0 =	simm.s32 @p2 $0x1  }
0x17: {  	s4 =	simm.s32 $0x1BF5;
	[smem:$0x3FA6] =	sst s0  }
0x18: {  	s0 =	sld [smem:$0x3F89];
	_ =	swait.ge [sflag:s4], $0x0  }
0x19: {  	s7 =	sld [smem:$0x3F8A]  }
0x1a: {  	s8 =	sadd.s32 $0xFFFFE003, lr  }
0x1b: {  	s9 =	sadd.s32 $0xFFFFFEF7, lr;
	s5 =	simm.s32 $0xFFFFFFFF;
	p2 =	slt.u32 s8, $0xFFFFF086  }
0x1c: {  	p1 =	slt.u32 s9, $0xF7A;
	s5 =	simm.s32 @!p2 $0x0  }
0x1d: {  	s5 =	simm.s32 @p1 $0x1;
	p0 =	seq.s32 s7, s2  }
0x1e: {  	s7 =	smul.u32 @!p0 $0xF7A, s2;
	p2 =	seq.s32 @!p0 s5, $0x0  }
0x1f: {  	s9 =	smul.u32 $0xF7A, s1;
	s8 =	simm.s32 @!p0 $0x1BF5;
	p2 =	por !p2, p0  }
0x20: {  	[sflag:s8] =	ssyncset.s32 @!p0 $0xFFFFF086;
	s6 =	sadd.s32 @!p0 s3, s7;
	s7 =	simm.s32 @!p0 $0x108  }
0x21: {  	s3 =	sadd.s32 s3, s9;
	s6 =	sadd.s32 @!p0 $0x88, s6;
	s7 =	simm.s32 @p2 $0x1082  }
0x22: {  	[simem:s7], [sflag:s8] =	dma.local @!p0 [hbm:s6], $0xF7A  }
0x23: {  	s9 =	sor.u32 $0xD0000000, s2;
	s6 =	simm.s32 $0x108;
	_ =	swait.ge @!p0 [sflag:s8], $0x0  }
0x24: {  	s3 =	sadd.s32 $0x88, s3;
	s6 =	simm.s32 @!p1 $0x1082;
	[sflag:s4] =	ssyncset.s32 $0xFFFFF086  }
0x25: {  	[simem:s6], [sflag:s4] =	dma.local [hbm:s3], $0xF7A  }
0x26: {  	[smem:$0x3F8A] =	sst s1;
	(tag) =	ssettag s2;
	_ =	strace s9  }
0x27: {  	s1 =	sld [smem:$0x3F9A]  }
0x28: {  	s2 =	sld [smem:$0x3F9B]  }
0x29: {  	s4 =	sld [smem:$0x3F9D]  }
0x2a: {  	p0 =	seq.s32 s5, $0x0;
	s5 =	sld [smem:$0x3F9E]  }
0x2b: {  	s6 =	sld [smem:$0x3F9F]  }
0x2c: {  	s7 =	sld [smem:$0x3FA0]  }
0x2d: {  	s3 =	simm.s32 $0x108;
	s8 =	sld [smem:$0x3FA1]  }
0x2e: {  	s3 =	simm.s32 @!p0 $0x1082;
	s9 =	sld [smem:$0x3FA2]  }
0x2f: {  	lr =	sadd.s32 s0, s3;
	s0 =	sld [smem:$0x3F99]  }
0x30: {  	s3 =	sld [smem:$0x3F9C]  }
0x31: {  	[smem:$0x3FA5] =	sst s10  }
0x32: {  	s10 =	sld [smem:$0x3FA3];
	_ =	sdelay $0x3  }
0x33: {  	p0 =	seq.s32 s10, $0x1;
	s10 =	sld [smem:$0x3FA5];
	_ =	sdelay $0x3  }
0x34: {  	[smem:$0x3FA5] =	sst s10  }
0x35: {  	s10 =	sld [smem:$0x3FA4];
	_ =	sdelay $0x3  }
0x36: {  	p1 =	seq.s32 s10, $0x1;
	s10 =	sld [smem:$0x3FA5];
	_ =	sdelay $0x3  }
0x37: {  	[smem:$0x3FA5] =	sst s10  }
0x38: {  	s10 =	sld [smem:$0x3FA6]  }
0x39: {  	_ = 	snop;
	(pc) =	sbr.ind lr, $3  }
0x3a: {  	_ = 	snop  }
0x3b: {  	_ = 	snop  }
0x3c: {  	p2 =	seq.s32 s10, $0x1;
	s10 =	sld [smem:$0x3FA5]  }
0x3d: {  	_ =	shalt  }
0x3e: {  	_ =	shalt  }
0x3f: {  	_ =	shalt  }
0x40: {  	_ =	shalt  }
0x41: {  	_ =	shalt  }
0x42: {  	_ =	shalt  }
0x43: {  	_ =	shalt  }
0x44: {  	_ =	shalt  }
0x45: {  	_ =	shalt  }
0x46: {  	_ =	shalt  }
0x47: {  	_ =	shalt  }
0x48: {  	_ =	shalt  }
0x49: {  	_ =	shalt  }
0x4a: {  	_ =	shalt  }
0x4b: {  	_ =	shalt  }
0x4c: {  	_ =	shalt  }
0x4d: {  	_ =	shalt  }
0x4e: {  	_ =	shalt  }
0x4f: {  	_ =	shalt  }
0x50: {  	_ =	shalt  }
0x51: {  	_ =	shalt  }
0x52: {  	_ =	shalt  }
0x53: {  	_ =	shalt  }
0x54: {  	_ =	shalt  }
0x55: {  	_ =	shalt  }
0x56: {  	_ =	shalt  }
0x57: {  	_ =	shalt  }
0x58: {  	_ =	shalt  }
0x59: {  	_ =	shalt  }
0x5a: {  	_ =	shalt  }
0x5b: {  	_ =	shalt  }
0x5c: {  	_ =	shalt  }
0x5d: {  	_ =	shalt  }
0x5e: {  	_ =	shalt  }
0x5f: {  	_ =	shalt  }
0x60: {  	_ =	shalt  }
0x61: {  	_ =	shalt  }
0x62: {  	_ =	shalt  }
0x63: {  	_ =	shalt  }
0x64: {  	_ =	shalt  }
0x65: {  	_ =	shalt  }
0x66: {  	_ =	shalt  }
0x67: {  	_ =	shalt  }
0x68: {  	_ =	shalt  }
0x69: {  	_ =	shalt  }
0x6a: {  	_ =	shalt  }
0x6b: {  	_ =	shalt  }
0x6c: {  	_ =	shalt  }
0x6d: {  	_ =	shalt  }
0x6e: {  	_ =	shalt  }
0x6f: {  	_ =	shalt  }
0x70: {  	_ =	shalt  }
0x71: {  	_ =	shalt  }
0x72: {  	_ =	shalt  }
0x73: {  	_ =	shalt  }
0x74: {  	_ =	shalt  }
0x75: {  	_ =	shalt  }
0x76: {  	_ =	shalt  }
0x77: {  	_ =	shalt  }
0x78: {  	_ =	shalt  }
0x79: {  	_ =	shalt  }
0x7a: {  	_ =	shalt  }
0x7b: {  	_ =	shalt  }
0x7c: {  	_ =	shalt  }
0x7d: {  	_ =	shalt  }
0x7e: {  	_ =	shalt  }
0x7f: {  	_ =	shalt  }
0x80: {  	_ =	shalt  }
0x81: {  	_ =	shalt  }
0x82: {  	_ =	shalt  }
0x83: {  	_ =	shalt  }
0x84: {  	_ =	shalt  }
0x85: {  	_ =	shalt  }
0x86: {  	_ =	shalt  }
0x87: {  	_ =	shalt  }
.Lfunc_end0:
.L_simem_size_0:
called_computation.3_lowered:
.L_overlay_start_0:
0x88: {  	s2 =	sld [smem:$0x3FD9]  }
0x89: {  	s3 =	sld [smem:$0x3FFE];
	_ =	sdelay $0x1  }
0x8a: {  	s1 =	srdreg.scid  }
0x8b: {  	s0 =	sand.u32 $0x1, s1  }
0x8c: {  	s16 =	sshll.u32 s0, $0xA;
	s2 =	sadd.s32 s3, s2  }
0x8d: {  	s2 =	sadd.s32 s2, s16  }
0x8e: {  	[smem:$0x3FB1] =	sst s2  }
0x8f: {  	_ = 	snop  }
0x90: {  	(tm) =	ssettm $0x1  }
0x91: {  	s17 =	sld [smem:$0x3FFB];
	_ =	sdelay $0x3  }
0x92: {  	_ =	strace s17  }
0x93: {  	s2 =	sld [smem:$0x3FFC];
	_ =	sdelay $0x3  }
0x94: {  	_ =	strace s2  }
0x95: {  	s2 =	sld [smem:$0x3FFD];
	_ =	sdelay $0x3  }
0x96: {  	_ =	strace s2  }
0x97: {  	_ =	strace $0x8FFFFFFF  }
0x98: {  	s18 =	sld [smem:$0x3FDB];
	_ =	sdelay $0x1  }
0x99: {  	s19 =	simm.s32 $_scs_section_size  }
0x9a: {  	s4 =	simm.s32 $_size__tile_overlayer_lowered;
	s5 =	simm.s32 $_tile_overlayer_lowered  }
0x9b: {  	s22 =	simm.s32 $0x1BFF;
	s21 =	sshll.u32 s5, $0x1;
	s2 =	sadd.s32 s19, s18  }
0x9c: {  	s6 =	simm.s32 $0x0;
	s20 =	sshll.u32 s4, $0x1;
	s4 =	sadd.s32 s21, s2  }
0x9d: {  	[timem:s6], [sflag:s22] =	dma.local [hbm:s4], s20  }
0x9e: {  	_ =	swait.ge [sflag:s22], s20  }
0x9f: {  	s3 =	ssub.s32 $0x0, s20;
	[sflag:s22] =	ssyncset.done $0x0  }
0xa0: {  	[sflag:s22] =	ssyncadd.s32 s3;
	_ =	sdelay $0x1  }
0xa1: {  	s23 =	simm.s32 $0x1B8B  }
0xa2: {  	_ =	swait.ge [sflag:s23], $0x1  }
0xa3: {  	[sflag:s23] =	ssyncset.done $0x0  }
0xa4: {  	s25 =	simm.s32 $0x1B8E;
	s24 =	sld [smem:$0x3FFE];
	[sflag:s23] =	ssyncadd.s32 $0xFFFFFFFF  }
0xa5: {  	s26 =	simm.s32 $execute0_lowered;
	[smem:$0x3FD2] =	sst s25  }
0xa6: {  	s4 =	sshll.u32 s26, $0x1;
	_ =	strace $0x8000004F;
	[dreg:$0x1] =	wrdreg $0xFFFFFFFF  }
0xa7: {  	s28 =	simm.s32 $_size_execute0_lowered;
	s2 =	sadd.s32 s2, s4;
	[dreg:$0x0] =	wrdreg $0x0  }
0xa8: {  	s4 =	sshll.u32 s28, $0x1;
	[dreg:$0x2] =	wrdreg s2  }
0xa9: {  	[dreg:$0x3] =	wrdreg s4  }
0xaa: {  	[dreg:$0x4] =	wrdreg $0xC0  }
0xab: {  	_ =	task [dreg:s6], $0x5FFFF  }
0xac: {  	[dreg:$0x1] =	wrdreg $0xFFFFFFFF  }
0xad: {  	[dreg:$0x0] =	wrdreg $0x60  }
0xae: {  	[dreg:$0x2] =	wrdreg s24  }
0xaf: {  	[dreg:$0x3] =	wrdreg $0xA8000  }
0xb0: {  	[dreg:$0x4] =	wrdreg $0x9  }
0xb1: {  	_ =	task.clear_ibuf [dreg:s6], $0x5FFFF;
	_ =	strace $0x9000004F  }
0xb2: {  	s29 =	simm.s32 $0x9;
	_ =	strace $0x80000051  }
0xb3: {  	_ =	swait.ge [sflag:s29], $0x1  }
0xb4: {  	[sflag:s29] =	ssyncadd.s32 $0xFFFFFFFF  }
0xb5: {  	_ =	strace $0x90000051  }
0xb6: {  	_ =	sfence  }
0xb7: {  	s30 =	sld [smem:$0x0];
	_ =	sdelay $0x2  }
0xb8: {  	s31 =	sshll.u32 s1, $0xD;
	s1 =	sshrl.u32 s1, $0x2  }
0xb9: {  	s3 =	sand.u32 $0x4000, s31;
	s1 =	sadd.s32 s1, s30  }
0xba: {  	s0 =	sor.u32 s3, s0;
	s1 =	sshll.u32 s1, $0x11  }
0xbb: {  	s0 =	sor.u32 s1, s0  }
0xbc: {  	s0 =	sadd.s32 $0x8F2B, s0  }
0xbd: {  	[sflag:s0] =	ssyncadd.remote.s32 $0x1  }
0xbe: {  	_ =	sfence.sel $0xFFFF  }
0xbf: {  	[dreg:$0x0] =	wrdreg $0xFFFFFFFF;
	(pc) =	sbr.abs _section_cstart, $3  }
0xc0: {  	[dreg:$0x1] =	wrdreg $0xFFFFFFFF  }
0xc1: {  	_ =	task.clear_ibuf [dreg:s6], $0x2FFFF;
	_ =	strace $0x9FFFFFFF  }
0xc2: {  	(tm) =	ssettm $0x7FFFFFFF  }
0xc3: {  	_ =	shalt  }
tec
execute0_lowered:
.L_overlay_start_1:
0x0: {  	(tag) =	ssettag $0x1  }
0x1: {  	s6 =	rddreg [dreg:$0x0]  }
0x2: {  	s1 =	rddreg [dreg:$0x1]  }
0x3: {  	s0 =	rddreg [dreg:$0x2]  }
0x4: {  	s2 =	simm.s32 $0x0;
	s5 =	srdreg.scid;
	s3 =	stileid.u32  }
0x5: {  	s15 =	simm.s32 $0x1400;
	s16 =	simm.s32 $0x80;
	s17 =	simm.s32 $0x2800  }
0x6: {  	s18 =	simm.s32 $0x6800;
	s19 =	simm.s32 $0x1;
	s20 =	simm.s32 $0x2  }
0x7: {  	s21 =	simm.s32 $0x1380;
	s22 =	simm.s32 $0x2700;
	[smem:$0x7FF] =	sst s2  }
0x8: {  	s4 =	sadd.s32 $0x11E00, s6;
	s9 =	sadd.s32 $0x61600, s6;
	s7 =	smul.u32 $0x2780, s3  }
0x9: {  	s5 =	sand.u32 $0x1, s5;
	s10 =	sadd.s32 $0x5600, s6;
	s24 =	smul.u32 $0x4F000, s3  }
0xa: {  	s28 =	sshll.u32 s3, $0x6;
	_ =	strace $0x80000050;
	s8 =	smul.u32 $0x27800, s5  }
0xb: {  	s11 =	sshll.u32 s5, $0x4;
	s12 =	ssub.s32 $0x2, s5;
	s5 =	sadd.s32 $0xF600, s6  }
0xc: {  	s23 =	sor.u32 s3, s11;
	s25 =	sshrl.u32 s12, $0x1;
	s26 =	sshrl.u32 s24, $0x2  }
0xd: {  	s24 =	simm.s32 $0x0;
	s7 =	sadd.s32 s7, s8;
	s13 =	smul.u32 $0x2800, s23  }
0xe: {  	s12 =	ssub.s32 s12, s25;
	s30 =	sadd.s32 s26, s1;
	s23 =	simm.s32 $0x2780  }
0xf: {  	s14 =	sadd.s32 s7, s6;
	s6 =	sor.u32 $0x1C03, s28;
	s12 =	smax.u32 s12, $0x1  }
0x10: {  	s29 =	sshrl.u32 s13, $0x3;
	s11 =	sadd.s32 $0x6B600, s14;
	s13 =	sshrl.u32 s30, $0x3  }
0x11: {  	s14 =	simm.s32 $0x3;
	s31 =	sadd.s32 $0x280, s29;
	s7 =	sadd.s32 s9, s29  }
0x12: {  	s8 =	sadd.s32 s10, s29;
	s9 =	sadd.s32 s9, s31;
	s10 =	sadd.s32 s10, s31  }
.LBB2_1:
0x13: {  	[spmem:s13], [sflag:s6] =	dma.local [hbm:s5], $0x2780  }
0x14: {  	_ =	swait.ge [sflag:s14], $0x2780  }
0x15: {  	[sflag:s14] =	ssyncset.done $0x0  }
0x16: {  	[sflag:s14] =	ssyncadd.s32 $0xFFFFD880  }
0x17: {  	[bflag:$0x0] =	sbarrier.arrive $0xFFFF  }
0x18: {  	[tilespmem:s2], [sflag:$0x3] =	stream.linear.gather [hbm4b:s7+s2], $0x1400, $0x38;
	[tilespmem:$0x1E400] =	vst v63  }
0x19: {  	_ =	swait.ge [sflag:s14], $0x1400  }
0x1a: {  	[sflag:s14] =	ssyncset.done $0x0  }
0x1b: {  	[sflag:s14] =	ssyncadd.s32 $0xFFFFEC00  }
0x1c: {  	[tilespmem:s15], [sflag:$0x3] =	stream.linear.gather [hbm4b:s8+s2], $0x1400, $0x38;
	[tilespmem:$0x1E400] =	vst v63  }
0x1d: {  	_ =	swait.ge [sflag:s14], $0x1400  }
0x1e: {  	[sflag:s14] =	ssyncset.done $0x0  }
0x1f: {  	[sflag:s14] =	ssyncadd.s32 $0xFFFFEC00  }
0x20: {  	[tilespmem:s17], [sflag:$0x1] =	stream.indirect.gather [hbm4b:s4+s16], $0x80, s2, s16, $0xb8;
	[tilespmem:$0x1E400] =	vst v63  }
0x21: {  	s25 =	simm.s32 $0x80  }
0x22: {  	[tilespmem:s18], [sflag:$0x2] =	stream.indirect.gather [hbm4b:s4+s16], $0x80, s25, s16, $0xb8;
	[tilespmem:$0x1E400] =	vst v63  }
0x23: {  	_ =	swait.ge [sflag:s19], $0x4000  }
0x24: {  	[sflag:s19] =	ssyncset.done $0x0  }
0x25: {  	s29 =	simm.s32 $0x1400;
	[sflag:s19] =	ssyncadd.s32 $0xFFFFC000  }
0x26: {  	[spmem:s1] =	stream.indirect.scatter.add.f32 [tilespmem:s17], [sflag:$0x3], $0x80, s29, s16, $0xb8;
	[tilespmem:$0x1E400] =	vst v63  }
0x27: {  	_ =	swait.ge [sflag:s14], $0x4000  }
0x28: {  	[sflag:s14] =	ssyncset.done $0x0  }
0x29: {  	s30 =	simm.s32 $0x100;
	[sflag:s14] =	ssyncadd.s32 $0xFFFFC000  }
0x2a: {  	[tilespmem:s17], [sflag:$0x1] =	stream.indirect.gather [hbm4b:s4+s16], $0x80, s30, s16, $0xb8;
	[tilespmem:$0x1E400] =	vst v63  }
0x2b: {  	_ =	swait.ge [sflag:s20], $0x4000  }
0x2c: {  	[sflag:s20] =	ssyncset.done $0x0  }
0x2d: {  	s31 =	simm.s32 $0x1480;
	[sflag:s20] =	ssyncadd.s32 $0xFFFFC000  }
0x2e: {  	[spmem:s1] =	stream.indirect.scatter.add.f32 [tilespmem:s18], [sflag:$0x3], $0x80, s31, s16, $0xb8;
	[tilespmem:$0x1E400] =	vst v63  }
0x2f: {  	_ =	swait.ge [sflag:s14], $0x4000  }
0x30: {  	s26 =	simm.s32 $0x800;
	s25 =	simm.s32 $0x100;
	[sflag:s14] =	ssyncset.done $0x0  }
.LBB2_2:
0x31: {  	s28 =	sadd.s32 $0x80, s25  }
0x32: {  	[sflag:s14] =	ssyncadd.s32 $0xFFFFC000;
	s29 =	smov.u32 s26;
	s30 =	sadd.s32 $0x400, s26  }
0x33: {  	[tilespmem:s18], [sflag:$0x2] =	stream.indirect.gather [hbm4b:s4+s16], $0x80, s28, s16, $0xb8;
	[tilespmem:$0x1E400] =	vst v63  }
0x34: {  	p0 =	sne.s32 s26, $0x4800;
	_ =	swait.ge [sflag:s19], $0x4000  }
0x35: {  	[sflag:s19] =	ssyncset.done $0x0  }
0x36: {  	s26 =	sadd.s32 $0x1400, s25;
	[sflag:s19] =	ssyncadd.s32 $0xFFFFC000  }
0x37: {  	[spmem:s1] =	stream.indirect.scatter.add.f32 [tilespmem:s17], [sflag:$0x3], $0x80, s26, s16, $0xb8;
	[tilespmem:$0x1E400] =	vst v63  }
0x38: {  	_ =	swait.ge [sflag:s14], $0x4000  }
0x39: {  	[sflag:s14] =	ssyncset.done $0x0  }
0x3a: {  	s26 =	sadd.s32 $0x100, s25;
	[sflag:s14] =	ssyncadd.s32 $0xFFFFC000  }
0x3b: {  	[tilespmem:s17], [sflag:$0x1] =	stream.indirect.gather [hbm4b:s4+s16], $0x80, s26, s16, $0xb8;
	[tilespmem:$0x1E400] =	vst v63  }
0x3c: {  	_ =	swait.ge [sflag:s20], $0x4000  }
.Ltmp0:
0x3d: {  	[sflag:s20] =	ssyncset.done $0x0;
	(pc) =	sbr.rel @p0 .LBB2_2-.Ltmp0, $4  }
0x3e: {  	s25 =	sadd.s32 $0x1480, s25;
	[sflag:s20] =	ssyncadd.s32 $0xFFFFC000  }
0x3f: {  	[spmem:s1] =	stream.indirect.scatter.add.f32 [tilespmem:s18], [sflag:$0x3], $0x80, s25, s16, $0xb8;
	[tilespmem:$0x1E400] =	vst v63  }
0x40: {  	_ =	swait.ge [sflag:s14], $0x4000  }
0x41: {  	s26 =	smov.u32 s30;
	s25 =	sshra.s32 s29, $0x2;
	[sflag:s14] =	ssyncset.done $0x0  }
0x42: {  	s26 =	sadd.s32 $0x80, s25;
	[sflag:s14] =	ssyncadd.s32 $0xFFFFC000  }
0x43: {  	[tilespmem:s18], [sflag:$0x2] =	stream.indirect.gather [hbm4b:s4+s16], $0x80, s26, s16, $0xb8;
	[tilespmem:$0x1E400] =	vst v63  }
0x44: {  	_ =	swait.ge [sflag:s19], $0x4000  }
0x45: {  	[sflag:s19] =	ssyncset.done $0x0  }
0x46: {  	s29 =	sadd.s32 $0x1400, s25;
	[sflag:s19] =	ssyncadd.s32 $0xFFFFC000  }
0x47: {  	[spmem:s1] =	stream.indirect.scatter.add.f32 [tilespmem:s17], [sflag:$0x3], $0x80, s29, s16, $0xb8;
	[tilespmem:$0x1E400] =	vst v63  }
0x48: {  	_ =	swait.ge [sflag:s14], $0x4000  }
0x49: {  	[sflag:s14] =	ssyncset.done $0x0  }
0x4a: {  	s30 =	sadd.s32 $0x100, s25;
	[sflag:s14] =	ssyncadd.s32 $0xFFFFC000  }
0x4b: {  	[tilespmem:s17], [sflag:$0x1] =	stream.indirect.gather [hbm4b:s4+s16], $0x80, s30, s16, $0xb8;
	[tilespmem:$0x1E400] =	vst v63  }
0x4c: {  	_ =	swait.ge [sflag:s20], $0x4000  }
0x4d: {  	[sflag:s20] =	ssyncset.done $0x0  }
0x4e: {  	s31 =	sadd.s32 $0x1480, s25;
	[sflag:s20] =	ssyncadd.s32 $0xFFFFC000  }
0x4f: {  	[spmem:s1] =	stream.indirect.scatter.add.f32 [tilespmem:s18], [sflag:$0x3], $0x80, s31, s16, $0xb8;
	[tilespmem:$0x1E400] =	vst v63  }
0x50: {  	_ =	swait.ge [sflag:s14], $0x4000  }
0x51: {  	[sflag:s14] =	ssyncset.done $0x0  }
0x52: {  	[sflag:s14] =	ssyncadd.s32 $0xFFFFC000  }
0x53: {  	[tilespmem:s18], [sflag:$0x2] =	stream.indirect.gather [hbm4b:s4+s16], $0x80, s21, s16, $0xb8;
	[tilespmem:$0x1E400] =	vst v63  }
0x54: {  	_ =	swait.ge [sflag:s19], $0x4000  }
0x55: {  	[sflag:s19] =	ssyncset.done $0x0  }
0x56: {  	[sflag:s19] =	ssyncadd.s32 $0xFFFFC000  }
0x57: {  	[spmem:s1] =	stream.indirect.scatter.add.f32 [tilespmem:s17], [sflag:$0x3], $0x80, s22, s16, $0xb8;
	[tilespmem:$0x1E400] =	vst v63  }
0x58: {  	_ =	swait.ge [sflag:s14], $0x4000  }
0x59: {  	[sflag:s14] =	ssyncset.done $0x0  }
0x5a: {  	[sflag:s14] =	ssyncadd.s32 $0xFFFFC000  }
0x5b: {  	_ =	swait.ge [sflag:s20], $0x4000  }
0x5c: {  	[sflag:s20] =	ssyncset.done $0x0  }
0x5d: {  	[sflag:s20] =	ssyncadd.s32 $0xFFFFC000  }
0x5e: {  	[spmem:s1] =	stream.indirect.scatter.add.f32 [tilespmem:s18], [sflag:$0x3], $0x80, s23, s16, $0xb8;
	[tilespmem:$0x1E400] =	vst v63  }
0x5f: {  	_ =	swait.ge [sflag:s14], $0x4000  }
0x60: {  	[sflag:s14] =	ssyncset.done $0x0  }
0x61: {  	s26 =	simm.s32 $0x0;
	[sflag:s14] =	ssyncadd.s32 $0xFFFFC000  }
0x62: {  	[tilespmem:s26], [sflag:$0x3] =	stream.linear.gather [hbm4b:s9+s26], $0x1400, $0x38;
	[tilespmem:$0x1E400] =	vst v63  }
0x63: {  	_ =	swait.ge [sflag:s14], $0x1400  }
0x64: {  	[sflag:s14] =	ssyncset.done $0x0  }
0x65: {  	[sflag:s14] =	ssyncadd.s32 $0xFFFFEC00  }
0x66: {  	[tilespmem:s15], [sflag:$0x3] =	stream.linear.gather [hbm4b:s10+s26], $0x1400, $0x38;
	[tilespmem:$0x1E400] =	vst v63  }
0x67: {  	_ =	swait.ge [sflag:s14], $0x1400  }
0x68: {  	[sflag:s14] =	ssyncset.done $0x0  }
0x69: {  	[sflag:s14] =	ssyncadd.s32 $0xFFFFEC00  }
0x6a: {  	[tilespmem:s17], [sflag:$0x1] =	stream.indirect.gather [hbm4b:s4+s16], $0x80, s26, s16, $0xb8;
	[tilespmem:$0x1E400] =	vst v63  }
0x6b: {  	s28 =	simm.s32 $0x80  }
0x6c: {  	[tilespmem:s18], [sflag:$0x2] =	stream.indirect.gather [hbm4b:s4+s16], $0x80, s28, s16, $0xb8;
	[tilespmem:$0x1E400] =	vst v63  }
0x6d: {  	_ =	swait.ge [sflag:s19], $0x4000  }
0x6e: {  	[sflag:s19] =	ssyncset.done $0x0  }
0x6f: {  	s29 =	simm.s32 $0x1400;
	[sflag:s19] =	ssyncadd.s32 $0xFFFFC000  }
0x70: {  	[spmem:s1] =	stream.indirect.scatter.add.f32 [tilespmem:s17], [sflag:$0x3], $0x80, s29, s16, $0xb8;
	[tilespmem:$0x1E400] =	vst v63  }
0x71: {  	_ =	swait.ge [sflag:s14], $0x4000  }
0x72: {  	[sflag:s14] =	ssyncset.done $0x0  }
0x73: {  	s30 =	simm.s32 $0x100;
	[sflag:s14] =	ssyncadd.s32 $0xFFFFC000  }
0x74: {  	[tilespmem:s17], [sflag:$0x1] =	stream.indirect.gather [hbm4b:s4+s16], $0x80, s30, s16, $0xb8;
	[tilespmem:$0x1E400] =	vst v63  }
0x75: {  	_ =	swait.ge [sflag:s20], $0x4000  }
0x76: {  	[sflag:s20] =	ssyncset.done $0x0  }
0x77: {  	s31 =	simm.s32 $0x1480;
	[sflag:s20] =	ssyncadd.s32 $0xFFFFC000  }
0x78: {  	[spmem:s1] =	stream.indirect.scatter.add.f32 [tilespmem:s18], [sflag:$0x3], $0x80, s31, s16, $0xb8;
	[tilespmem:$0x1E400] =	vst v63  }
0x79: {  	_ =	swait.ge [sflag:s14], $0x4000  }
0x7a: {  	s25 =	simm.s32 $0x100;
	s26 =	simm.s32 $0x800;
	[sflag:s14] =	ssyncset.done $0x0  }
.LBB2_4:
0x7b: {  	s28 =	sadd.s32 $0x80, s25  }
0x7c: {  	[sflag:s14] =	ssyncadd.s32 $0xFFFFC000;
	s29 =	smov.u32 s26;
	s30 =	sadd.s32 $0x400, s26  }
0x7d: {  	[tilespmem:s18], [sflag:$0x2] =	stream.indirect.gather [hbm4b:s4+s16], $0x80, s28, s16, $0xb8;
	[tilespmem:$0x1E400] =	vst v63  }
0x7e: {  	p0 =	sne.s32 s26, $0x4800;
	_ =	swait.ge [sflag:s19], $0x4000  }
0x7f: {  	[sflag:s19] =	ssyncset.done $0x0  }
0x80: {  	s26 =	sadd.s32 $0x1400, s25;
	[sflag:s19] =	ssyncadd.s32 $0xFFFFC000  }
0x81: {  	[spmem:s1] =	stream.indirect.scatter.add.f32 [tilespmem:s17], [sflag:$0x3], $0x80, s26, s16, $0xb8;
	[tilespmem:$0x1E400] =	vst v63  }
0x82: {  	_ =	swait.ge [sflag:s14], $0x4000  }
0x83: {  	[sflag:s14] =	ssyncset.done $0x0  }
0x84: {  	s26 =	sadd.s32 $0x100, s25;
	[sflag:s14] =	ssyncadd.s32 $0xFFFFC000  }
0x85: {  	[tilespmem:s17], [sflag:$0x1] =	stream.indirect.gather [hbm4b:s4+s16], $0x80, s26, s16, $0xb8;
	[tilespmem:$0x1E400] =	vst v63  }
0x86: {  	_ =	swait.ge [sflag:s20], $0x4000  }
.Ltmp1:
0x87: {  	[sflag:s20] =	ssyncset.done $0x0;
	(pc) =	sbr.rel @p0 .LBB2_4-.Ltmp1, $4  }
0x88: {  	s25 =	sadd.s32 $0x1480, s25;
	[sflag:s20] =	ssyncadd.s32 $0xFFFFC000  }
0x89: {  	[spmem:s1] =	stream.indirect.scatter.add.f32 [tilespmem:s18], [sflag:$0x3], $0x80, s25, s16, $0xb8;
	[tilespmem:$0x1E400] =	vst v63  }
0x8a: {  	_ =	swait.ge [sflag:s14], $0x4000  }
0x8b: {  	s26 =	smov.u32 s30;
	s25 =	sshra.s32 s29, $0x2;
	[sflag:s14] =	ssyncset.done $0x0  }
0x8c: {  	s26 =	sadd.s32 $0x80, s25;
	[sflag:s14] =	ssyncadd.s32 $0xFFFFC000  }
0x8d: {  	[tilespmem:s18], [sflag:$0x2] =	stream.indirect.gather [hbm4b:s4+s16], $0x80, s26, s16, $0xb8;
	[tilespmem:$0x1E400] =	vst v63  }
0x8e: {  	_ =	swait.ge [sflag:s19], $0x4000  }
0x8f: {  	[sflag:s19] =	ssyncset.done $0x0  }
0x90: {  	s29 =	sadd.s32 $0x1400, s25;
	[sflag:s19] =	ssyncadd.s32 $0xFFFFC000  }
0x91: {  	[spmem:s1] =	stream.indirect.scatter.add.f32 [tilespmem:s17], [sflag:$0x3], $0x80, s29, s16, $0xb8;
	[tilespmem:$0x1E400] =	vst v63  }
0x92: {  	_ =	swait.ge [sflag:s14], $0x4000  }
0x93: {  	[sflag:s14] =	ssyncset.done $0x0  }
0x94: {  	s30 =	sadd.s32 $0x100, s25;
	[sflag:s14] =	ssyncadd.s32 $0xFFFFC000  }
0x95: {  	[tilespmem:s17], [sflag:$0x1] =	stream.indirect.gather [hbm4b:s4+s16], $0x80, s30, s16, $0xb8;
	[tilespmem:$0x1E400] =	vst v63  }
0x96: {  	_ =	swait.ge [sflag:s20], $0x4000  }
0x97: {  	[sflag:s20] =	ssyncset.done $0x0  }
0x98: {  	s31 =	sadd.s32 $0x1480, s25;
	[sflag:s20] =	ssyncadd.s32 $0xFFFFC000  }
0x99: {  	[spmem:s1] =	stream.indirect.scatter.add.f32 [tilespmem:s18], [sflag:$0x3], $0x80, s31, s16, $0xb8;
	[tilespmem:$0x1E400] =	vst v63  }
0x9a: {  	_ =	swait.ge [sflag:s14], $0x4000  }
0x9b: {  	[sflag:s14] =	ssyncset.done $0x0  }
0x9c: {  	[sflag:s14] =	ssyncadd.s32 $0xFFFFC000  }
0x9d: {  	[tilespmem:s18], [sflag:$0x2] =	stream.indirect.gather [hbm4b:s4+s16], $0x80, s21, s16, $0xb8;
	[tilespmem:$0x1E400] =	vst v63  }
0x9e: {  	_ =	swait.ge [sflag:s19], $0x4000  }
0x9f: {  	[sflag:s19] =	ssyncset.done $0x0  }
0xa0: {  	[sflag:s19] =	ssyncadd.s32 $0xFFFFC000  }
0xa1: {  	[spmem:s1] =	stream.indirect.scatter.add.f32 [tilespmem:s17], [sflag:$0x3], $0x80, s22, s16, $0xb8;
	[tilespmem:$0x1E400] =	vst v63  }
0xa2: {  	_ =	swait.ge [sflag:s14], $0x4000  }
0xa3: {  	[sflag:s14] =	ssyncset.done $0x0  }
0xa4: {  	[sflag:s14] =	ssyncadd.s32 $0xFFFFC000  }
0xa5: {  	_ =	swait.ge [sflag:s20], $0x4000  }
0xa6: {  	[sflag:s20] =	ssyncset.done $0x0  }
0xa7: {  	[sflag:s20] =	ssyncadd.s32 $0xFFFFC000  }
0xa8: {  	[spmem:s1] =	stream.indirect.scatter.add.f32 [tilespmem:s18], [sflag:$0x3], $0x80, s23, s16, $0xb8;
	[tilespmem:$0x1E400] =	vst v63  }
0xa9: {  	_ =	swait.ge [sflag:s14], $0x4000  }
0xaa: {  	s24 =	sadd.s32 $0x1, s24;
	[sflag:s14] =	ssyncset.done $0x0  }
0xab: {  	p0 =	sne.s32 s24, s12;
	[sflag:s14] =	ssyncadd.s32 $0xFFFFC000  }
.Ltmp2:
0xac: {  	[bflag:$0x0] =	sbarrier.arrive $0xFFFF;
	(pc) =	sbr.rel @p0 .LBB2_1-.Ltmp2, $4  }
0xad: {  	[hbm:s11], [sflag:s6] =	dma.local [spmem:s13], $0x2780  }
0xae: {  	_ =	swait.ge [sflag:s14], $0x2780  }
0xaf: {  	[sflag:s14] =	ssyncset.done $0x0  }
0xb0: {  	[sflag:s14] =	ssyncadd.s32 $0xFFFFD880  }
0xb1: {  	_ =	sfence.sel $0x180000  }
0xb2: {  	[bflag:$0x0] =	sbarrier.arrive $0xFFFF  }
0xb3: {  	p0 =	sne.s32 s3, $0x0;
	_ =	strace $0x90000050  }
0xb4: {  	s0 =	sadd.s32 @!p0 $0x100000, s0;
	[bflag:$0x2] =	sbarrier.arrive $0xFFFF  }
0xb5: {  	[sflag:s0] =	ssyncadd.tile.s32 @!p0 $0x1;
	_ =	shalt  }
.Lfunc_end2:
_tile_overlayer_lowered:
.L_overlay_start_2:
0xb6: {  	(tag) =	ssettag $0x2  }
0xb7: {  	s0 =	rddreg [dreg:$0x0];
	s2 =	stileid.u32  }
0xb8: {  	s1 =	rddreg [dreg:$0x1];
	p0 =	sne.s32 s2, $0x0  }
0xb9: {  	s3 =	rddreg [dreg:$0x2];
	[bflag:$0x3] =	sbarrier.arrive $0xFFFF;
	s2 =	simm.s32 @!p0 $0x1C03  }
0xba: {  	[timem:s3], [sflag:s2] =	dma.local @!p0 [hbm:s0], s1  }
0xbb: {  	s0 =	simm.s32 @!p0 $0x3  }
0xbc: {  	_ =	swait.ge @!p0 [sflag:s0], s1  }
0xbd: {  	s1 =	ssub.s32 @!p0 $0x0, s1;
	[sflag:s0] =	ssyncset.done @!p0 $0x0  }
0xbe: {  	[sflag:s0] =	ssyncadd.s32 @!p0 s1  }
0xbf: {  	[bflag:$0x3] =	sbarrier.arrive $0xFFFF  }
0xc0: {  	_ =	shalt  }

</sc_bundles>
